<compile_context>
chip_gen: v7x
topology: tpu7x:2x2x1
jax: 0.10.2.dev20260603
libtpu: 0.0.44.dev20260713+nightly
codegen_flags: <defaults>
</compile_context>

<pallas_src>
import functools

import jax
import jax.numpy as jnp
from jax import lax
from jax.experimental import pallas as pl
from jax.experimental.pallas import tpu as pltpu
from jax.experimental.pallas import tpu_sc as plsc

ROWS = 16384
COLS = 20
NC = 2
NS = 16
NW = NC * NS
RPW = ROWS // NW
CHUNK = RPW * COLS

COMBOS = ((1, 2), (3, 11), (17, 18))
MUTABLE = (1, 2, 3, 4, 5, 11, 17, 18)

_mesh = plsc.VectorSubcoreMesh(core_axis_name="c", subcore_axis_name="s")


@functools.partial(
    pl.kernel,
    mesh=_mesh,
    out_type=jax.ShapeDtypeStruct((COLS, ROWS), jnp.float32),
    scratch_types=[
        pltpu.VMEM((CHUNK,), jnp.float32),
        pltpu.VMEM((3 * RPW,), jnp.float32),
        pltpu.SemaphoreType.DMA,
    ],
)
def _safety_sc(logits_hbm, state_hbm, out_hbm, buf, sbuf, sem):
    wid = lax.axis_index("s") * NC + lax.axis_index("c")
    base = wid * RPW

    cps = [
        pltpu.async_copy(
            logits_hbm.at[c, pl.ds(base, RPW)],
            buf.at[pl.ds(c * RPW, RPW)],
            sem,
        )
        for c in range(COLS)
    ] + [
        pltpu.async_copy(
            state_hbm.at[r, pl.ds(base, RPW)],
            sbuf.at[pl.ds(i * RPW, RPW)],
            sem,
        )
        for i, r in enumerate((1, 3, 5))
    ]
    for cp in cps:
        cp.wait()

    def group(off):
        v = [buf[pl.ds(c * RPW + off, 16)] for c in range(COLS)]
        e = [jnp.exp(v[c]) for c in range(COLS)]
        acc = list(e)
        while len(acc) > 1:
            acc = [a + b for a, b in zip(acc[::2], acc[1::2])] + (
                [acc[-1]] if len(acc) % 2 else []
            )
        s = acc[0]
        thr = (0.05 * s) * s

        def w(mask, val):
            return jnp.where(mask, jnp.float32(val), jnp.float32(0.0))

        adj = {}
        for a, b in COMBOS:
            risk = w(e[a] * e[b] > thr, -1.5)
            adj[a] = risk
            adj[b] = risk

        hr = sbuf[pl.ds(off, 16)]
        bp = sbuf[pl.ds(RPW + off, 16)]
        o2 = sbuf[pl.ds(2 * RPW + off, 16)]
        adj[2] = adj[2] + w(bp < 85.0, -5.0)
        adj[1] = adj[1] + w(bp < 85.0, 0.5) + w(bp > 160.0, -3.0)
        adj[4] = w(hr > 130.0, 0.3)
        adj[5] = w(o2 < 90.0, 0.5)

        for c, a in adj.items():
            buf[pl.ds(c * RPW + off, 16)] = v[c] + a

    unchanged = [c for c in range(COLS) if c not in MUTABLE]
    ops = [
        pltpu.async_copy(
            buf.at[pl.ds(c * RPW, RPW)],
            out_hbm.at[c, pl.ds(base, RPW)],
            sem,
        )
        for c in unchanged
    ]

    @plsc.parallel_loop(0, RPW, step=16, unroll=2)
    def _loop(off):
        group(off)

    ops += [
        pltpu.async_copy(
            buf.at[pl.ds(c * RPW, RPW)],
            out_hbm.at[c, pl.ds(base, RPW)],
            sem,
        )
        for c in MUTABLE
    ]
    for cp in ops:
        cp.wait()


def kernel(logits, latest_state):
    lt = logits.T
    sv = latest_state.T
    out = _safety_sc(lt, sv)
    return out.T

# --- scband reference (transcript-rebuilt; emitter-appended) ---
"""Pipeline reference for scband-safety-layer-47399259079459 (READ-ONLY COPY).

The authoritative reference and input builder live on the scoring server;
editing this copy changes nothing except your own understanding.
"""

import jax, jax.numpy as jnp
import numpy as np

DANGEROUS_COMBINATIONS = [[1, 2], [3, 11], [17, 18]]


def setup_inputs(seed: int = 0) -> dict:
    key = jax.random.key(seed)
    k1, k2 = jax.random.split(key)
    logits = jax.random.normal(k1, (16384, 20), dtype=jnp.float32)
    latest_state = jax.random.normal(k2, (16384, 8), dtype=jnp.float32)
    return {"logits": logits, "latest_state": latest_state}


def reference(logits, latest_state):
    # constrained_logits = logits.clone()
    constrained = logits
    action_probs = jax.nn.softmax(logits, axis=-1)
    # dangerous combination penalties
    for combo in DANGEROUS_COMBINATIONS:
        combo_prob = jnp.prod(action_probs[:, jnp.array(combo)], axis=1)
        high_risk_mask = combo_prob > 0.05
        for action_idx in combo:
            constrained = constrained.at[:, action_idx].add(
                jnp.where(high_risk_mask, -1.5, 0.0)
            )
    # vital-sign based constraints (latest_state is not None in this setup)
    bp_systolic = latest_state[:, 3]
    low_bp_mask = bp_systolic < 85
    constrained = constrained.at[:, 2].add(jnp.where(low_bp_mask, -5.0, 0.0))
    constrained = constrained.at[:, 1].add(jnp.where(low_bp_mask, 0.5, 0.0))
    high_bp_mask = bp_systolic > 160
    constrained = constrained.at[:, 1].add(jnp.where(high_bp_mask, -3.0, 0.0))
    heart_rate = latest_state[:, 1]
    high_hr_mask = heart_rate > 130
    constrained = constrained.at[:, 4].add(jnp.where(high_hr_mask, 0.3, 0.0))
    spo2 = latest_state[:, 5]
    low_o2_mask = spo2 < 90
    constrained = constrained.at[:, 5].add(jnp.where(low_o2_mask, 0.5, 0.0))
    return constrained

if __name__ == "__main__":
    import jax
    _d = setup_inputs()
    print(jax.jit(kernel)(*tuple(_d.values())))

</pallas_src>

<mosaic_0001>
#map = affine_map<(d0, d1) -> (0, 0)>
module attributes {stable_mosaic.version = 14 : i64} {
  func.func @_safety_sc(%arg0: i32, %arg1: i32, %arg2: memref<20x16384xf32, #tpu.memory_space<hbm>>, %arg3: memref<8x16384xf32, #tpu.memory_space<hbm>>, %arg4: memref<20x16384xf32, #tpu.memory_space<hbm>>, %arg5: memref<10240xf32, #tpu.memory_space<vmem>>, %arg6: memref<1536xf32, #tpu.memory_space<vmem>>, %arg7: memref<!tpu.dma_semaphore, #tpu.memory_space<semaphore_mem>>) attributes {dimension_semantics = [#tpu.dimension_semantics<core_parallel>, #tpu.dimension_semantics<subcore_parallel>], iteration_bounds = array<i64: 2, 16>, scalar_prefetch = 0 : i64, scratch_operands = 3 : i64, tpu.core_type = #tpu.core_type<sc_vector_subcore>, window_params = [{transform_indices = #map}, {transform_indices = #map}, {transform_indices = #map}]} {
    %mul3A = arith.constant 2 : i32
    %mul3A_0 = arith.muli %arg1, %mul3A : i32
    %add3A = arith.addi %mul3A_0, %arg0 : i32
    %mul3A_1 = arith.constant 512 : i32
    %mul3A_2 = arith.muli %add3A, %mul3A_1 : i32
    %dma_start3A = arith.constant 0 : i32
    %dma_start3A_3 = arith.constant 0 : i32
    %dma_start3A_4 = tpu.memref_slice %arg5[%dma_start3A_3] : memref<10240xf32, #tpu.memory_space<vmem>> -> memref<512xf32, #tpu.memory_space<vmem>>
    %dma_start3A_5 = tpu.memref_slice %arg2[%dma_start3A, %mul3A_2] : memref<20x16384xf32, #tpu.memory_space<hbm>> -> memref<1x512xf32, #tpu.memory_space<hbm>>
    %dma_start3A_6 = tpu.memref_squeeze %dma_start3A_5 : memref<1x512xf32, #tpu.memory_space<hbm>> -> memref<512xf32, #tpu.memory_space<hbm>>
    %dma_start3A_7 = arith.constant 0 : i32
    %dma_start3A_8 = tpu.memref_slice %arg5[%dma_start3A_7] : memref<10240xf32, #tpu.memory_space<vmem>> -> memref<512xf32, #tpu.memory_space<vmem>>
    %dma_start3A_9 = tpu.memref_slice %arg2[%dma_start3A, %mul3A_2] : memref<20x16384xf32, #tpu.memory_space<hbm>> -> memref<1x512xf32, #tpu.memory_space<hbm>>
    %dma_start3A_10 = tpu.memref_squeeze %dma_start3A_9 : memref<1x512xf32, #tpu.memory_space<hbm>> -> memref<512xf32, #tpu.memory_space<hbm>>
    tpu.enqueue_dma source(%dma_start3A_10 : memref<512xf32, #tpu.memory_space<hbm>>) target(%dma_start3A_8 : memref<512xf32, #tpu.memory_space<vmem>>) target_semaphore(%arg7 : memref<!tpu.dma_semaphore, #tpu.memory_space<semaphore_mem>>)
    %dma_start3A_11 = arith.constant 1 : i32
    %dma_start3A_12 = arith.constant 512 : i32
    %dma_start3A_13 = tpu.memref_slice %arg5[%dma_start3A_12] : memref<10240xf32, #tpu.memory_space<vmem>> -> memref<512xf32, #tpu.memory_space<vmem>>
    %dma_start3A_14 = tpu.memref_slice %arg2[%dma_start3A_11, %mul3A_2] : memref<20x16384xf32, #tpu.memory_space<hbm>> -> memref<1x512xf32, #tpu.memory_space<hbm>>
    %dma_start3A_15 = tpu.memref_squeeze %dma_start3A_14 : memref<1x512xf32, #tpu.memory_space<hbm>> -> memref<512xf32, #tpu.memory_space<hbm>>
    %dma_start3A_16 = arith.constant 512 : i32
    %dma_start3A_17 = tpu.memref_slice %arg5[%dma_start3A_16] : memref<10240xf32, #tpu.memory_space<vmem>> -> memref<512xf32, #tpu.memory_space<vmem>>
    %dma_start3A_18 = tpu.memref_slice %arg2[%dma_start3A_11, %mul3A_2] : memref<20x16384xf32, #tpu.memory_space<hbm>> -> memref<1x512xf32, #tpu.memory_space<hbm>>
    %dma_start3A_19 = tpu.memref_squeeze %dma_start3A_18 : memref<1x512xf32, #tpu.memory_space<hbm>> -> memref<512xf32, #tpu.memory_space<hbm>>
    tpu.enqueue_dma source(%dma_start3A_19 : memref<512xf32, #tpu.memory_space<hbm>>) target(%dma_start3A_17 : memref<512xf32, #tpu.memory_space<vmem>>) target_semaphore(%arg7 : memref<!tpu.dma_semaphore, #tpu.memory_space<semaphore_mem>>)
    %dma_start3A_20 = arith.constant 2 : i32
    %dma_start3A_21 = arith.constant 1024 : i32
    %dma_start3A_22 = tpu.memref_slice %arg5[%dma_start3A_21] : memref<10240xf32, #tpu.memory_space<vmem>> -> memref<512xf32, #tpu.memory_space<vmem>>
    %dma_start3A_23 = tpu.memref_slice %arg2[%dma_start3A_20, %mul3A_2] : memref<20x16384xf32, #tpu.memory_space<hbm>> -> memref<1x512xf32, #tpu.memory_space<hbm>>
    %dma_start3A_24 = tpu.memref_squeeze %dma_start3A_23 : memref<1x512xf32, #tpu.memory_space<hbm>> -> memref<512xf32, #tpu.memory_space<hbm>>
    %dma_start3A_25 = arith.constant 1024 : i32
    %dma_start3A_26 = tpu.memref_slice %arg5[%dma_start3A_25] : memref<10240xf32, #tpu.memory_space<vmem>> -> memref<512xf32, #tpu.memory_space<vmem>>
    %dma_start3A_27 = tpu.memref_slice %arg2[%dma_start3A_20, %mul3A_2] : memref<20x16384xf32, #tpu.memory_space<hbm>> -> memref<1x512xf32, #tpu.memory_space<hbm>>
    %dma_start3A_28 = tpu.memref_squeeze %dma_start3A_27 : memref<1x512xf32, #tpu.memory_space<hbm>> -> memref<512xf32, #tpu.memory_space<hbm>>
    tpu.enqueue_dma source(%dma_start3A_28 : memref<512xf32, #tpu.memory_space<hbm>>) target(%dma_start3A_26 : memref<512xf32, #tpu.memory_space<vmem>>) target_semaphore(%arg7 : memref<!tpu.dma_semaphore, #tpu.memory_space<semaphore_mem>>)
    %dma_start3A_29 = arith.constant 3 : i32
    %dma_start3A_30 = arith.constant 1536 : i32
    %dma_start3A_31 = tpu.memref_slice %arg5[%dma_start3A_30] : memref<10240xf32, #tpu.memory_space<vmem>> -> memref<512xf32, #tpu.memory_space<vmem>>
    %dma_start3A_32 = tpu.memref_slice %arg2[%dma_start3A_29, %mul3A_2] : memref<20x16384xf32, #tpu.memory_space<hbm>> -> memref<1x512xf32, #tpu.memory_space<hbm>>
    %dma_start3A_33 = tpu.memref_squeeze %dma_start3A_32 : memref<1x512xf32, #tpu.memory_space<hbm>> -> memref<512xf32, #tpu.memory_space<hbm>>
    %dma_start3A_34 = arith.constant 1536 : i32
    %dma_start3A_35 = tpu.memref_slice %arg5[%dma_start3A_34] : memref<10240xf32, #tpu.memory_space<vmem>> -> memref<512xf32, #tpu.memory_space<vmem>>
    %dma_start3A_36 = tpu.memref_slice %arg2[%dma_start3A_29, %mul3A_2] : memref<20x16384xf32, #tpu.memory_space<hbm>> -> memref<1x512xf32, #tpu.memory_space<hbm>>
    %dma_start3A_37 = tpu.memref_squeeze %dma_start3A_36 : memref<1x512xf32, #tpu.memory_space<hbm>> -> memref<512xf32, #tpu.memory_space<hbm>>
    tpu.enqueue_dma source(%dma_start3A_37 : memref<512xf32, #tpu.memory_space<hbm>>) target(%dma_start3A_35 : memref<512xf32, #tpu.memory_space<vmem>>) target_semaphore(%arg7 : memref<!tpu.dma_semaphore, #tpu.memory_space<semaphore_mem>>)
    %dma_start3A_38 = arith.constant 4 : i32
    %dma_start3A_39 = arith.constant 2048 : i32
    %dma_start3A_40 = tpu.memref_slice %arg5[%dma_start3A_39] : memref<10240xf32, #tpu.memory_space<vmem>> -> memref<512xf32, #tpu.memory_space<vmem>>
    %dma_start3A_41 = tpu.memref_slice %arg2[%dma_start3A_38, %mul3A_2] : memref<20x16384xf32, #tpu.memory_space<hbm>> -> memref<1x512xf32, #tpu.memory_space<hbm>>
    %dma_start3A_42 = tpu.memref_squeeze %dma_start3A_41 : memref<1x512xf32, #tpu.memory_space<hbm>> -> memref<512xf32, #tpu.memory_space<hbm>>
    %dma_start3A_43 = arith.constant 2048 : i32
    %dma_start3A_44 = tpu.memref_slice %arg5[%dma_start3A_43] : memref<10240xf32, #tpu.memory_space<vmem>> -> memref<512xf32, #tpu.memory_space<vmem>>
    %dma_start3A_45 = tpu.memref_slice %arg2[%dma_start3A_38, %mul3A_2] : memref<20x16384xf32, #tpu.memory_space<hbm>> -> memref<1x512xf32, #tpu.memory_space<hbm>>
    %dma_start3A_46 = tpu.memref_squeeze %dma_start3A_45 : memref<1x512xf32, #tpu.memory_space<hbm>> -> memref<512xf32, #tpu.memory_space<hbm>>
    tpu.enqueue_dma source(%dma_start3A_46 : memref<512xf32, #tpu.memory_space<hbm>>) target(%dma_start3A_44 : memref<512xf32, #tpu.memory_space<vmem>>) target_semaphore(%arg7 : memref<!tpu.dma_semaphore, #tpu.memory_space<semaphore_mem>>)
    %dma_start3A_47 = arith.constant 5 : i32
    %dma_start3A_48 = arith.constant 2560 : i32
    %dma_start3A_49 = tpu.memref_slice %arg5[%dma_start3A_48] : memref<10240xf32, #tpu.memory_space<vmem>> -> memref<512xf32, #tpu.memory_space<vmem>>
    %dma_start3A_50 = tpu.memref_slice %arg2[%dma_start3A_47, %mul3A_2] : memref<20x16384xf32, #tpu.memory_space<hbm>> -> memref<1x512xf32, #tpu.memory_space<hbm>>
    %dma_start3A_51 = tpu.memref_squeeze %dma_start3A_50 : memref<1x512xf32, #tpu.memory_space<hbm>> -> memref<512xf32, #tpu.memory_space<hbm>>
    %dma_start3A_52 = arith.constant 2560 : i32
    %dma_start3A_53 = tpu.memref_slice %arg5[%dma_start3A_52] : memref<10240xf32, #tpu.memory_space<vmem>> -> memref<512xf32, #tpu.memory_space<vmem>>
    %dma_start3A_54 = tpu.memref_slice %arg2[%dma_start3A_47, %mul3A_2] : memref<20x16384xf32, #tpu.memory_space<hbm>> -> memref<1x512xf32, #tpu.memory_space<hbm>>
    %dma_start3A_55 = tpu.memref_squeeze %dma_start3A_54 : memref<1x512xf32, #tpu.memory_space<hbm>> -> memref<512xf32, #tpu.memory_space<hbm>>
    tpu.enqueue_dma source(%dma_start3A_55 : memref<512xf32, #tpu.memory_space<hbm>>) target(%dma_start3A_53 : memref<512xf32, #tpu.memory_space<vmem>>) target_semaphore(%arg7 : memref<!tpu.dma_semaphore, #tpu.memory_space<semaphore_mem>>)
    %dma_start3A_56 = arith.constant 6 : i32
    %dma_start3A_57 = arith.constant 3072 : i32
    %dma_start3A_58 = tpu.memref_slice %arg5[%dma_start3A_57] : memref<10240xf32, #tpu.memory_space<vmem>> -> memref<512xf32, #tpu.memory_space<vmem>>
    %dma_start3A_59 = tpu.memref_slice %arg2[%dma_start3A_56, %mul3A_2] : memref<20x16384xf32, #tpu.memory_space<hbm>> -> memref<1x512xf32, #tpu.memory_space<hbm>>
    %dma_start3A_60 = tpu.memref_squeeze %dma_start3A_59 : memref<1x512xf32, #tpu.memory_space<hbm>> -> memref<512xf32, #tpu.memory_space<hbm>>
    %dma_start3A_61 = arith.constant 3072 : i32
    %dma_start3A_62 = tpu.memref_slice %arg5[%dma_start3A_61] : memref<10240xf32, #tpu.memory_space<vmem>> -> memref<512xf32, #tpu.memory_space<vmem>>
    %dma_start3A_63 = tpu.memref_slice %arg2[%dma_start3A_56, %mul3A_2] : memref<20x16384xf32, #tpu.memory_space<hbm>> -> memref<1x512xf32, #tpu.memory_space<hbm>>
    %dma_start3A_64 = tpu.memref_squeeze %dma_start3A_63 : memref<1x512xf32, #tpu.memory_space<hbm>> -> memref<512xf32, #tpu.memory_space<hbm>>
    tpu.enqueue_dma source(%dma_start3A_64 : memref<512xf32, #tpu.memory_space<hbm>>) target(%dma_start3A_62 : memref<512xf32, #tpu.memory_space<vmem>>) target_semaphore(%arg7 : memref<!tpu.dma_semaphore, #tpu.memory_space<semaphore_mem>>)
    %dma_start3A_65 = arith.constant 7 : i32
    %dma_start3A_66 = arith.constant 3584 : i32
    %dma_start3A_67 = tpu.memref_slice %arg5[%dma_start3A_66] : memref<10240xf32, #tpu.memory_space<vmem>> -> memref<512xf32, #tpu.memory_space<vmem>>
    %dma_start3A_68 = tpu.memref_slice %arg2[%dma_start3A_65, %mul3A_2] : memref<20x16384xf32, #tpu.memory_space<hbm>> -> memref<1x512xf32, #tpu.memory_space<hbm>>
    %dma_start3A_69 = tpu.memref_squeeze %dma_start3A_68 : memref<1x512xf32, #tpu.memory_space<hbm>> -> memref<512xf32, #tpu.memory_space<hbm>>
    %dma_start3A_70 = arith.constant 3584 : i32
    %dma_start3A_71 = tpu.memref_slice %arg5[%dma_start3A_70] : memref<10240xf32, #tpu.memory_space<vmem>> -> memref<512xf32, #tpu.memory_space<vmem>>
    %dma_start3A_72 = tpu.memref_slice %arg2[%dma_start3A_65, %mul3A_2] : memref<20x16384xf32, #tpu.memory_space<hbm>> -> memref<1x512xf32, #tpu.memory_space<hbm>>
    %dma_start3A_73 = tpu.memref_squeeze %dma_start3A_72 : memref<1x512xf32, #tpu.memory_space<hbm>> -> memref<512xf32, #tpu.memory_space<hbm>>
    tpu.enqueue_dma source(%dma_start3A_73 : memref<512xf32, #tpu.memory_space<hbm>>) target(%dma_start3A_71 : memref<512xf32, #tpu.memory_space<vmem>>) target_semaphore(%arg7 : memref<!tpu.dma_semaphore, #tpu.memory_space<semaphore_mem>>)
    %dma_start3A_74 = arith.constant 8 : i32
    %dma_start3A_75 = arith.constant 4096 : i32
    %dma_start3A_76 = tpu.memref_slice %arg5[%dma_start3A_75] : memref<10240xf32, #tpu.memory_space<vmem>> -> memref<512xf32, #tpu.memory_space<vmem>>
    %dma_start3A_77 = tpu.memref_slice %arg2[%dma_start3A_74, %mul3A_2] : memref<20x16384xf32, #tpu.memory_space<hbm>> -> memref<1x512xf32, #tpu.memory_space<hbm>>
    %dma_start3A_78 = tpu.memref_squeeze %dma_start3A_77 : memref<1x512xf32, #tpu.memory_space<hbm>> -> memref<512xf32, #tpu.memory_space<hbm>>
    %dma_start3A_79 = arith.constant 4096 : i32
    %dma_start3A_80 = tpu.memref_slice %arg5[%dma_start3A_79] : memref<10240xf32, #tpu.memory_space<vmem>> -> memref<512xf32, #tpu.memory_space<vmem>>
    %dma_start3A_81 = tpu.memref_slice %arg2[%dma_start3A_74, %mul3A_2] : memref<20x16384xf32, #tpu.memory_space<hbm>> -> memref<1x512xf32, #tpu.memory_space<hbm>>
    %dma_start3A_82 = tpu.memref_squeeze %dma_start3A_81 : memref<1x512xf32, #tpu.memory_space<hbm>> -> memref<512xf32, #tpu.memory_space<hbm>>
    tpu.enqueue_dma source(%dma_start3A_82 : memref<512xf32, #tpu.memory_space<hbm>>) target(%dma_start3A_80 : memref<512xf32, #tpu.memory_space<vmem>>) target_semaphore(%arg7 : memref<!tpu.dma_semaphore, #tpu.memory_space<semaphore_mem>>)
    %dma_start3A_83 = arith.constant 9 : i32
    %dma_start3A_84 = arith.constant 4608 : i32
    %dma_start3A_85 = tpu.memref_slice %arg5[%dma_start3A_84] : memref<10240xf32, #tpu.memory_space<vmem>> -> memref<512xf32, #tpu.memory_space<vmem>>
    %dma_start3A_86 = tpu.memref_slice %arg2[%dma_start3A_83, %mul3A_2] : memref<20x16384xf32, #tpu.memory_space<hbm>> -> memref<1x512xf32, #tpu.memory_space<hbm>>
    %dma_start3A_87 = tpu.memref_squeeze %dma_start3A_86 : memref<1x512xf32, #tpu.memory_space<hbm>> -> memref<512xf32, #tpu.memory_space<hbm>>
    %dma_start3A_88 = arith.constant 4608 : i32
    %dma_start3A_89 = tpu.memref_slice %arg5[%dma_start3A_88] : memref<10240xf32, #tpu.memory_space<vmem>> -> memref<512xf32, #tpu.memory_space<vmem>>
    %dma_start3A_90 = tpu.memref_slice %arg2[%dma_start3A_83, %mul3A_2] : memref<20x16384xf32, #tpu.memory_space<hbm>> -> memref<1x512xf32, #tpu.memory_space<hbm>>
    %dma_start3A_91 = tpu.memref_squeeze %dma_start3A_90 : memref<1x512xf32, #tpu.memory_space<hbm>> -> memref<512xf32, #tpu.memory_space<hbm>>
    tpu.enqueue_dma source(%dma_start3A_91 : memref<512xf32, #tpu.memory_space<hbm>>) target(%dma_start3A_89 : memref<512xf32, #tpu.memory_space<vmem>>) target_semaphore(%arg7 : memref<!tpu.dma_semaphore, #tpu.memory_space<semaphore_mem>>)
    %dma_start3A_92 = arith.constant 10 : i32
    %dma_start3A_93 = arith.constant 5120 : i32
    %dma_start3A_94 = tpu.memref_slice %arg5[%dma_start3A_93] : memref<10240xf32, #tpu.memory_space<vmem>> -> memref<512xf32, #tpu.memory_space<vmem>>
    %dma_start3A_95 = tpu.memref_slice %arg2[%dma_start3A_92, %mul3A_2] : memref<20x16384xf32, #tpu.memory_space<hbm>> -> memref<1x512xf32, #tpu.memory_space<hbm>>
    %dma_start3A_96 = tpu.memref_squeeze %dma_start3A_95 : memref<1x512xf32, #tpu.memory_space<hbm>> -> memref<512xf32, #tpu.memory_space<hbm>>
    %dma_start3A_97 = arith.constant 5120 : i32
    %dma_start3A_98 = tpu.memref_slice %arg5[%dma_start3A_97] : memref<10240xf32, #tpu.memory_space<vmem>> -> memref<512xf32, #tpu.memory_space<vmem>>
    %dma_start3A_99 = tpu.memref_slice %arg2[%dma_start3A_92, %mul3A_2] : memref<20x16384xf32, #tpu.memory_space<hbm>> -> memref<1x512xf32, #tpu.memory_space<hbm>>
    %dma_start3A_100 = tpu.memref_squeeze %dma_start3A_99 : memref<1x512xf32, #tpu.memory_space<hbm>> -> memref<512xf32, #tpu.memory_space<hbm>>
    tpu.enqueue_dma source(%dma_start3A_100 : memref<512xf32, #tpu.memory_space<hbm>>) target(%dma_start3A_98 : memref<512xf32, #tpu.memory_space<vmem>>) target_semaphore(%arg7 : memref<!tpu.dma_semaphore, #tpu.memory_space<semaphore_mem>>)
    %dma_start3A_101 = arith.constant 11 : i32
    %dma_start3A_102 = arith.constant 5632 : i32
    %dma_start3A_103 = tpu.memref_slice %arg5[%dma_start3A_102] : memref<10240xf32, #tpu.memory_space<vmem>> -> memref<512xf32, #tpu.memory_space<vmem>>
    %dma_start3A_104 = tpu.memref_slice %arg2[%dma_start3A_101, %mul3A_2] : memref<20x16384xf32, #tpu.memory_space<hbm>> -> memref<1x512xf32, #tpu.memory_space<hbm>>
    %dma_start3A_105 = tpu.memref_squeeze %dma_start3A_104 : memref<1x512xf32, #tpu.memory_space<hbm>> -> memref<512xf32, #tpu.memory_space<hbm>>
    %dma_start3A_106 = arith.constant 5632 : i32
    %dma_start3A_107 = tpu.memref_slice %arg5[%dma_start3A_106] : memref<10240xf32, #tpu.memory_space<vmem>> -> memref<512xf32, #tpu.memory_space<vmem>>
    %dma_start3A_108 = tpu.memref_slice %arg2[%dma_start3A_101, %mul3A_2] : memref<20x16384xf32, #tpu.memory_space<hbm>> -> memref<1x512xf32, #tpu.memory_space<hbm>>
    %dma_start3A_109 = tpu.memref_squeeze %dma_start3A_108 : memref<1x512xf32, #tpu.memory_space<hbm>> -> memref<512xf32, #tpu.memory_space<hbm>>
    tpu.enqueue_dma source(%dma_start3A_109 : memref<512xf32, #tpu.memory_space<hbm>>) target(%dma_start3A_107 : memref<512xf32, #tpu.memory_space<vmem>>) target_semaphore(%arg7 : memref<!tpu.dma_semaphore, #tpu.memory_space<semaphore_mem>>)
    %dma_start3A_110 = arith.constant 12 : i32
    %dma_start3A_111 = arith.constant 6144 : i32
    %dma_start3A_112 = tpu.memref_slice %arg5[%dma_start3A_111] : memref<10240xf32, #tpu.memory_space<vmem>> -> memref<512xf32, #tpu.memory_space<vmem>>
    %dma_start3A_113 = tpu.memref_slice %arg2[%dma_start3A_110, %mul3A_2] : memref<20x16384xf32, #tpu.memory_space<hbm>> -> memref<1x512xf32, #tpu.memory_space<hbm>>
    %dma_start3A_114 = tpu.memref_squeeze %dma_start3A_113 : memref<1x512xf32, #tpu.memory_space<hbm>> -> memref<512xf32, #tpu.memory_space<hbm>>
    %dma_start3A_115 = arith.constant 6144 : i32
    %dma_start3A_116 = tpu.memref_slice %arg5[%dma_start3A_115] : memref<10240xf32, #tpu.memory_space<vmem>> -> memref<512xf32, #tpu.memory_space<vmem>>
    %dma_start3A_117 = tpu.memref_slice %arg2[%dma_start3A_110, %mul3A_2] : memref<20x16384xf32, #tpu.memory_space<hbm>> -> memref<1x512xf32, #tpu.memory_space<hbm>>
    %dma_start3A_118 = tpu.memref_squeeze %dma_start3A_117 : memref<1x512xf32, #tpu.memory_space<hbm>> -> memref<512xf32, #tpu.memory_space<hbm>>
    tpu.enqueue_dma source(%dma_start3A_118 : memref<512xf32, #tpu.memory_space<hbm>>) target(%dma_start3A_116 : memref<512xf32, #tpu.memory_space<vmem>>) target_semaphore(%arg7 : memref<!tpu.dma_semaphore, #tpu.memory_space<semaphore_mem>>)
    %dma_start3A_119 = arith.constant 13 : i32
    %dma_start3A_120 = arith.constant 6656 : i32
    %dma_start3A_121 = tpu.memref_slice %arg5[%dma_start3A_120] : memref<10240xf32, #tpu.memory_space<vmem>> -> memref<512xf32, #tpu.memory_space<vmem>>
    %dma_start3A_122 = tpu.memref_slice %arg2[%dma_start3A_119, %mul3A_2] : memref<20x16384xf32, #tpu.memory_space<hbm>> -> memref<1x512xf32, #tpu.memory_space<hbm>>
    %dma_start3A_123 = tpu.memref_squeeze %dma_start3A_122 : memref<1x512xf32, #tpu.memory_space<hbm>> -> memref<512xf32, #tpu.memory_space<hbm>>
    %dma_start3A_124 = arith.constant 6656 : i32
    %dma_start3A_125 = tpu.memref_slice %arg5[%dma_start3A_124] : memref<10240xf32, #tpu.memory_space<vmem>> -> memref<512xf32, #tpu.memory_space<vmem>>
    %dma_start3A_126 = tpu.memref_slice %arg2[%dma_start3A_119, %mul3A_2] : memref<20x16384xf32, #tpu.memory_space<hbm>> -> memref<1x512xf32, #tpu.memory_space<hbm>>
    %dma_start3A_127 = tpu.memref_squeeze %dma_start3A_126 : memref<1x512xf32, #tpu.memory_space<hbm>> -> memref<512xf32, #tpu.memory_space<hbm>>
    tpu.enqueue_dma source(%dma_start3A_127 : memref<512xf32, #tpu.memory_space<hbm>>) target(%dma_start3A_125 : memref<512xf32, #tpu.memory_space<vmem>>) target_semaphore(%arg7 : memref<!tpu.dma_semaphore, #tpu.memory_space<semaphore_mem>>)
    %dma_start3A_128 = arith.constant 14 : i32
    %dma_start3A_129 = arith.constant 7168 : i32
    %dma_start3A_130 = tpu.memref_slice %arg5[%dma_start3A_129] : memref<10240xf32, #tpu.memory_space<vmem>> -> memref<512xf32, #tpu.memory_space<vmem>>
    %dma_start3A_131 = tpu.memref_slice %arg2[%dma_start3A_128, %mul3A_2] : memref<20x16384xf32, #tpu.memory_space<hbm>> -> memref<1x512xf32, #tpu.memory_space<hbm>>
    %dma_start3A_132 = tpu.memref_squeeze %dma_start3A_131 : memref<1x512xf32, #tpu.memory_space<hbm>> -> memref<512xf32, #tpu.memory_space<hbm>>
    %dma_start3A_133 = arith.constant 7168 : i32
    %dma_start3A_134 = tpu.memref_slice %arg5[%dma_start3A_133] : memref<10240xf32, #tpu.memory_space<vmem>> -> memref<512xf32, #tpu.memory_space<vmem>>
    %dma_start3A_135 = tpu.memref_slice %arg2[%dma_start3A_128, %mul3A_2] : memref<20x16384xf32, #tpu.memory_space<hbm>> -> memref<1x512xf32, #tpu.memory_space<hbm>>
    %dma_start3A_136 = tpu.memref_squeeze %dma_start3A_135 : memref<1x512xf32, #tpu.memory_space<hbm>> -> memref<512xf32, #tpu.memory_space<hbm>>
    tpu.enqueue_dma source(%dma_start3A_136 : memref<512xf32, #tpu.memory_space<hbm>>) target(%dma_start3A_134 : memref<512xf32, #tpu.memory_space<vmem>>) target_semaphore(%arg7 : memref<!tpu.dma_semaphore, #tpu.memory_space<semaphore_mem>>)
    %dma_start3A_137 = arith.constant 15 : i32
    %dma_start3A_138 = arith.constant 7680 : i32
    %dma_start3A_139 = tpu.memref_slice %arg5[%dma_start3A_138] : memref<10240xf32, #tpu.memory_space<vmem>> -> memref<512xf32, #tpu.memory_space<vmem>>
    %dma_start3A_140 = tpu.memref_slice %arg2[%dma_start3A_137, %mul3A_2] : memref<20x16384xf32, #tpu.memory_space<hbm>> -> memref<1x512xf32, #tpu.memory_space<hbm>>
    %dma_start3A_141 = tpu.memref_squeeze %dma_start3A_140 : memref<1x512xf32, #tpu.memory_space<hbm>> -> memref<512xf32, #tpu.memory_space<hbm>>
    %dma_start3A_142 = arith.constant 7680 : i32
    %dma_start3A_143 = tpu.memref_slice %arg5[%dma_start3A_142] : memref<10240xf32, #tpu.memory_space<vmem>> -> memref<512xf32, #tpu.memory_space<vmem>>
    %dma_start3A_144 = tpu.memref_slice %arg2[%dma_start3A_137, %mul3A_2] : memref<20x16384xf32, #tpu.memory_space<hbm>> -> memref<1x512xf32, #tpu.memory_space<hbm>>
    %dma_start3A_145 = tpu.memref_squeeze %dma_start3A_144 : memref<1x512xf32, #tpu.memory_space<hbm>> -> memref<512xf32, #tpu.memory_space<hbm>>
    tpu.enqueue_dma source(%dma_start3A_145 : memref<512xf32, #tpu.memory_space<hbm>>) target(%dma_start3A_143 : memref<512xf32, #tpu.memory_space<vmem>>) target_semaphore(%arg7 : memref<!tpu.dma_semaphore, #tpu.memory_space<semaphore_mem>>)
    %dma_start3A_146 = arith.constant 16 : i32
    %dma_start3A_147 = arith.constant 8192 : i32
    %dma_start3A_148 = tpu.memref_slice %arg5[%dma_start3A_147] : memref<10240xf32, #tpu.memory_space<vmem>> -> memref<512xf32, #tpu.memory_space<vmem>>
    %dma_start3A_149 = tpu.memref_slice %arg2[%dma_start3A_146, %mul3A_2] : memref<20x16384xf32, #tpu.memory_space<hbm>> -> memref<1x512xf32, #tpu.memory_space<hbm>>
    %dma_start3A_150 = tpu.memref_squeeze %dma_start3A_149 : memref<1x512xf32, #tpu.memory_space<hbm>> -> memref<512xf32, #tpu.memory_space<hbm>>
    %dma_start3A_151 = arith.constant 8192 : i32
    %dma_start3A_152 = tpu.memref_slice %arg5[%dma_start3A_151] : memref<10240xf32, #tpu.memory_space<vmem>> -> memref<512xf32, #tpu.memory_space<vmem>>
    %dma_start3A_153 = tpu.memref_slice %arg2[%dma_start3A_146, %mul3A_2] : memref<20x16384xf32, #tpu.memory_space<hbm>> -> memref<1x512xf32, #tpu.memory_space<hbm>>
    %dma_start3A_154 = tpu.memref_squeeze %dma_start3A_153 : memref<1x512xf32, #tpu.memory_space<hbm>> -> memref<512xf32, #tpu.memory_space<hbm>>
    tpu.enqueue_dma source(%dma_start3A_154 : memref<512xf32, #tpu.memory_space<hbm>>) target(%dma_start3A_152 : memref<512xf32, #tpu.memory_space<vmem>>) target_semaphore(%arg7 : memref<!tpu.dma_semaphore, #tpu.memory_space<semaphore_mem>>)
    %dma_start3A_155 = arith.constant 17 : i32
    %dma_start3A_156 = arith.constant 8704 : i32
    %dma_start3A_157 = tpu.memref_slice %arg5[%dma_start3A_156] : memref<10240xf32, #tpu.memory_space<vmem>> -> memref<512xf32, #tpu.memory_space<vmem>>
    %dma_start3A_158 = tpu.memref_slice %arg2[%dma_start3A_155, %mul3A_2] : memref<20x16384xf32, #tpu.memory_space<hbm>> -> memref<1x512xf32, #tpu.memory_space<hbm>>
    %dma_start3A_159 = tpu.memref_squeeze %dma_start3A_158 : memref<1x512xf32, #tpu.memory_space<hbm>> -> memref<512xf32, #tpu.memory_space<hbm>>
    %dma_start3A_160 = arith.constant 8704 : i32
    %dma_start3A_161 = tpu.memref_slice %arg5[%dma_start3A_160] : memref<10240xf32, #tpu.memory_space<vmem>> -> memref<512xf32, #tpu.memory_space<vmem>>
    %dma_start3A_162 = tpu.memref_slice %arg2[%dma_start3A_155, %mul3A_2] : memref<20x16384xf32, #tpu.memory_space<hbm>> -> memref<1x512xf32, #tpu.memory_space<hbm>>
    %dma_start3A_163 = tpu.memref_squeeze %dma_start3A_162 : memref<1x512xf32, #tpu.memory_space<hbm>> -> memref<512xf32, #tpu.memory_space<hbm>>
    tpu.enqueue_dma source(%dma_start3A_163 : memref<512xf32, #tpu.memory_space<hbm>>) target(%dma_start3A_161 : memref<512xf32, #tpu.memory_space<vmem>>) target_semaphore(%arg7 : memref<!tpu.dma_semaphore, #tpu.memory_space<semaphore_mem>>)
    %dma_start3A_164 = arith.constant 18 : i32
    %dma_start3A_165 = arith.constant 9216 : i32
    %dma_start3A_166 = tpu.memref_slice %arg5[%dma_start3A_165] : memref<10240xf32, #tpu.memory_space<vmem>> -> memref<512xf32, #tpu.memory_space<vmem>>
    %dma_start3A_167 = tpu.memref_slice %arg2[%dma_start3A_164, %mul3A_2] : memref<20x16384xf32, #tpu.memory_space<hbm>> -> memref<1x512xf32, #tpu.memory_space<hbm>>
    %dma_start3A_168 = tpu.memref_squeeze %dma_start3A_167 : memref<1x512xf32, #tpu.memory_space<hbm>> -> memref<512xf32, #tpu.memory_space<hbm>>
    %dma_start3A_169 = arith.constant 9216 : i32
    %dma_start3A_170 = tpu.memref_slice %arg5[%dma_start3A_169] : memref<10240xf32, #tpu.memory_space<vmem>> -> memref<512xf32, #tpu.memory_space<vmem>>
    %dma_start3A_171 = tpu.memref_slice %arg2[%dma_start3A_164, %mul3A_2] : memref<20x16384xf32, #tpu.memory_space<hbm>> -> memref<1x512xf32, #tpu.memory_space<hbm>>
    %dma_start3A_172 = tpu.memref_squeeze %dma_start3A_171 : memref<1x512xf32, #tpu.memory_space<hbm>> -> memref<512xf32, #tpu.memory_space<hbm>>
    tpu.enqueue_dma source(%dma_start3A_172 : memref<512xf32, #tpu.memory_space<hbm>>) target(%dma_start3A_170 : memref<512xf32, #tpu.memory_space<vmem>>) target_semaphore(%arg7 : memref<!tpu.dma_semaphore, #tpu.memory_space<semaphore_mem>>)
    %dma_start3A_173 = arith.constant 19 : i32
    %dma_start3A_174 = arith.constant 9728 : i32
    %dma_start3A_175 = tpu.memref_slice %arg5[%dma_start3A_174] : memref<10240xf32, #tpu.memory_space<vmem>> -> memref<512xf32, #tpu.memory_space<vmem>>
    %dma_start3A_176 = tpu.memref_slice %arg2[%dma_start3A_173, %mul3A_2] : memref<20x16384xf32, #tpu.memory_space<hbm>> -> memref<1x512xf32, #tpu.memory_space<hbm>>
    %dma_start3A_177 = tpu.memref_squeeze %dma_start3A_176 : memref<1x512xf32, #tpu.memory_space<hbm>> -> memref<512xf32, #tpu.memory_space<hbm>>
    %dma_start3A_178 = arith.constant 9728 : i32
    %dma_start3A_179 = tpu.memref_slice %arg5[%dma_start3A_178] : memref<10240xf32, #tpu.memory_space<vmem>> -> memref<512xf32, #tpu.memory_space<vmem>>
    %dma_start3A_180 = tpu.memref_slice %arg2[%dma_start3A_173, %mul3A_2] : memref<20x16384xf32, #tpu.memory_space<hbm>> -> memref<1x512xf32, #tpu.memory_space<hbm>>
    %dma_start3A_181 = tpu.memref_squeeze %dma_start3A_180 : memref<1x512xf32, #tpu.memory_space<hbm>> -> memref<512xf32, #tpu.memory_space<hbm>>
    tpu.enqueue_dma source(%dma_start3A_181 : memref<512xf32, #tpu.memory_space<hbm>>) target(%dma_start3A_179 : memref<512xf32, #tpu.memory_space<vmem>>) target_semaphore(%arg7 : memref<!tpu.dma_semaphore, #tpu.memory_space<semaphore_mem>>)
    %dma_start3A_182 = arith.constant 1 : i32
    %dma_start3A_183 = arith.constant 0 : i32
    %dma_start3A_184 = tpu.memref_slice %arg6[%dma_start3A_183] : memref<1536xf32, #tpu.memory_space<vmem>> -> memref<512xf32, #tpu.memory_space<vmem>>
    %dma_start3A_185 = tpu.memref_slice %arg3[%dma_start3A_182, %mul3A_2] : memref<8x16384xf32, #tpu.memory_space<hbm>> -> memref<1x512xf32, #tpu.memory_space<hbm>>
    %dma_start3A_186 = tpu.memref_squeeze %dma_start3A_185 : memref<1x512xf32, #tpu.memory_space<hbm>> -> memref<512xf32, #tpu.memory_space<hbm>>
    %dma_start3A_187 = arith.constant 0 : i32
    %dma_start3A_188 = tpu.memref_slice %arg6[%dma_start3A_187] : memref<1536xf32, #tpu.memory_space<vmem>> -> memref<512xf32, #tpu.memory_space<vmem>>
    %dma_start3A_189 = tpu.memref_slice %arg3[%dma_start3A_182, %mul3A_2] : memref<8x16384xf32, #tpu.memory_space<hbm>> -> memref<1x512xf32, #tpu.memory_space<hbm>>
    %dma_start3A_190 = tpu.memref_squeeze %dma_start3A_189 : memref<1x512xf32, #tpu.memory_space<hbm>> -> memref<512xf32, #tpu.memory_space<hbm>>
    tpu.enqueue_dma source(%dma_start3A_190 : memref<512xf32, #tpu.memory_space<hbm>>) target(%dma_start3A_188 : memref<512xf32, #tpu.memory_space<vmem>>) target_semaphore(%arg7 : memref<!tpu.dma_semaphore, #tpu.memory_space<semaphore_mem>>)
    %dma_start3A_191 = arith.constant 3 : i32
    %dma_start3A_192 = arith.constant 512 : i32
    %dma_start3A_193 = tpu.memref_slice %arg6[%dma_start3A_192] : memref<1536xf32, #tpu.memory_space<vmem>> -> memref<512xf32, #tpu.memory_space<vmem>>
    %dma_start3A_194 = tpu.memref_slice %arg3[%dma_start3A_191, %mul3A_2] : memref<8x16384xf32, #tpu.memory_space<hbm>> -> memref<1x512xf32, #tpu.memory_space<hbm>>
    %dma_start3A_195 = tpu.memref_squeeze %dma_start3A_194 : memref<1x512xf32, #tpu.memory_space<hbm>> -> memref<512xf32, #tpu.memory_space<hbm>>
    %dma_start3A_196 = arith.constant 512 : i32
    %dma_start3A_197 = tpu.memref_slice %arg6[%dma_start3A_196] : memref<1536xf32, #tpu.memory_space<vmem>> -> memref<512xf32, #tpu.memory_space<vmem>>
    %dma_start3A_198 = tpu.memref_slice %arg3[%dma_start3A_191, %mul3A_2] : memref<8x16384xf32, #tpu.memory_space<hbm>> -> memref<1x512xf32, #tpu.memory_space<hbm>>
    %dma_start3A_199 = tpu.memref_squeeze %dma_start3A_198 : memref<1x512xf32, #tpu.memory_space<hbm>> -> memref<512xf32, #tpu.memory_space<hbm>>
    tpu.enqueue_dma source(%dma_start3A_199 : memref<512xf32, #tpu.memory_space<hbm>>) target(%dma_start3A_197 : memref<512xf32, #tpu.memory_space<vmem>>) target_semaphore(%arg7 : memref<!tpu.dma_semaphore, #tpu.memory_space<semaphore_mem>>)
    %dma_start3A_200 = arith.constant 5 : i32
    %dma_start3A_201 = arith.constant 1024 : i32
    %dma_start3A_202 = tpu.memref_slice %arg6[%dma_start3A_201] : memref<1536xf32, #tpu.memory_space<vmem>> -> memref<512xf32, #tpu.memory_space<vmem>>
    %dma_start3A_203 = tpu.memref_slice %arg3[%dma_start3A_200, %mul3A_2] : memref<8x16384xf32, #tpu.memory_space<hbm>> -> memref<1x512xf32, #tpu.memory_space<hbm>>
    %dma_start3A_204 = tpu.memref_squeeze %dma_start3A_203 : memref<1x512xf32, #tpu.memory_space<hbm>> -> memref<512xf32, #tpu.memory_space<hbm>>
    %dma_start3A_205 = arith.constant 1024 : i32
    %dma_start3A_206 = tpu.memref_slice %arg6[%dma_start3A_205] : memref<1536xf32, #tpu.memory_space<vmem>> -> memref<512xf32, #tpu.memory_space<vmem>>
    %dma_start3A_207 = tpu.memref_slice %arg3[%dma_start3A_200, %mul3A_2] : memref<8x16384xf32, #tpu.memory_space<hbm>> -> memref<1x512xf32, #tpu.memory_space<hbm>>
    %dma_start3A_208 = tpu.memref_squeeze %dma_start3A_207 : memref<1x512xf32, #tpu.memory_space<hbm>> -> memref<512xf32, #tpu.memory_space<hbm>>
    tpu.enqueue_dma source(%dma_start3A_208 : memref<512xf32, #tpu.memory_space<hbm>>) target(%dma_start3A_206 : memref<512xf32, #tpu.memory_space<vmem>>) target_semaphore(%arg7 : memref<!tpu.dma_semaphore, #tpu.memory_space<semaphore_mem>>)
    %dma_wait3A = arith.constant 0 : i32
    %dma_wait3A_209 = arith.constant 0 : i32
    %dma_wait3A_210 = tpu.memref_slice %arg5[%dma_wait3A_209] : memref<10240xf32, #tpu.memory_space<vmem>> -> memref<512xf32, #tpu.memory_space<vmem>>
    %dma_wait3A_211 = tpu.memref_slice %arg2[%dma_wait3A, %mul3A_2] : memref<20x16384xf32, #tpu.memory_space<hbm>> -> memref<1x512xf32, #tpu.memory_space<hbm>>
    %dma_wait3A_212 = tpu.memref_squeeze %dma_wait3A_211 : memref<1x512xf32, #tpu.memory_space<hbm>> -> memref<512xf32, #tpu.memory_space<hbm>>
    %dma_wait3A_213 = arith.constant 0 : i32
    %dma_wait3A_214 = tpu.memref_slice %arg5[%dma_wait3A_213] : memref<10240xf32, #tpu.memory_space<vmem>> -> memref<512xf32, #tpu.memory_space<vmem>>
    %dma_wait3A_215 = tpu.memref_slice %arg2[%dma_wait3A, %mul3A_2] : memref<20x16384xf32, #tpu.memory_space<hbm>> -> memref<1x512xf32, #tpu.memory_space<hbm>>
    %dma_wait3A_216 = tpu.memref_squeeze %dma_wait3A_215 : memref<1x512xf32, #tpu.memory_space<hbm>> -> memref<512xf32, #tpu.memory_space<hbm>>
    tpu.wait_dma2 semaphore(%arg7 : memref<!tpu.dma_semaphore, #tpu.memory_space<semaphore_mem>>) src(%dma_wait3A_216 : memref<512xf32, #tpu.memory_space<hbm>>) dst(%dma_wait3A_214 : memref<512xf32, #tpu.memory_space<vmem>>)
    %dma_wait3A_217 = arith.constant 1 : i32
    %dma_wait3A_218 = arith.constant 512 : i32
    %dma_wait3A_219 = tpu.memref_slice %arg5[%dma_wait3A_218] : memref<10240xf32, #tpu.memory_space<vmem>> -> memref<512xf32, #tpu.memory_space<vmem>>
    %dma_wait3A_220 = tpu.memref_slice %arg2[%dma_wait3A_217, %mul3A_2] : memref<20x16384xf32, #tpu.memory_space<hbm>> -> memref<1x512xf32, #tpu.memory_space<hbm>>
    %dma_wait3A_221 = tpu.memref_squeeze %dma_wait3A_220 : memref<1x512xf32, #tpu.memory_space<hbm>> -> memref<512xf32, #tpu.memory_space<hbm>>
    %dma_wait3A_222 = arith.constant 512 : i32
    %dma_wait3A_223 = tpu.memref_slice %arg5[%dma_wait3A_222] : memref<10240xf32, #tpu.memory_space<vmem>> -> memref<512xf32, #tpu.memory_space<vmem>>
    %dma_wait3A_224 = tpu.memref_slice %arg2[%dma_wait3A_217, %mul3A_2] : memref<20x16384xf32, #tpu.memory_space<hbm>> -> memref<1x512xf32, #tpu.memory_space<hbm>>
    %dma_wait3A_225 = tpu.memref_squeeze %dma_wait3A_224 : memref<1x512xf32, #tpu.memory_space<hbm>> -> memref<512xf32, #tpu.memory_space<hbm>>
    tpu.wait_dma2 semaphore(%arg7 : memref<!tpu.dma_semaphore, #tpu.memory_space<semaphore_mem>>) src(%dma_wait3A_225 : memref<512xf32, #tpu.memory_space<hbm>>) dst(%dma_wait3A_223 : memref<512xf32, #tpu.memory_space<vmem>>)
    %dma_wait3A_226 = arith.constant 2 : i32
    %dma_wait3A_227 = arith.constant 1024 : i32
    %dma_wait3A_228 = tpu.memref_slice %arg5[%dma_wait3A_227] : memref<10240xf32, #tpu.memory_space<vmem>> -> memref<512xf32, #tpu.memory_space<vmem>>
    %dma_wait3A_229 = tpu.memref_slice %arg2[%dma_wait3A_226, %mul3A_2] : memref<20x16384xf32, #tpu.memory_space<hbm>> -> memref<1x512xf32, #tpu.memory_space<hbm>>
    %dma_wait3A_230 = tpu.memref_squeeze %dma_wait3A_229 : memref<1x512xf32, #tpu.memory_space<hbm>> -> memref<512xf32, #tpu.memory_space<hbm>>
    %dma_wait3A_231 = arith.constant 1024 : i32
    %dma_wait3A_232 = tpu.memref_slice %arg5[%dma_wait3A_231] : memref<10240xf32, #tpu.memory_space<vmem>> -> memref<512xf32, #tpu.memory_space<vmem>>
    %dma_wait3A_233 = tpu.memref_slice %arg2[%dma_wait3A_226, %mul3A_2] : memref<20x16384xf32, #tpu.memory_space<hbm>> -> memref<1x512xf32, #tpu.memory_space<hbm>>
    %dma_wait3A_234 = tpu.memref_squeeze %dma_wait3A_233 : memref<1x512xf32, #tpu.memory_space<hbm>> -> memref<512xf32, #tpu.memory_space<hbm>>
    tpu.wait_dma2 semaphore(%arg7 : memref<!tpu.dma_semaphore, #tpu.memory_space<semaphore_mem>>) src(%dma_wait3A_234 : memref<512xf32, #tpu.memory_space<hbm>>) dst(%dma_wait3A_232 : memref<512xf32, #tpu.memory_space<vmem>>)
    %dma_wait3A_235 = arith.constant 3 : i32
    %dma_wait3A_236 = arith.constant 1536 : i32
    %dma_wait3A_237 = tpu.memref_slice %arg5[%dma_wait3A_236] : memref<10240xf32, #tpu.memory_space<vmem>> -> memref<512xf32, #tpu.memory_space<vmem>>
    %dma_wait3A_238 = tpu.memref_slice %arg2[%dma_wait3A_235, %mul3A_2] : memref<20x16384xf32, #tpu.memory_space<hbm>> -> memref<1x512xf32, #tpu.memory_space<hbm>>
    %dma_wait3A_239 = tpu.memref_squeeze %dma_wait3A_238 : memref<1x512xf32, #tpu.memory_space<hbm>> -> memref<512xf32, #tpu.memory_space<hbm>>
    %dma_wait3A_240 = arith.constant 1536 : i32
    %dma_wait3A_241 = tpu.memref_slice %arg5[%dma_wait3A_240] : memref<10240xf32, #tpu.memory_space<vmem>> -> memref<512xf32, #tpu.memory_space<vmem>>
    %dma_wait3A_242 = tpu.memref_slice %arg2[%dma_wait3A_235, %mul3A_2] : memref<20x16384xf32, #tpu.memory_space<hbm>> -> memref<1x512xf32, #tpu.memory_space<hbm>>
    %dma_wait3A_243 = tpu.memref_squeeze %dma_wait3A_242 : memref<1x512xf32, #tpu.memory_space<hbm>> -> memref<512xf32, #tpu.memory_space<hbm>>
    tpu.wait_dma2 semaphore(%arg7 : memref<!tpu.dma_semaphore, #tpu.memory_space<semaphore_mem>>) src(%dma_wait3A_243 : memref<512xf32, #tpu.memory_space<hbm>>) dst(%dma_wait3A_241 : memref<512xf32, #tpu.memory_space<vmem>>)
    %dma_wait3A_244 = arith.constant 4 : i32
    %dma_wait3A_245 = arith.constant 2048 : i32
    %dma_wait3A_246 = tpu.memref_slice %arg5[%dma_wait3A_245] : memref<10240xf32, #tpu.memory_space<vmem>> -> memref<512xf32, #tpu.memory_space<vmem>>
    %dma_wait3A_247 = tpu.memref_slice %arg2[%dma_wait3A_244, %mul3A_2] : memref<20x16384xf32, #tpu.memory_space<hbm>> -> memref<1x512xf32, #tpu.memory_space<hbm>>
    %dma_wait3A_248 = tpu.memref_squeeze %dma_wait3A_247 : memref<1x512xf32, #tpu.memory_space<hbm>> -> memref<512xf32, #tpu.memory_space<hbm>>
    %dma_wait3A_249 = arith.constant 2048 : i32
    %dma_wait3A_250 = tpu.memref_slice %arg5[%dma_wait3A_249] : memref<10240xf32, #tpu.memory_space<vmem>> -> memref<512xf32, #tpu.memory_space<vmem>>
    %dma_wait3A_251 = tpu.memref_slice %arg2[%dma_wait3A_244, %mul3A_2] : memref<20x16384xf32, #tpu.memory_space<hbm>> -> memref<1x512xf32, #tpu.memory_space<hbm>>
    %dma_wait3A_252 = tpu.memref_squeeze %dma_wait3A_251 : memref<1x512xf32, #tpu.memory_space<hbm>> -> memref<512xf32, #tpu.memory_space<hbm>>
    tpu.wait_dma2 semaphore(%arg7 : memref<!tpu.dma_semaphore, #tpu.memory_space<semaphore_mem>>) src(%dma_wait3A_252 : memref<512xf32, #tpu.memory_space<hbm>>) dst(%dma_wait3A_250 : memref<512xf32, #tpu.memory_space<vmem>>)
    %dma_wait3A_253 = arith.constant 5 : i32
    %dma_wait3A_254 = arith.constant 2560 : i32
    %dma_wait3A_255 = tpu.memref_slice %arg5[%dma_wait3A_254] : memref<10240xf32, #tpu.memory_space<vmem>> -> memref<512xf32, #tpu.memory_space<vmem>>
    %dma_wait3A_256 = tpu.memref_slice %arg2[%dma_wait3A_253, %mul3A_2] : memref<20x16384xf32, #tpu.memory_space<hbm>> -> memref<1x512xf32, #tpu.memory_space<hbm>>
    %dma_wait3A_257 = tpu.memref_squeeze %dma_wait3A_256 : memref<1x512xf32, #tpu.memory_space<hbm>> -> memref<512xf32, #tpu.memory_space<hbm>>
    %dma_wait3A_258 = arith.constant 2560 : i32
    %dma_wait3A_259 = tpu.memref_slice %arg5[%dma_wait3A_258] : memref<10240xf32, #tpu.memory_space<vmem>> -> memref<512xf32, #tpu.memory_space<vmem>>
    %dma_wait3A_260 = tpu.memref_slice %arg2[%dma_wait3A_253, %mul3A_2] : memref<20x16384xf32, #tpu.memory_space<hbm>> -> memref<1x512xf32, #tpu.memory_space<hbm>>
    %dma_wait3A_261 = tpu.memref_squeeze %dma_wait3A_260 : memref<1x512xf32, #tpu.memory_space<hbm>> -> memref<512xf32, #tpu.memory_space<hbm>>
    tpu.wait_dma2 semaphore(%arg7 : memref<!tpu.dma_semaphore, #tpu.memory_space<semaphore_mem>>) src(%dma_wait3A_261 : memref<512xf32, #tpu.memory_space<hbm>>) dst(%dma_wait3A_259 : memref<512xf32, #tpu.memory_space<vmem>>)
    %dma_wait3A_262 = arith.constant 6 : i32
    %dma_wait3A_263 = arith.constant 3072 : i32
    %dma_wait3A_264 = tpu.memref_slice %arg5[%dma_wait3A_263] : memref<10240xf32, #tpu.memory_space<vmem>> -> memref<512xf32, #tpu.memory_space<vmem>>
    %dma_wait3A_265 = tpu.memref_slice %arg2[%dma_wait3A_262, %mul3A_2] : memref<20x16384xf32, #tpu.memory_space<hbm>> -> memref<1x512xf32, #tpu.memory_space<hbm>>
    %dma_wait3A_266 = tpu.memref_squeeze %dma_wait3A_265 : memref<1x512xf32, #tpu.memory_space<hbm>> -> memref<512xf32, #tpu.memory_space<hbm>>
    %dma_wait3A_267 = arith.constant 3072 : i32
    %dma_wait3A_268 = tpu.memref_slice %arg5[%dma_wait3A_267] : memref<10240xf32, #tpu.memory_space<vmem>> -> memref<512xf32, #tpu.memory_space<vmem>>
    %dma_wait3A_269 = tpu.memref_slice %arg2[%dma_wait3A_262, %mul3A_2] : memref<20x16384xf32, #tpu.memory_space<hbm>> -> memref<1x512xf32, #tpu.memory_space<hbm>>
    %dma_wait3A_270 = tpu.memref_squeeze %dma_wait3A_269 : memref<1x512xf32, #tpu.memory_space<hbm>> -> memref<512xf32, #tpu.memory_space<hbm>>
    tpu.wait_dma2 semaphore(%arg7 : memref<!tpu.dma_semaphore, #tpu.memory_space<semaphore_mem>>) src(%dma_wait3A_270 : memref<512xf32, #tpu.memory_space<hbm>>) dst(%dma_wait3A_268 : memref<512xf32, #tpu.memory_space<vmem>>)
    %dma_wait3A_271 = arith.constant 7 : i32
    %dma_wait3A_272 = arith.constant 3584 : i32
    %dma_wait3A_273 = tpu.memref_slice %arg5[%dma_wait3A_272] : memref<10240xf32, #tpu.memory_space<vmem>> -> memref<512xf32, #tpu.memory_space<vmem>>
    %dma_wait3A_274 = tpu.memref_slice %arg2[%dma_wait3A_271, %mul3A_2] : memref<20x16384xf32, #tpu.memory_space<hbm>> -> memref<1x512xf32, #tpu.memory_space<hbm>>
    %dma_wait3A_275 = tpu.memref_squeeze %dma_wait3A_274 : memref<1x512xf32, #tpu.memory_space<hbm>> -> memref<512xf32, #tpu.memory_space<hbm>>
    %dma_wait3A_276 = arith.constant 3584 : i32
    %dma_wait3A_277 = tpu.memref_slice %arg5[%dma_wait3A_276] : memref<10240xf32, #tpu.memory_space<vmem>> -> memref<512xf32, #tpu.memory_space<vmem>>
    %dma_wait3A_278 = tpu.memref_slice %arg2[%dma_wait3A_271, %mul3A_2] : memref<20x16384xf32, #tpu.memory_space<hbm>> -> memref<1x512xf32, #tpu.memory_space<hbm>>
    %dma_wait3A_279 = tpu.memref_squeeze %dma_wait3A_278 : memref<1x512xf32, #tpu.memory_space<hbm>> -> memref<512xf32, #tpu.memory_space<hbm>>
    tpu.wait_dma2 semaphore(%arg7 : memref<!tpu.dma_semaphore, #tpu.memory_space<semaphore_mem>>) src(%dma_wait3A_279 : memref<512xf32, #tpu.memory_space<hbm>>) dst(%dma_wait3A_277 : memref<512xf32, #tpu.memory_space<vmem>>)
    %dma_wait3A_280 = arith.constant 8 : i32
    %dma_wait3A_281 = arith.constant 4096 : i32
    %dma_wait3A_282 = tpu.memref_slice %arg5[%dma_wait3A_281] : memref<10240xf32, #tpu.memory_space<vmem>> -> memref<512xf32, #tpu.memory_space<vmem>>
    %dma_wait3A_283 = tpu.memref_slice %arg2[%dma_wait3A_280, %mul3A_2] : memref<20x16384xf32, #tpu.memory_space<hbm>> -> memref<1x512xf32, #tpu.memory_space<hbm>>
    %dma_wait3A_284 = tpu.memref_squeeze %dma_wait3A_283 : memref<1x512xf32, #tpu.memory_space<hbm>> -> memref<512xf32, #tpu.memory_space<hbm>>
    %dma_wait3A_285 = arith.constant 4096 : i32
    %dma_wait3A_286 = tpu.memref_slice %arg5[%dma_wait3A_285] : memref<10240xf32, #tpu.memory_space<vmem>> -> memref<512xf32, #tpu.memory_space<vmem>>
    %dma_wait3A_287 = tpu.memref_slice %arg2[%dma_wait3A_280, %mul3A_2] : memref<20x16384xf32, #tpu.memory_space<hbm>> -> memref<1x512xf32, #tpu.memory_space<hbm>>
    %dma_wait3A_288 = tpu.memref_squeeze %dma_wait3A_287 : memref<1x512xf32, #tpu.memory_space<hbm>> -> memref<512xf32, #tpu.memory_space<hbm>>
    tpu.wait_dma2 semaphore(%arg7 : memref<!tpu.dma_semaphore, #tpu.memory_space<semaphore_mem>>) src(%dma_wait3A_288 : memref<512xf32, #tpu.memory_space<hbm>>) dst(%dma_wait3A_286 : memref<512xf32, #tpu.memory_space<vmem>>)
    %dma_wait3A_289 = arith.constant 9 : i32
    %dma_wait3A_290 = arith.constant 4608 : i32
    %dma_wait3A_291 = tpu.memref_slice %arg5[%dma_wait3A_290] : memref<10240xf32, #tpu.memory_space<vmem>> -> memref<512xf32, #tpu.memory_space<vmem>>
    %dma_wait3A_292 = tpu.memref_slice %arg2[%dma_wait3A_289, %mul3A_2] : memref<20x16384xf32, #tpu.memory_space<hbm>> -> memref<1x512xf32, #tpu.memory_space<hbm>>
    %dma_wait3A_293 = tpu.memref_squeeze %dma_wait3A_292 : memref<1x512xf32, #tpu.memory_space<hbm>> -> memref<512xf32, #tpu.memory_space<hbm>>
    %dma_wait3A_294 = arith.constant 4608 : i32
    %dma_wait3A_295 = tpu.memref_slice %arg5[%dma_wait3A_294] : memref<10240xf32, #tpu.memory_space<vmem>> -> memref<512xf32, #tpu.memory_space<vmem>>
    %dma_wait3A_296 = tpu.memref_slice %arg2[%dma_wait3A_289, %mul3A_2] : memref<20x16384xf32, #tpu.memory_space<hbm>> -> memref<1x512xf32, #tpu.memory_space<hbm>>
    %dma_wait3A_297 = tpu.memref_squeeze %dma_wait3A_296 : memref<1x512xf32, #tpu.memory_space<hbm>> -> memref<512xf32, #tpu.memory_space<hbm>>
    tpu.wait_dma2 semaphore(%arg7 : memref<!tpu.dma_semaphore, #tpu.memory_space<semaphore_mem>>) src(%dma_wait3A_297 : memref<512xf32, #tpu.memory_space<hbm>>) dst(%dma_wait3A_295 : memref<512xf32, #tpu.memory_space<vmem>>)
    %dma_wait3A_298 = arith.constant 10 : i32
    %dma_wait3A_299 = arith.constant 5120 : i32
    %dma_wait3A_300 = tpu.memref_slice %arg5[%dma_wait3A_299] : memref<10240xf32, #tpu.memory_space<vmem>> -> memref<512xf32, #tpu.memory_space<vmem>>
    %dma_wait3A_301 = tpu.memref_slice %arg2[%dma_wait3A_298, %mul3A_2] : memref<20x16384xf32, #tpu.memory_space<hbm>> -> memref<1x512xf32, #tpu.memory_space<hbm>>
    %dma_wait3A_302 = tpu.memref_squeeze %dma_wait3A_301 : memref<1x512xf32, #tpu.memory_space<hbm>> -> memref<512xf32, #tpu.memory_space<hbm>>
    %dma_wait3A_303 = arith.constant 5120 : i32
    %dma_wait3A_304 = tpu.memref_slice %arg5[%dma_wait3A_303] : memref<10240xf32, #tpu.memory_space<vmem>> -> memref<512xf32, #tpu.memory_space<vmem>>
    %dma_wait3A_305 = tpu.memref_slice %arg2[%dma_wait3A_298, %mul3A_2] : memref<20x16384xf32, #tpu.memory_space<hbm>> -> memref<1x512xf32, #tpu.memory_space<hbm>>
    %dma_wait3A_306 = tpu.memref_squeeze %dma_wait3A_305 : memref<1x512xf32, #tpu.memory_space<hbm>> -> memref<512xf32, #tpu.memory_space<hbm>>
    tpu.wait_dma2 semaphore(%arg7 : memref<!tpu.dma_semaphore, #tpu.memory_space<semaphore_mem>>) src(%dma_wait3A_306 : memref<512xf32, #tpu.memory_space<hbm>>) dst(%dma_wait3A_304 : memref<512xf32, #tpu.memory_space<vmem>>)
    %dma_wait3A_307 = arith.constant 11 : i32
    %dma_wait3A_308 = arith.constant 5632 : i32
    %dma_wait3A_309 = tpu.memref_slice %arg5[%dma_wait3A_308] : memref<10240xf32, #tpu.memory_space<vmem>> -> memref<512xf32, #tpu.memory_space<vmem>>
    %dma_wait3A_310 = tpu.memref_slice %arg2[%dma_wait3A_307, %mul3A_2] : memref<20x16384xf32, #tpu.memory_space<hbm>> -> memref<1x512xf32, #tpu.memory_space<hbm>>
    %dma_wait3A_311 = tpu.memref_squeeze %dma_wait3A_310 : memref<1x512xf32, #tpu.memory_space<hbm>> -> memref<512xf32, #tpu.memory_space<hbm>>
    %dma_wait3A_312 = arith.constant 5632 : i32
    %dma_wait3A_313 = tpu.memref_slice %arg5[%dma_wait3A_312] : memref<10240xf32, #tpu.memory_space<vmem>> -> memref<512xf32, #tpu.memory_space<vmem>>
    %dma_wait3A_314 = tpu.memref_slice %arg2[%dma_wait3A_307, %mul3A_2] : memref<20x16384xf32, #tpu.memory_space<hbm>> -> memref<1x512xf32, #tpu.memory_space<hbm>>
    %dma_wait3A_315 = tpu.memref_squeeze %dma_wait3A_314 : memref<1x512xf32, #tpu.memory_space<hbm>> -> memref<512xf32, #tpu.memory_space<hbm>>
    tpu.wait_dma2 semaphore(%arg7 : memref<!tpu.dma_semaphore, #tpu.memory_space<semaphore_mem>>) src(%dma_wait3A_315 : memref<512xf32, #tpu.memory_space<hbm>>) dst(%dma_wait3A_313 : memref<512xf32, #tpu.memory_space<vmem>>)
    %dma_wait3A_316 = arith.constant 12 : i32
    %dma_wait3A_317 = arith.constant 6144 : i32
    %dma_wait3A_318 = tpu.memref_slice %arg5[%dma_wait3A_317] : memref<10240xf32, #tpu.memory_space<vmem>> -> memref<512xf32, #tpu.memory_space<vmem>>
    %dma_wait3A_319 = tpu.memref_slice %arg2[%dma_wait3A_316, %mul3A_2] : memref<20x16384xf32, #tpu.memory_space<hbm>> -> memref<1x512xf32, #tpu.memory_space<hbm>>
    %dma_wait3A_320 = tpu.memref_squeeze %dma_wait3A_319 : memref<1x512xf32, #tpu.memory_space<hbm>> -> memref<512xf32, #tpu.memory_space<hbm>>
    %dma_wait3A_321 = arith.constant 6144 : i32
    %dma_wait3A_322 = tpu.memref_slice %arg5[%dma_wait3A_321] : memref<10240xf32, #tpu.memory_space<vmem>> -> memref<512xf32, #tpu.memory_space<vmem>>
    %dma_wait3A_323 = tpu.memref_slice %arg2[%dma_wait3A_316, %mul3A_2] : memref<20x16384xf32, #tpu.memory_space<hbm>> -> memref<1x512xf32, #tpu.memory_space<hbm>>
    %dma_wait3A_324 = tpu.memref_squeeze %dma_wait3A_323 : memref<1x512xf32, #tpu.memory_space<hbm>> -> memref<512xf32, #tpu.memory_space<hbm>>
    tpu.wait_dma2 semaphore(%arg7 : memref<!tpu.dma_semaphore, #tpu.memory_space<semaphore_mem>>) src(%dma_wait3A_324 : memref<512xf32, #tpu.memory_space<hbm>>) dst(%dma_wait3A_322 : memref<512xf32, #tpu.memory_space<vmem>>)
    %dma_wait3A_325 = arith.constant 13 : i32
    %dma_wait3A_326 = arith.constant 6656 : i32
    %dma_wait3A_327 = tpu.memref_slice %arg5[%dma_wait3A_326] : memref<10240xf32, #tpu.memory_space<vmem>> -> memref<512xf32, #tpu.memory_space<vmem>>
    %dma_wait3A_328 = tpu.memref_slice %arg2[%dma_wait3A_325, %mul3A_2] : memref<20x16384xf32, #tpu.memory_space<hbm>> -> memref<1x512xf32, #tpu.memory_space<hbm>>
    %dma_wait3A_329 = tpu.memref_squeeze %dma_wait3A_328 : memref<1x512xf32, #tpu.memory_space<hbm>> -> memref<512xf32, #tpu.memory_space<hbm>>
    %dma_wait3A_330 = arith.constant 6656 : i32
    %dma_wait3A_331 = tpu.memref_slice %arg5[%dma_wait3A_330] : memref<10240xf32, #tpu.memory_space<vmem>> -> memref<512xf32, #tpu.memory_space<vmem>>
    %dma_wait3A_332 = tpu.memref_slice %arg2[%dma_wait3A_325, %mul3A_2] : memref<20x16384xf32, #tpu.memory_space<hbm>> -> memref<1x512xf32, #tpu.memory_space<hbm>>
    %dma_wait3A_333 = tpu.memref_squeeze %dma_wait3A_332 : memref<1x512xf32, #tpu.memory_space<hbm>> -> memref<512xf32, #tpu.memory_space<hbm>>
    tpu.wait_dma2 semaphore(%arg7 : memref<!tpu.dma_semaphore, #tpu.memory_space<semaphore_mem>>) src(%dma_wait3A_333 : memref<512xf32, #tpu.memory_space<hbm>>) dst(%dma_wait3A_331 : memref<512xf32, #tpu.memory_space<vmem>>)
    %dma_wait3A_334 = arith.constant 14 : i32
    %dma_wait3A_335 = arith.constant 7168 : i32
    %dma_wait3A_336 = tpu.memref_slice %arg5[%dma_wait3A_335] : memref<10240xf32, #tpu.memory_space<vmem>> -> memref<512xf32, #tpu.memory_space<vmem>>
    %dma_wait3A_337 = tpu.memref_slice %arg2[%dma_wait3A_334, %mul3A_2] : memref<20x16384xf32, #tpu.memory_space<hbm>> -> memref<1x512xf32, #tpu.memory_space<hbm>>
    %dma_wait3A_338 = tpu.memref_squeeze %dma_wait3A_337 : memref<1x512xf32, #tpu.memory_space<hbm>> -> memref<512xf32, #tpu.memory_space<hbm>>
    %dma_wait3A_339 = arith.constant 7168 : i32
    %dma_wait3A_340 = tpu.memref_slice %arg5[%dma_wait3A_339] : memref<10240xf32, #tpu.memory_space<vmem>> -> memref<512xf32, #tpu.memory_space<vmem>>
    %dma_wait3A_341 = tpu.memref_slice %arg2[%dma_wait3A_334, %mul3A_2] : memref<20x16384xf32, #tpu.memory_space<hbm>> -> memref<1x512xf32, #tpu.memory_space<hbm>>
    %dma_wait3A_342 = tpu.memref_squeeze %dma_wait3A_341 : memref<1x512xf32, #tpu.memory_space<hbm>> -> memref<512xf32, #tpu.memory_space<hbm>>
    tpu.wait_dma2 semaphore(%arg7 : memref<!tpu.dma_semaphore, #tpu.memory_space<semaphore_mem>>) src(%dma_wait3A_342 : memref<512xf32, #tpu.memory_space<hbm>>) dst(%dma_wait3A_340 : memref<512xf32, #tpu.memory_space<vmem>>)
    %dma_wait3A_343 = arith.constant 15 : i32
    %dma_wait3A_344 = arith.constant 7680 : i32
    %dma_wait3A_345 = tpu.memref_slice %arg5[%dma_wait3A_344] : memref<10240xf32, #tpu.memory_space<vmem>> -> memref<512xf32, #tpu.memory_space<vmem>>
    %dma_wait3A_346 = tpu.memref_slice %arg2[%dma_wait3A_343, %mul3A_2] : memref<20x16384xf32, #tpu.memory_space<hbm>> -> memref<1x512xf32, #tpu.memory_space<hbm>>
    %dma_wait3A_347 = tpu.memref_squeeze %dma_wait3A_346 : memref<1x512xf32, #tpu.memory_space<hbm>> -> memref<512xf32, #tpu.memory_space<hbm>>
    %dma_wait3A_348 = arith.constant 7680 : i32
    %dma_wait3A_349 = tpu.memref_slice %arg5[%dma_wait3A_348] : memref<10240xf32, #tpu.memory_space<vmem>> -> memref<512xf32, #tpu.memory_space<vmem>>
    %dma_wait3A_350 = tpu.memref_slice %arg2[%dma_wait3A_343, %mul3A_2] : memref<20x16384xf32, #tpu.memory_space<hbm>> -> memref<1x512xf32, #tpu.memory_space<hbm>>
    %dma_wait3A_351 = tpu.memref_squeeze %dma_wait3A_350 : memref<1x512xf32, #tpu.memory_space<hbm>> -> memref<512xf32, #tpu.memory_space<hbm>>
    tpu.wait_dma2 semaphore(%arg7 : memref<!tpu.dma_semaphore, #tpu.memory_space<semaphore_mem>>) src(%dma_wait3A_351 : memref<512xf32, #tpu.memory_space<hbm>>) dst(%dma_wait3A_349 : memref<512xf32, #tpu.memory_space<vmem>>)
    %dma_wait3A_352 = arith.constant 16 : i32
    %dma_wait3A_353 = arith.constant 8192 : i32
    %dma_wait3A_354 = tpu.memref_slice %arg5[%dma_wait3A_353] : memref<10240xf32, #tpu.memory_space<vmem>> -> memref<512xf32, #tpu.memory_space<vmem>>
    %dma_wait3A_355 = tpu.memref_slice %arg2[%dma_wait3A_352, %mul3A_2] : memref<20x16384xf32, #tpu.memory_space<hbm>> -> memref<1x512xf32, #tpu.memory_space<hbm>>
    %dma_wait3A_356 = tpu.memref_squeeze %dma_wait3A_355 : memref<1x512xf32, #tpu.memory_space<hbm>> -> memref<512xf32, #tpu.memory_space<hbm>>
    %dma_wait3A_357 = arith.constant 8192 : i32
    %dma_wait3A_358 = tpu.memref_slice %arg5[%dma_wait3A_357] : memref<10240xf32, #tpu.memory_space<vmem>> -> memref<512xf32, #tpu.memory_space<vmem>>
    %dma_wait3A_359 = tpu.memref_slice %arg2[%dma_wait3A_352, %mul3A_2] : memref<20x16384xf32, #tpu.memory_space<hbm>> -> memref<1x512xf32, #tpu.memory_space<hbm>>
    %dma_wait3A_360 = tpu.memref_squeeze %dma_wait3A_359 : memref<1x512xf32, #tpu.memory_space<hbm>> -> memref<512xf32, #tpu.memory_space<hbm>>
    tpu.wait_dma2 semaphore(%arg7 : memref<!tpu.dma_semaphore, #tpu.memory_space<semaphore_mem>>) src(%dma_wait3A_360 : memref<512xf32, #tpu.memory_space<hbm>>) dst(%dma_wait3A_358 : memref<512xf32, #tpu.memory_space<vmem>>)
    %dma_wait3A_361 = arith.constant 17 : i32
    %dma_wait3A_362 = arith.constant 8704 : i32
    %dma_wait3A_363 = tpu.memref_slice %arg5[%dma_wait3A_362] : memref<10240xf32, #tpu.memory_space<vmem>> -> memref<512xf32, #tpu.memory_space<vmem>>
    %dma_wait3A_364 = tpu.memref_slice %arg2[%dma_wait3A_361, %mul3A_2] : memref<20x16384xf32, #tpu.memory_space<hbm>> -> memref<1x512xf32, #tpu.memory_space<hbm>>
    %dma_wait3A_365 = tpu.memref_squeeze %dma_wait3A_364 : memref<1x512xf32, #tpu.memory_space<hbm>> -> memref<512xf32, #tpu.memory_space<hbm>>
    %dma_wait3A_366 = arith.constant 8704 : i32
    %dma_wait3A_367 = tpu.memref_slice %arg5[%dma_wait3A_366] : memref<10240xf32, #tpu.memory_space<vmem>> -> memref<512xf32, #tpu.memory_space<vmem>>
    %dma_wait3A_368 = tpu.memref_slice %arg2[%dma_wait3A_361, %mul3A_2] : memref<20x16384xf32, #tpu.memory_space<hbm>> -> memref<1x512xf32, #tpu.memory_space<hbm>>
    %dma_wait3A_369 = tpu.memref_squeeze %dma_wait3A_368 : memref<1x512xf32, #tpu.memory_space<hbm>> -> memref<512xf32, #tpu.memory_space<hbm>>
    tpu.wait_dma2 semaphore(%arg7 : memref<!tpu.dma_semaphore, #tpu.memory_space<semaphore_mem>>) src(%dma_wait3A_369 : memref<512xf32, #tpu.memory_space<hbm>>) dst(%dma_wait3A_367 : memref<512xf32, #tpu.memory_space<vmem>>)
    %dma_wait3A_370 = arith.constant 18 : i32
    %dma_wait3A_371 = arith.constant 9216 : i32
    %dma_wait3A_372 = tpu.memref_slice %arg5[%dma_wait3A_371] : memref<10240xf32, #tpu.memory_space<vmem>> -> memref<512xf32, #tpu.memory_space<vmem>>
    %dma_wait3A_373 = tpu.memref_slice %arg2[%dma_wait3A_370, %mul3A_2] : memref<20x16384xf32, #tpu.memory_space<hbm>> -> memref<1x512xf32, #tpu.memory_space<hbm>>
    %dma_wait3A_374 = tpu.memref_squeeze %dma_wait3A_373 : memref<1x512xf32, #tpu.memory_space<hbm>> -> memref<512xf32, #tpu.memory_space<hbm>>
    %dma_wait3A_375 = arith.constant 9216 : i32
    %dma_wait3A_376 = tpu.memref_slice %arg5[%dma_wait3A_375] : memref<10240xf32, #tpu.memory_space<vmem>> -> memref<512xf32, #tpu.memory_space<vmem>>
    %dma_wait3A_377 = tpu.memref_slice %arg2[%dma_wait3A_370, %mul3A_2] : memref<20x16384xf32, #tpu.memory_space<hbm>> -> memref<1x512xf32, #tpu.memory_space<hbm>>
    %dma_wait3A_378 = tpu.memref_squeeze %dma_wait3A_377 : memref<1x512xf32, #tpu.memory_space<hbm>> -> memref<512xf32, #tpu.memory_space<hbm>>
    tpu.wait_dma2 semaphore(%arg7 : memref<!tpu.dma_semaphore, #tpu.memory_space<semaphore_mem>>) src(%dma_wait3A_378 : memref<512xf32, #tpu.memory_space<hbm>>) dst(%dma_wait3A_376 : memref<512xf32, #tpu.memory_space<vmem>>)
    %dma_wait3A_379 = arith.constant 19 : i32
    %dma_wait3A_380 = arith.constant 9728 : i32
    %dma_wait3A_381 = tpu.memref_slice %arg5[%dma_wait3A_380] : memref<10240xf32, #tpu.memory_space<vmem>> -> memref<512xf32, #tpu.memory_space<vmem>>
    %dma_wait3A_382 = tpu.memref_slice %arg2[%dma_wait3A_379, %mul3A_2] : memref<20x16384xf32, #tpu.memory_space<hbm>> -> memref<1x512xf32, #tpu.memory_space<hbm>>
    %dma_wait3A_383 = tpu.memref_squeeze %dma_wait3A_382 : memref<1x512xf32, #tpu.memory_space<hbm>> -> memref<512xf32, #tpu.memory_space<hbm>>
    %dma_wait3A_384 = arith.constant 9728 : i32
    %dma_wait3A_385 = tpu.memref_slice %arg5[%dma_wait3A_384] : memref<10240xf32, #tpu.memory_space<vmem>> -> memref<512xf32, #tpu.memory_space<vmem>>
    %dma_wait3A_386 = tpu.memref_slice %arg2[%dma_wait3A_379, %mul3A_2] : memref<20x16384xf32, #tpu.memory_space<hbm>> -> memref<1x512xf32, #tpu.memory_space<hbm>>
    %dma_wait3A_387 = tpu.memref_squeeze %dma_wait3A_386 : memref<1x512xf32, #tpu.memory_space<hbm>> -> memref<512xf32, #tpu.memory_space<hbm>>
    tpu.wait_dma2 semaphore(%arg7 : memref<!tpu.dma_semaphore, #tpu.memory_space<semaphore_mem>>) src(%dma_wait3A_387 : memref<512xf32, #tpu.memory_space<hbm>>) dst(%dma_wait3A_385 : memref<512xf32, #tpu.memory_space<vmem>>)
    %dma_wait3A_388 = arith.constant 1 : i32
    %dma_wait3A_389 = arith.constant 0 : i32
    %dma_wait3A_390 = tpu.memref_slice %arg6[%dma_wait3A_389] : memref<1536xf32, #tpu.memory_space<vmem>> -> memref<512xf32, #tpu.memory_space<vmem>>
    %dma_wait3A_391 = tpu.memref_slice %arg3[%dma_wait3A_388, %mul3A_2] : memref<8x16384xf32, #tpu.memory_space<hbm>> -> memref<1x512xf32, #tpu.memory_space<hbm>>
    %dma_wait3A_392 = tpu.memref_squeeze %dma_wait3A_391 : memref<1x512xf32, #tpu.memory_space<hbm>> -> memref<512xf32, #tpu.memory_space<hbm>>
    %dma_wait3A_393 = arith.constant 0 : i32
    %dma_wait3A_394 = tpu.memref_slice %arg6[%dma_wait3A_393] : memref<1536xf32, #tpu.memory_space<vmem>> -> memref<512xf32, #tpu.memory_space<vmem>>
    %dma_wait3A_395 = tpu.memref_slice %arg3[%dma_wait3A_388, %mul3A_2] : memref<8x16384xf32, #tpu.memory_space<hbm>> -> memref<1x512xf32, #tpu.memory_space<hbm>>
    %dma_wait3A_396 = tpu.memref_squeeze %dma_wait3A_395 : memref<1x512xf32, #tpu.memory_space<hbm>> -> memref<512xf32, #tpu.memory_space<hbm>>
    tpu.wait_dma2 semaphore(%arg7 : memref<!tpu.dma_semaphore, #tpu.memory_space<semaphore_mem>>) src(%dma_wait3A_396 : memref<512xf32, #tpu.memory_space<hbm>>) dst(%dma_wait3A_394 : memref<512xf32, #tpu.memory_space<vmem>>)
    %dma_wait3A_397 = arith.constant 3 : i32
    %dma_wait3A_398 = arith.constant 512 : i32
    %dma_wait3A_399 = tpu.memref_slice %arg6[%dma_wait3A_398] : memref<1536xf32, #tpu.memory_space<vmem>> -> memref<512xf32, #tpu.memory_space<vmem>>
    %dma_wait3A_400 = tpu.memref_slice %arg3[%dma_wait3A_397, %mul3A_2] : memref<8x16384xf32, #tpu.memory_space<hbm>> -> memref<1x512xf32, #tpu.memory_space<hbm>>
    %dma_wait3A_401 = tpu.memref_squeeze %dma_wait3A_400 : memref<1x512xf32, #tpu.memory_space<hbm>> -> memref<512xf32, #tpu.memory_space<hbm>>
    %dma_wait3A_402 = arith.constant 512 : i32
    %dma_wait3A_403 = tpu.memref_slice %arg6[%dma_wait3A_402] : memref<1536xf32, #tpu.memory_space<vmem>> -> memref<512xf32, #tpu.memory_space<vmem>>
    %dma_wait3A_404 = tpu.memref_slice %arg3[%dma_wait3A_397, %mul3A_2] : memref<8x16384xf32, #tpu.memory_space<hbm>> -> memref<1x512xf32, #tpu.memory_space<hbm>>
    %dma_wait3A_405 = tpu.memref_squeeze %dma_wait3A_404 : memref<1x512xf32, #tpu.memory_space<hbm>> -> memref<512xf32, #tpu.memory_space<hbm>>
    tpu.wait_dma2 semaphore(%arg7 : memref<!tpu.dma_semaphore, #tpu.memory_space<semaphore_mem>>) src(%dma_wait3A_405 : memref<512xf32, #tpu.memory_space<hbm>>) dst(%dma_wait3A_403 : memref<512xf32, #tpu.memory_space<vmem>>)
    %dma_wait3A_406 = arith.constant 5 : i32
    %dma_wait3A_407 = arith.constant 1024 : i32
    %dma_wait3A_408 = tpu.memref_slice %arg6[%dma_wait3A_407] : memref<1536xf32, #tpu.memory_space<vmem>> -> memref<512xf32, #tpu.memory_space<vmem>>
    %dma_wait3A_409 = tpu.memref_slice %arg3[%dma_wait3A_406, %mul3A_2] : memref<8x16384xf32, #tpu.memory_space<hbm>> -> memref<1x512xf32, #tpu.memory_space<hbm>>
    %dma_wait3A_410 = tpu.memref_squeeze %dma_wait3A_409 : memref<1x512xf32, #tpu.memory_space<hbm>> -> memref<512xf32, #tpu.memory_space<hbm>>
    %dma_wait3A_411 = arith.constant 1024 : i32
    %dma_wait3A_412 = tpu.memref_slice %arg6[%dma_wait3A_411] : memref<1536xf32, #tpu.memory_space<vmem>> -> memref<512xf32, #tpu.memory_space<vmem>>
    %dma_wait3A_413 = tpu.memref_slice %arg3[%dma_wait3A_406, %mul3A_2] : memref<8x16384xf32, #tpu.memory_space<hbm>> -> memref<1x512xf32, #tpu.memory_space<hbm>>
    %dma_wait3A_414 = tpu.memref_squeeze %dma_wait3A_413 : memref<1x512xf32, #tpu.memory_space<hbm>> -> memref<512xf32, #tpu.memory_space<hbm>>
    tpu.wait_dma2 semaphore(%arg7 : memref<!tpu.dma_semaphore, #tpu.memory_space<semaphore_mem>>) src(%dma_wait3A_414 : memref<512xf32, #tpu.memory_space<hbm>>) dst(%dma_wait3A_412 : memref<512xf32, #tpu.memory_space<vmem>>)
    %dma_start3A_415 = arith.constant 0 : i32
    %dma_start3A_416 = arith.constant 0 : i32
    %dma_start3A_417 = tpu.memref_slice %arg5[%dma_start3A_416] : memref<10240xf32, #tpu.memory_space<vmem>> -> memref<512xf32, #tpu.memory_space<vmem>>
    %dma_start3A_418 = tpu.memref_slice %arg4[%dma_start3A_415, %mul3A_2] : memref<20x16384xf32, #tpu.memory_space<hbm>> -> memref<1x512xf32, #tpu.memory_space<hbm>>
    %dma_start3A_419 = tpu.memref_squeeze %dma_start3A_418 : memref<1x512xf32, #tpu.memory_space<hbm>> -> memref<512xf32, #tpu.memory_space<hbm>>
    %dma_start3A_420 = tpu.memref_slice %arg4[%dma_start3A_415, %mul3A_2] : memref<20x16384xf32, #tpu.memory_space<hbm>> -> memref<1x512xf32, #tpu.memory_space<hbm>>
    %dma_start3A_421 = tpu.memref_squeeze %dma_start3A_420 : memref<1x512xf32, #tpu.memory_space<hbm>> -> memref<512xf32, #tpu.memory_space<hbm>>
    %dma_start3A_422 = arith.constant 0 : i32
    %dma_start3A_423 = tpu.memref_slice %arg5[%dma_start3A_422] : memref<10240xf32, #tpu.memory_space<vmem>> -> memref<512xf32, #tpu.memory_space<vmem>>
    tpu.enqueue_dma source(%dma_start3A_423 : memref<512xf32, #tpu.memory_space<vmem>>) target(%dma_start3A_421 : memref<512xf32, #tpu.memory_space<hbm>>) target_semaphore(%arg7 : memref<!tpu.dma_semaphore, #tpu.memory_space<semaphore_mem>>)
    %dma_start3A_424 = arith.constant 6 : i32
    %dma_start3A_425 = arith.constant 3072 : i32
    %dma_start3A_426 = tpu.memref_slice %arg5[%dma_start3A_425] : memref<10240xf32, #tpu.memory_space<vmem>> -> memref<512xf32, #tpu.memory_space<vmem>>
    %dma_start3A_427 = tpu.memref_slice %arg4[%dma_start3A_424, %mul3A_2] : memref<20x16384xf32, #tpu.memory_space<hbm>> -> memref<1x512xf32, #tpu.memory_space<hbm>>
    %dma_start3A_428 = tpu.memref_squeeze %dma_start3A_427 : memref<1x512xf32, #tpu.memory_space<hbm>> -> memref<512xf32, #tpu.memory_space<hbm>>
    %dma_start3A_429 = tpu.memref_slice %arg4[%dma_start3A_424, %mul3A_2] : memref<20x16384xf32, #tpu.memory_space<hbm>> -> memref<1x512xf32, #tpu.memory_space<hbm>>
    %dma_start3A_430 = tpu.memref_squeeze %dma_start3A_429 : memref<1x512xf32, #tpu.memory_space<hbm>> -> memref<512xf32, #tpu.memory_space<hbm>>
    %dma_start3A_431 = arith.constant 3072 : i32
    %dma_start3A_432 = tpu.memref_slice %arg5[%dma_start3A_431] : memref<10240xf32, #tpu.memory_space<vmem>> -> memref<512xf32, #tpu.memory_space<vmem>>
    tpu.enqueue_dma source(%dma_start3A_432 : memref<512xf32, #tpu.memory_space<vmem>>) target(%dma_start3A_430 : memref<512xf32, #tpu.memory_space<hbm>>) target_semaphore(%arg7 : memref<!tpu.dma_semaphore, #tpu.memory_space<semaphore_mem>>)
    %dma_start3A_433 = arith.constant 7 : i32
    %dma_start3A_434 = arith.constant 3584 : i32
    %dma_start3A_435 = tpu.memref_slice %arg5[%dma_start3A_434] : memref<10240xf32, #tpu.memory_space<vmem>> -> memref<512xf32, #tpu.memory_space<vmem>>
    %dma_start3A_436 = tpu.memref_slice %arg4[%dma_start3A_433, %mul3A_2] : memref<20x16384xf32, #tpu.memory_space<hbm>> -> memref<1x512xf32, #tpu.memory_space<hbm>>
    %dma_start3A_437 = tpu.memref_squeeze %dma_start3A_436 : memref<1x512xf32, #tpu.memory_space<hbm>> -> memref<512xf32, #tpu.memory_space<hbm>>
    %dma_start3A_438 = tpu.memref_slice %arg4[%dma_start3A_433, %mul3A_2] : memref<20x16384xf32, #tpu.memory_space<hbm>> -> memref<1x512xf32, #tpu.memory_space<hbm>>
    %dma_start3A_439 = tpu.memref_squeeze %dma_start3A_438 : memref<1x512xf32, #tpu.memory_space<hbm>> -> memref<512xf32, #tpu.memory_space<hbm>>
    %dma_start3A_440 = arith.constant 3584 : i32
    %dma_start3A_441 = tpu.memref_slice %arg5[%dma_start3A_440] : memref<10240xf32, #tpu.memory_space<vmem>> -> memref<512xf32, #tpu.memory_space<vmem>>
    tpu.enqueue_dma source(%dma_start3A_441 : memref<512xf32, #tpu.memory_space<vmem>>) target(%dma_start3A_439 : memref<512xf32, #tpu.memory_space<hbm>>) target_semaphore(%arg7 : memref<!tpu.dma_semaphore, #tpu.memory_space<semaphore_mem>>)
    %dma_start3A_442 = arith.constant 8 : i32
    %dma_start3A_443 = arith.constant 4096 : i32
    %dma_start3A_444 = tpu.memref_slice %arg5[%dma_start3A_443] : memref<10240xf32, #tpu.memory_space<vmem>> -> memref<512xf32, #tpu.memory_space<vmem>>
    %dma_start3A_445 = tpu.memref_slice %arg4[%dma_start3A_442, %mul3A_2] : memref<20x16384xf32, #tpu.memory_space<hbm>> -> memref<1x512xf32, #tpu.memory_space<hbm>>
    %dma_start3A_446 = tpu.memref_squeeze %dma_start3A_445 : memref<1x512xf32, #tpu.memory_space<hbm>> -> memref<512xf32, #tpu.memory_space<hbm>>
    %dma_start3A_447 = tpu.memref_slice %arg4[%dma_start3A_442, %mul3A_2] : memref<20x16384xf32, #tpu.memory_space<hbm>> -> memref<1x512xf32, #tpu.memory_space<hbm>>
    %dma_start3A_448 = tpu.memref_squeeze %dma_start3A_447 : memref<1x512xf32, #tpu.memory_space<hbm>> -> memref<512xf32, #tpu.memory_space<hbm>>
    %dma_start3A_449 = arith.constant 4096 : i32
    %dma_start3A_450 = tpu.memref_slice %arg5[%dma_start3A_449] : memref<10240xf32, #tpu.memory_space<vmem>> -> memref<512xf32, #tpu.memory_space<vmem>>
    tpu.enqueue_dma source(%dma_start3A_450 : memref<512xf32, #tpu.memory_space<vmem>>) target(%dma_start3A_448 : memref<512xf32, #tpu.memory_space<hbm>>) target_semaphore(%arg7 : memref<!tpu.dma_semaphore, #tpu.memory_space<semaphore_mem>>)
    %dma_start3A_451 = arith.constant 9 : i32
    %dma_start3A_452 = arith.constant 4608 : i32
    %dma_start3A_453 = tpu.memref_slice %arg5[%dma_start3A_452] : memref<10240xf32, #tpu.memory_space<vmem>> -> memref<512xf32, #tpu.memory_space<vmem>>
    %dma_start3A_454 = tpu.memref_slice %arg4[%dma_start3A_451, %mul3A_2] : memref<20x16384xf32, #tpu.memory_space<hbm>> -> memref<1x512xf32, #tpu.memory_space<hbm>>
    %dma_start3A_455 = tpu.memref_squeeze %dma_start3A_454 : memref<1x512xf32, #tpu.memory_space<hbm>> -> memref<512xf32, #tpu.memory_space<hbm>>
    %dma_start3A_456 = tpu.memref_slice %arg4[%dma_start3A_451, %mul3A_2] : memref<20x16384xf32, #tpu.memory_space<hbm>> -> memref<1x512xf32, #tpu.memory_space<hbm>>
    %dma_start3A_457 = tpu.memref_squeeze %dma_start3A_456 : memref<1x512xf32, #tpu.memory_space<hbm>> -> memref<512xf32, #tpu.memory_space<hbm>>
    %dma_start3A_458 = arith.constant 4608 : i32
    %dma_start3A_459 = tpu.memref_slice %arg5[%dma_start3A_458] : memref<10240xf32, #tpu.memory_space<vmem>> -> memref<512xf32, #tpu.memory_space<vmem>>
    tpu.enqueue_dma source(%dma_start3A_459 : memref<512xf32, #tpu.memory_space<vmem>>) target(%dma_start3A_457 : memref<512xf32, #tpu.memory_space<hbm>>) target_semaphore(%arg7 : memref<!tpu.dma_semaphore, #tpu.memory_space<semaphore_mem>>)
    %dma_start3A_460 = arith.constant 10 : i32
    %dma_start3A_461 = arith.constant 5120 : i32
    %dma_start3A_462 = tpu.memref_slice %arg5[%dma_start3A_461] : memref<10240xf32, #tpu.memory_space<vmem>> -> memref<512xf32, #tpu.memory_space<vmem>>
    %dma_start3A_463 = tpu.memref_slice %arg4[%dma_start3A_460, %mul3A_2] : memref<20x16384xf32, #tpu.memory_space<hbm>> -> memref<1x512xf32, #tpu.memory_space<hbm>>
    %dma_start3A_464 = tpu.memref_squeeze %dma_start3A_463 : memref<1x512xf32, #tpu.memory_space<hbm>> -> memref<512xf32, #tpu.memory_space<hbm>>
    %dma_start3A_465 = tpu.memref_slice %arg4[%dma_start3A_460, %mul3A_2] : memref<20x16384xf32, #tpu.memory_space<hbm>> -> memref<1x512xf32, #tpu.memory_space<hbm>>
    %dma_start3A_466 = tpu.memref_squeeze %dma_start3A_465 : memref<1x512xf32, #tpu.memory_space<hbm>> -> memref<512xf32, #tpu.memory_space<hbm>>
    %dma_start3A_467 = arith.constant 5120 : i32
    %dma_start3A_468 = tpu.memref_slice %arg5[%dma_start3A_467] : memref<10240xf32, #tpu.memory_space<vmem>> -> memref<512xf32, #tpu.memory_space<vmem>>
    tpu.enqueue_dma source(%dma_start3A_468 : memref<512xf32, #tpu.memory_space<vmem>>) target(%dma_start3A_466 : memref<512xf32, #tpu.memory_space<hbm>>) target_semaphore(%arg7 : memref<!tpu.dma_semaphore, #tpu.memory_space<semaphore_mem>>)
    %dma_start3A_469 = arith.constant 12 : i32
    %dma_start3A_470 = arith.constant 6144 : i32
    %dma_start3A_471 = tpu.memref_slice %arg5[%dma_start3A_470] : memref<10240xf32, #tpu.memory_space<vmem>> -> memref<512xf32, #tpu.memory_space<vmem>>
    %dma_start3A_472 = tpu.memref_slice %arg4[%dma_start3A_469, %mul3A_2] : memref<20x16384xf32, #tpu.memory_space<hbm>> -> memref<1x512xf32, #tpu.memory_space<hbm>>
    %dma_start3A_473 = tpu.memref_squeeze %dma_start3A_472 : memref<1x512xf32, #tpu.memory_space<hbm>> -> memref<512xf32, #tpu.memory_space<hbm>>
    %dma_start3A_474 = tpu.memref_slice %arg4[%dma_start3A_469, %mul3A_2] : memref<20x16384xf32, #tpu.memory_space<hbm>> -> memref<1x512xf32, #tpu.memory_space<hbm>>
    %dma_start3A_475 = tpu.memref_squeeze %dma_start3A_474 : memref<1x512xf32, #tpu.memory_space<hbm>> -> memref<512xf32, #tpu.memory_space<hbm>>
    %dma_start3A_476 = arith.constant 6144 : i32
    %dma_start3A_477 = tpu.memref_slice %arg5[%dma_start3A_476] : memref<10240xf32, #tpu.memory_space<vmem>> -> memref<512xf32, #tpu.memory_space<vmem>>
    tpu.enqueue_dma source(%dma_start3A_477 : memref<512xf32, #tpu.memory_space<vmem>>) target(%dma_start3A_475 : memref<512xf32, #tpu.memory_space<hbm>>) target_semaphore(%arg7 : memref<!tpu.dma_semaphore, #tpu.memory_space<semaphore_mem>>)
    %dma_start3A_478 = arith.constant 13 : i32
    %dma_start3A_479 = arith.constant 6656 : i32
    %dma_start3A_480 = tpu.memref_slice %arg5[%dma_start3A_479] : memref<10240xf32, #tpu.memory_space<vmem>> -> memref<512xf32, #tpu.memory_space<vmem>>
    %dma_start3A_481 = tpu.memref_slice %arg4[%dma_start3A_478, %mul3A_2] : memref<20x16384xf32, #tpu.memory_space<hbm>> -> memref<1x512xf32, #tpu.memory_space<hbm>>
    %dma_start3A_482 = tpu.memref_squeeze %dma_start3A_481 : memref<1x512xf32, #tpu.memory_space<hbm>> -> memref<512xf32, #tpu.memory_space<hbm>>
    %dma_start3A_483 = tpu.memref_slice %arg4[%dma_start3A_478, %mul3A_2] : memref<20x16384xf32, #tpu.memory_space<hbm>> -> memref<1x512xf32, #tpu.memory_space<hbm>>
    %dma_start3A_484 = tpu.memref_squeeze %dma_start3A_483 : memref<1x512xf32, #tpu.memory_space<hbm>> -> memref<512xf32, #tpu.memory_space<hbm>>
    %dma_start3A_485 = arith.constant 6656 : i32
    %dma_start3A_486 = tpu.memref_slice %arg5[%dma_start3A_485] : memref<10240xf32, #tpu.memory_space<vmem>> -> memref<512xf32, #tpu.memory_space<vmem>>
    tpu.enqueue_dma source(%dma_start3A_486 : memref<512xf32, #tpu.memory_space<vmem>>) target(%dma_start3A_484 : memref<512xf32, #tpu.memory_space<hbm>>) target_semaphore(%arg7 : memref<!tpu.dma_semaphore, #tpu.memory_space<semaphore_mem>>)
    %dma_start3A_487 = arith.constant 14 : i32
    %dma_start3A_488 = arith.constant 7168 : i32
    %dma_start3A_489 = tpu.memref_slice %arg5[%dma_start3A_488] : memref<10240xf32, #tpu.memory_space<vmem>> -> memref<512xf32, #tpu.memory_space<vmem>>
    %dma_start3A_490 = tpu.memref_slice %arg4[%dma_start3A_487, %mul3A_2] : memref<20x16384xf32, #tpu.memory_space<hbm>> -> memref<1x512xf32, #tpu.memory_space<hbm>>
    %dma_start3A_491 = tpu.memref_squeeze %dma_start3A_490 : memref<1x512xf32, #tpu.memory_space<hbm>> -> memref<512xf32, #tpu.memory_space<hbm>>
    %dma_start3A_492 = tpu.memref_slice %arg4[%dma_start3A_487, %mul3A_2] : memref<20x16384xf32, #tpu.memory_space<hbm>> -> memref<1x512xf32, #tpu.memory_space<hbm>>
    %dma_start3A_493 = tpu.memref_squeeze %dma_start3A_492 : memref<1x512xf32, #tpu.memory_space<hbm>> -> memref<512xf32, #tpu.memory_space<hbm>>
    %dma_start3A_494 = arith.constant 7168 : i32
    %dma_start3A_495 = tpu.memref_slice %arg5[%dma_start3A_494] : memref<10240xf32, #tpu.memory_space<vmem>> -> memref<512xf32, #tpu.memory_space<vmem>>
    tpu.enqueue_dma source(%dma_start3A_495 : memref<512xf32, #tpu.memory_space<vmem>>) target(%dma_start3A_493 : memref<512xf32, #tpu.memory_space<hbm>>) target_semaphore(%arg7 : memref<!tpu.dma_semaphore, #tpu.memory_space<semaphore_mem>>)
    %dma_start3A_496 = arith.constant 15 : i32
    %dma_start3A_497 = arith.constant 7680 : i32
    %dma_start3A_498 = tpu.memref_slice %arg5[%dma_start3A_497] : memref<10240xf32, #tpu.memory_space<vmem>> -> memref<512xf32, #tpu.memory_space<vmem>>
    %dma_start3A_499 = tpu.memref_slice %arg4[%dma_start3A_496, %mul3A_2] : memref<20x16384xf32, #tpu.memory_space<hbm>> -> memref<1x512xf32, #tpu.memory_space<hbm>>
    %dma_start3A_500 = tpu.memref_squeeze %dma_start3A_499 : memref<1x512xf32, #tpu.memory_space<hbm>> -> memref<512xf32, #tpu.memory_space<hbm>>
    %dma_start3A_501 = tpu.memref_slice %arg4[%dma_start3A_496, %mul3A_2] : memref<20x16384xf32, #tpu.memory_space<hbm>> -> memref<1x512xf32, #tpu.memory_space<hbm>>
    %dma_start3A_502 = tpu.memref_squeeze %dma_start3A_501 : memref<1x512xf32, #tpu.memory_space<hbm>> -> memref<512xf32, #tpu.memory_space<hbm>>
    %dma_start3A_503 = arith.constant 7680 : i32
    %dma_start3A_504 = tpu.memref_slice %arg5[%dma_start3A_503] : memref<10240xf32, #tpu.memory_space<vmem>> -> memref<512xf32, #tpu.memory_space<vmem>>
    tpu.enqueue_dma source(%dma_start3A_504 : memref<512xf32, #tpu.memory_space<vmem>>) target(%dma_start3A_502 : memref<512xf32, #tpu.memory_space<hbm>>) target_semaphore(%arg7 : memref<!tpu.dma_semaphore, #tpu.memory_space<semaphore_mem>>)
    %dma_start3A_505 = arith.constant 16 : i32
    %dma_start3A_506 = arith.constant 8192 : i32
    %dma_start3A_507 = tpu.memref_slice %arg5[%dma_start3A_506] : memref<10240xf32, #tpu.memory_space<vmem>> -> memref<512xf32, #tpu.memory_space<vmem>>
    %dma_start3A_508 = tpu.memref_slice %arg4[%dma_start3A_505, %mul3A_2] : memref<20x16384xf32, #tpu.memory_space<hbm>> -> memref<1x512xf32, #tpu.memory_space<hbm>>
    %dma_start3A_509 = tpu.memref_squeeze %dma_start3A_508 : memref<1x512xf32, #tpu.memory_space<hbm>> -> memref<512xf32, #tpu.memory_space<hbm>>
    %dma_start3A_510 = tpu.memref_slice %arg4[%dma_start3A_505, %mul3A_2] : memref<20x16384xf32, #tpu.memory_space<hbm>> -> memref<1x512xf32, #tpu.memory_space<hbm>>
    %dma_start3A_511 = tpu.memref_squeeze %dma_start3A_510 : memref<1x512xf32, #tpu.memory_space<hbm>> -> memref<512xf32, #tpu.memory_space<hbm>>
    %dma_start3A_512 = arith.constant 8192 : i32
    %dma_start3A_513 = tpu.memref_slice %arg5[%dma_start3A_512] : memref<10240xf32, #tpu.memory_space<vmem>> -> memref<512xf32, #tpu.memory_space<vmem>>
    tpu.enqueue_dma source(%dma_start3A_513 : memref<512xf32, #tpu.memory_space<vmem>>) target(%dma_start3A_511 : memref<512xf32, #tpu.memory_space<hbm>>) target_semaphore(%arg7 : memref<!tpu.dma_semaphore, #tpu.memory_space<semaphore_mem>>)
    %dma_start3A_514 = arith.constant 19 : i32
    %dma_start3A_515 = arith.constant 9728 : i32
    %dma_start3A_516 = tpu.memref_slice %arg5[%dma_start3A_515] : memref<10240xf32, #tpu.memory_space<vmem>> -> memref<512xf32, #tpu.memory_space<vmem>>
    %dma_start3A_517 = tpu.memref_slice %arg4[%dma_start3A_514, %mul3A_2] : memref<20x16384xf32, #tpu.memory_space<hbm>> -> memref<1x512xf32, #tpu.memory_space<hbm>>
    %dma_start3A_518 = tpu.memref_squeeze %dma_start3A_517 : memref<1x512xf32, #tpu.memory_space<hbm>> -> memref<512xf32, #tpu.memory_space<hbm>>
    %dma_start3A_519 = tpu.memref_slice %arg4[%dma_start3A_514, %mul3A_2] : memref<20x16384xf32, #tpu.memory_space<hbm>> -> memref<1x512xf32, #tpu.memory_space<hbm>>
    %dma_start3A_520 = tpu.memref_squeeze %dma_start3A_519 : memref<1x512xf32, #tpu.memory_space<hbm>> -> memref<512xf32, #tpu.memory_space<hbm>>
    %dma_start3A_521 = arith.constant 9728 : i32
    %dma_start3A_522 = tpu.memref_slice %arg5[%dma_start3A_521] : memref<10240xf32, #tpu.memory_space<vmem>> -> memref<512xf32, #tpu.memory_space<vmem>>
    tpu.enqueue_dma source(%dma_start3A_522 : memref<512xf32, #tpu.memory_space<vmem>>) target(%dma_start3A_520 : memref<512xf32, #tpu.memory_space<hbm>>) target_semaphore(%arg7 : memref<!tpu.dma_semaphore, #tpu.memory_space<semaphore_mem>>)
    %parallel_loop3A = arith.constant 0 : i32
    %parallel_loop3A_523 = arith.constant 512 : i32
    %parallel_loop3A_524 = arith.constant 16 : i32
    scf.for %parallel_loop3A_777 = %parallel_loop3A to %parallel_loop3A_523 step %parallel_loop3A_524  : i32 {
      %parallel_loop3A_778 = arith.constant 0 : i32
      %parallel_loop3A_779 = arith.addi %parallel_loop3A_778, %parallel_loop3A_777 : i32
      %parallel_loop3A_780 = arith.index_cast %parallel_loop3A_779 : i32 to index
      %parallel_loop3A_781 = tpu.vector_load %arg5[%parallel_loop3A_780] {strides = array<i32>} : memref<10240xf32, #tpu.memory_space<vmem>>, vector<16xf32>,
      %parallel_loop3A_782 = vector.shape_cast %parallel_loop3A_781 : vector<16xf32> to vector<16xf32>
      %parallel_loop3A_783 = arith.constant 512 : i32
      %parallel_loop3A_784 = arith.addi %parallel_loop3A_783, %parallel_loop3A_777 : i32
      %parallel_loop3A_785 = arith.index_cast %parallel_loop3A_784 : i32 to index
      %parallel_loop3A_786 = tpu.vector_load %arg5[%parallel_loop3A_785] {strides = array<i32>} : memref<10240xf32, #tpu.memory_space<vmem>>, vector<16xf32>,
      %parallel_loop3A_787 = vector.shape_cast %parallel_loop3A_786 : vector<16xf32> to vector<16xf32>
      %parallel_loop3A_788 = arith.constant 1024 : i32
      %parallel_loop3A_789 = arith.addi %parallel_loop3A_788, %parallel_loop3A_777 : i32
      %parallel_loop3A_790 = arith.index_cast %parallel_loop3A_789 : i32 to index
      %parallel_loop3A_791 = tpu.vector_load %arg5[%parallel_loop3A_790] {strides = array<i32>} : memref<10240xf32, #tpu.memory_space<vmem>>, vector<16xf32>,
      %parallel_loop3A_792 = vector.shape_cast %parallel_loop3A_791 : vector<16xf32> to vector<16xf32>
      %parallel_loop3A_793 = arith.constant 1536 : i32
      %parallel_loop3A_794 = arith.addi %parallel_loop3A_793, %parallel_loop3A_777 : i32
      %parallel_loop3A_795 = arith.index_cast %parallel_loop3A_794 : i32 to index
      %parallel_loop3A_796 = tpu.vector_load %arg5[%parallel_loop3A_795] {strides = array<i32>} : memref<10240xf32, #tpu.memory_space<vmem>>, vector<16xf32>,
      %parallel_loop3A_797 = vector.shape_cast %parallel_loop3A_796 : vector<16xf32> to vector<16xf32>
      %parallel_loop3A_798 = arith.constant 2048 : i32
      %parallel_loop3A_799 = arith.addi %parallel_loop3A_798, %parallel_loop3A_777 : i32
      %parallel_loop3A_800 = arith.index_cast %parallel_loop3A_799 : i32 to index
      %parallel_loop3A_801 = tpu.vector_load %arg5[%parallel_loop3A_800] {strides = array<i32>} : memref<10240xf32, #tpu.memory_space<vmem>>, vector<16xf32>,
      %parallel_loop3A_802 = vector.shape_cast %parallel_loop3A_801 : vector<16xf32> to vector<16xf32>
      %parallel_loop3A_803 = arith.constant 2560 : i32
      %parallel_loop3A_804 = arith.addi %parallel_loop3A_803, %parallel_loop3A_777 : i32
      %parallel_loop3A_805 = arith.index_cast %parallel_loop3A_804 : i32 to index
      %parallel_loop3A_806 = tpu.vector_load %arg5[%parallel_loop3A_805] {strides = array<i32>} : memref<10240xf32, #tpu.memory_space<vmem>>, vector<16xf32>,
      %parallel_loop3A_807 = vector.shape_cast %parallel_loop3A_806 : vector<16xf32> to vector<16xf32>
      %parallel_loop3A_808 = arith.constant 3072 : i32
      %parallel_loop3A_809 = arith.addi %parallel_loop3A_808, %parallel_loop3A_777 : i32
      %parallel_loop3A_810 = arith.index_cast %parallel_loop3A_809 : i32 to index
      %parallel_loop3A_811 = tpu.vector_load %arg5[%parallel_loop3A_810] {strides = array<i32>} : memref<10240xf32, #tpu.memory_space<vmem>>, vector<16xf32>,
      %parallel_loop3A_812 = vector.shape_cast %parallel_loop3A_811 : vector<16xf32> to vector<16xf32>
      %parallel_loop3A_813 = arith.constant 3584 : i32
      %parallel_loop3A_814 = arith.addi %parallel_loop3A_813, %parallel_loop3A_777 : i32
      %parallel_loop3A_815 = arith.index_cast %parallel_loop3A_814 : i32 to index
      %parallel_loop3A_816 = tpu.vector_load %arg5[%parallel_loop3A_815] {strides = array<i32>} : memref<10240xf32, #tpu.memory_space<vmem>>, vector<16xf32>,
      %parallel_loop3A_817 = vector.shape_cast %parallel_loop3A_816 : vector<16xf32> to vector<16xf32>
      %parallel_loop3A_818 = arith.constant 4096 : i32
      %parallel_loop3A_819 = arith.addi %parallel_loop3A_818, %parallel_loop3A_777 : i32
      %parallel_loop3A_820 = arith.index_cast %parallel_loop3A_819 : i32 to index
      %parallel_loop3A_821 = tpu.vector_load %arg5[%parallel_loop3A_820] {strides = array<i32>} : memref<10240xf32, #tpu.memory_space<vmem>>, vector<16xf32>,
      %parallel_loop3A_822 = vector.shape_cast %parallel_loop3A_821 : vector<16xf32> to vector<16xf32>
      %parallel_loop3A_823 = arith.constant 4608 : i32
      %parallel_loop3A_824 = arith.addi %parallel_loop3A_823, %parallel_loop3A_777 : i32
      %parallel_loop3A_825 = arith.index_cast %parallel_loop3A_824 : i32 to index
      %parallel_loop3A_826 = tpu.vector_load %arg5[%parallel_loop3A_825] {strides = array<i32>} : memref<10240xf32, #tpu.memory_space<vmem>>, vector<16xf32>,
      %parallel_loop3A_827 = vector.shape_cast %parallel_loop3A_826 : vector<16xf32> to vector<16xf32>
      %parallel_loop3A_828 = arith.constant 5120 : i32
      %parallel_loop3A_829 = arith.addi %parallel_loop3A_828, %parallel_loop3A_777 : i32
      %parallel_loop3A_830 = arith.index_cast %parallel_loop3A_829 : i32 to index
      %parallel_loop3A_831 = tpu.vector_load %arg5[%parallel_loop3A_830] {strides = array<i32>} : memref<10240xf32, #tpu.memory_space<vmem>>, vector<16xf32>,
      %parallel_loop3A_832 = vector.shape_cast %parallel_loop3A_831 : vector<16xf32> to vector<16xf32>
      %parallel_loop3A_833 = arith.constant 5632 : i32
      %parallel_loop3A_834 = arith.addi %parallel_loop3A_833, %parallel_loop3A_777 : i32
      %parallel_loop3A_835 = arith.index_cast %parallel_loop3A_834 : i32 to index
      %parallel_loop3A_836 = tpu.vector_load %arg5[%parallel_loop3A_835] {strides = array<i32>} : memref<10240xf32, #tpu.memory_space<vmem>>, vector<16xf32>,
      %parallel_loop3A_837 = vector.shape_cast %parallel_loop3A_836 : vector<16xf32> to vector<16xf32>
      %parallel_loop3A_838 = arith.constant 6144 : i32
      %parallel_loop3A_839 = arith.addi %parallel_loop3A_838, %parallel_loop3A_777 : i32
      %parallel_loop3A_840 = arith.index_cast %parallel_loop3A_839 : i32 to index
      %parallel_loop3A_841 = tpu.vector_load %arg5[%parallel_loop3A_840] {strides = array<i32>} : memref<10240xf32, #tpu.memory_space<vmem>>, vector<16xf32>,
      %parallel_loop3A_842 = vector.shape_cast %parallel_loop3A_841 : vector<16xf32> to vector<16xf32>
      %parallel_loop3A_843 = arith.constant 6656 : i32
      %parallel_loop3A_844 = arith.addi %parallel_loop3A_843, %parallel_loop3A_777 : i32
      %parallel_loop3A_845 = arith.index_cast %parallel_loop3A_844 : i32 to index
      %parallel_loop3A_846 = tpu.vector_load %arg5[%parallel_loop3A_845] {strides = array<i32>} : memref<10240xf32, #tpu.memory_space<vmem>>, vector<16xf32>,
      %parallel_loop3A_847 = vector.shape_cast %parallel_loop3A_846 : vector<16xf32> to vector<16xf32>
      %parallel_loop3A_848 = arith.constant 7168 : i32
      %parallel_loop3A_849 = arith.addi %parallel_loop3A_848, %parallel_loop3A_777 : i32
      %parallel_loop3A_850 = arith.index_cast %parallel_loop3A_849 : i32 to index
      %parallel_loop3A_851 = tpu.vector_load %arg5[%parallel_loop3A_850] {strides = array<i32>} : memref<10240xf32, #tpu.memory_space<vmem>>, vector<16xf32>,
      %parallel_loop3A_852 = vector.shape_cast %parallel_loop3A_851 : vector<16xf32> to vector<16xf32>
      %parallel_loop3A_853 = arith.constant 7680 : i32
      %parallel_loop3A_854 = arith.addi %parallel_loop3A_853, %parallel_loop3A_777 : i32
      %parallel_loop3A_855 = arith.index_cast %parallel_loop3A_854 : i32 to index
      %parallel_loop3A_856 = tpu.vector_load %arg5[%parallel_loop3A_855] {strides = array<i32>} : memref<10240xf32, #tpu.memory_space<vmem>>, vector<16xf32>,
      %parallel_loop3A_857 = vector.shape_cast %parallel_loop3A_856 : vector<16xf32> to vector<16xf32>
      %parallel_loop3A_858 = arith.constant 8192 : i32
      %parallel_loop3A_859 = arith.addi %parallel_loop3A_858, %parallel_loop3A_777 : i32
      %parallel_loop3A_860 = arith.index_cast %parallel_loop3A_859 : i32 to index
      %parallel_loop3A_861 = tpu.vector_load %arg5[%parallel_loop3A_860] {strides = array<i32>} : memref<10240xf32, #tpu.memory_space<vmem>>, vector<16xf32>,
      %parallel_loop3A_862 = vector.shape_cast %parallel_loop3A_861 : vector<16xf32> to vector<16xf32>
      %parallel_loop3A_863 = arith.constant 8704 : i32
      %parallel_loop3A_864 = arith.addi %parallel_loop3A_863, %parallel_loop3A_777 : i32
      %parallel_loop3A_865 = arith.index_cast %parallel_loop3A_864 : i32 to index
      %parallel_loop3A_866 = tpu.vector_load %arg5[%parallel_loop3A_865] {strides = array<i32>} : memref<10240xf32, #tpu.memory_space<vmem>>, vector<16xf32>,
      %parallel_loop3A_867 = vector.shape_cast %parallel_loop3A_866 : vector<16xf32> to vector<16xf32>
      %parallel_loop3A_868 = arith.constant 9216 : i32
      %parallel_loop3A_869 = arith.addi %parallel_loop3A_868, %parallel_loop3A_777 : i32
      %parallel_loop3A_870 = arith.index_cast %parallel_loop3A_869 : i32 to index
      %parallel_loop3A_871 = tpu.vector_load %arg5[%parallel_loop3A_870] {strides = array<i32>} : memref<10240xf32, #tpu.memory_space<vmem>>, vector<16xf32>,
      %parallel_loop3A_872 = vector.shape_cast %parallel_loop3A_871 : vector<16xf32> to vector<16xf32>
      %parallel_loop3A_873 = arith.constant 9728 : i32
      %parallel_loop3A_874 = arith.addi %parallel_loop3A_873, %parallel_loop3A_777 : i32
      %parallel_loop3A_875 = arith.index_cast %parallel_loop3A_874 : i32 to index
      %parallel_loop3A_876 = tpu.vector_load %arg5[%parallel_loop3A_875] {strides = array<i32>} : memref<10240xf32, #tpu.memory_space<vmem>>, vector<16xf32>,
      %parallel_loop3A_877 = vector.shape_cast %parallel_loop3A_876 : vector<16xf32> to vector<16xf32>
      %parallel_loop3A_878 = math.exp %parallel_loop3A_782 : vector<16xf32>
      %parallel_loop3A_879 = math.exp %parallel_loop3A_787 : vector<16xf32>
      %parallel_loop3A_880 = math.exp %parallel_loop3A_792 : vector<16xf32>
      %parallel_loop3A_881 = math.exp %parallel_loop3A_797 : vector<16xf32>
      %parallel_loop3A_882 = math.exp %parallel_loop3A_802 : vector<16xf32>
      %parallel_loop3A_883 = math.exp %parallel_loop3A_807 : vector<16xf32>
      %parallel_loop3A_884 = math.exp %parallel_loop3A_812 : vector<16xf32>
      %parallel_loop3A_885 = math.exp %parallel_loop3A_817 : vector<16xf32>
      %parallel_loop3A_886 = math.exp %parallel_loop3A_822 : vector<16xf32>
      %parallel_loop3A_887 = math.exp %parallel_loop3A_827 : vector<16xf32>
      %parallel_loop3A_888 = math.exp %parallel_loop3A_832 : vector<16xf32>
      %parallel_loop3A_889 = math.exp %parallel_loop3A_837 : vector<16xf32>
      %parallel_loop3A_890 = math.exp %parallel_loop3A_842 : vector<16xf32>
      %parallel_loop3A_891 = math.exp %parallel_loop3A_847 : vector<16xf32>
      %parallel_loop3A_892 = math.exp %parallel_loop3A_852 : vector<16xf32>
      %parallel_loop3A_893 = math.exp %parallel_loop3A_857 : vector<16xf32>
      %parallel_loop3A_894 = math.exp %parallel_loop3A_862 : vector<16xf32>
      %parallel_loop3A_895 = math.exp %parallel_loop3A_867 : vector<16xf32>
      %parallel_loop3A_896 = math.exp %parallel_loop3A_872 : vector<16xf32>
      %parallel_loop3A_897 = math.exp %parallel_loop3A_877 : vector<16xf32>
      %parallel_loop3A_898 = arith.addf %parallel_loop3A_878, %parallel_loop3A_879 : vector<16xf32>
      %parallel_loop3A_899 = arith.addf %parallel_loop3A_880, %parallel_loop3A_881 : vector<16xf32>
      %parallel_loop3A_900 = arith.addf %parallel_loop3A_882, %parallel_loop3A_883 : vector<16xf32>
      %parallel_loop3A_901 = arith.addf %parallel_loop3A_884, %parallel_loop3A_885 : vector<16xf32>
      %parallel_loop3A_902 = arith.addf %parallel_loop3A_886, %parallel_loop3A_887 : vector<16xf32>
      %parallel_loop3A_903 = arith.addf %parallel_loop3A_888, %parallel_loop3A_889 : vector<16xf32>
      %parallel_loop3A_904 = arith.addf %parallel_loop3A_890, %parallel_loop3A_891 : vector<16xf32>
      %parallel_loop3A_905 = arith.addf %parallel_loop3A_892, %parallel_loop3A_893 : vector<16xf32>
      %parallel_loop3A_906 = arith.addf %parallel_loop3A_894, %parallel_loop3A_895 : vector<16xf32>
      %parallel_loop3A_907 = arith.addf %parallel_loop3A_896, %parallel_loop3A_897 : vector<16xf32>
      %parallel_loop3A_908 = arith.addf %parallel_loop3A_898, %parallel_loop3A_899 : vector<16xf32>
      %parallel_loop3A_909 = arith.addf %parallel_loop3A_900, %parallel_loop3A_901 : vector<16xf32>
      %parallel_loop3A_910 = arith.addf %parallel_loop3A_902, %parallel_loop3A_903 : vector<16xf32>
      %parallel_loop3A_911 = arith.addf %parallel_loop3A_904, %parallel_loop3A_905 : vector<16xf32>
      %parallel_loop3A_912 = arith.addf %parallel_loop3A_906, %parallel_loop3A_907 : vector<16xf32>
      %parallel_loop3A_913 = arith.addf %parallel_loop3A_908, %parallel_loop3A_909 : vector<16xf32>
      %parallel_loop3A_914 = arith.addf %parallel_loop3A_910, %parallel_loop3A_911 : vector<16xf32>
      %parallel_loop3A_915 = arith.addf %parallel_loop3A_913, %parallel_loop3A_914 : vector<16xf32>
      %parallel_loop3A_916 = arith.addf %parallel_loop3A_915, %parallel_loop3A_912 : vector<16xf32>
      %parallel_loop3A_917 = arith.constant 5.000000e-02 : f32
      %parallel_loop3A_918 = vector.broadcast %parallel_loop3A_917 : f32 to vector<16xf32>
      %parallel_loop3A_919 = arith.mulf %parallel_loop3A_918, %parallel_loop3A_916 : vector<16xf32>
      %parallel_loop3A_920 = arith.mulf %parallel_loop3A_919, %parallel_loop3A_916 : vector<16xf32>
      %parallel_loop3A_921 = arith.mulf %parallel_loop3A_879, %parallel_loop3A_880 : vector<16xf32>
      %parallel_loop3A_922 = arith.cmpf ogt, %parallel_loop3A_921, %parallel_loop3A_920 : vector<16xf32>
      %parallel_loop3A_923 = arith.constant -1.500000e+00 : f32
      %parallel_loop3A_924 = arith.constant 0.000000e+00 : f32
      %parallel_loop3A_925 = vector.broadcast %parallel_loop3A_923 : f32 to vector<16xf32>
      %parallel_loop3A_926 = vector.broadcast %parallel_loop3A_924 : f32 to vector<16xf32>
      %parallel_loop3A_927 = arith.select %parallel_loop3A_922, %parallel_loop3A_925, %parallel_loop3A_926 : vector<16xi1>, vector<16xf32>
      %parallel_loop3A_928 = arith.mulf %parallel_loop3A_881, %parallel_loop3A_889 : vector<16xf32>
      %parallel_loop3A_929 = arith.cmpf ogt, %parallel_loop3A_928, %parallel_loop3A_920 : vector<16xf32>
      %parallel_loop3A_930 = arith.constant -1.500000e+00 : f32
      %parallel_loop3A_931 = arith.constant 0.000000e+00 : f32
      %parallel_loop3A_932 = vector.broadcast %parallel_loop3A_930 : f32 to vector<16xf32>
      %parallel_loop3A_933 = vector.broadcast %parallel_loop3A_931 : f32 to vector<16xf32>
      %parallel_loop3A_934 = arith.select %parallel_loop3A_929, %parallel_loop3A_932, %parallel_loop3A_933 : vector<16xi1>, vector<16xf32>
      %parallel_loop3A_935 = arith.mulf %parallel_loop3A_895, %parallel_loop3A_896 : vector<16xf32>
      %parallel_loop3A_936 = arith.cmpf ogt, %parallel_loop3A_935, %parallel_loop3A_920 : vector<16xf32>
      %parallel_loop3A_937 = arith.constant -1.500000e+00 : f32
      %parallel_loop3A_938 = arith.constant 0.000000e+00 : f32
      %parallel_loop3A_939 = vector.broadcast %parallel_loop3A_937 : f32 to vector<16xf32>
      %parallel_loop3A_940 = vector.broadcast %parallel_loop3A_938 : f32 to vector<16xf32>
      %parallel_loop3A_941 = arith.select %parallel_loop3A_936, %parallel_loop3A_939, %parallel_loop3A_940 : vector<16xi1>, vector<16xf32>
      %parallel_loop3A_942 = arith.index_cast %parallel_loop3A_777 : i32 to index
      %parallel_loop3A_943 = tpu.vector_load %arg6[%parallel_loop3A_942] {strides = array<i32>} : memref<1536xf32, #tpu.memory_space<vmem>>, vector<16xf32>,
      %parallel_loop3A_944 = vector.shape_cast %parallel_loop3A_943 : vector<16xf32> to vector<16xf32>
      %parallel_loop3A_945 = arith.constant 512 : i32
      %parallel_loop3A_946 = arith.addi %parallel_loop3A_945, %parallel_loop3A_777 : i32
      %parallel_loop3A_947 = arith.index_cast %parallel_loop3A_946 : i32 to index
      %parallel_loop3A_948 = tpu.vector_load %arg6[%parallel_loop3A_947] {strides = array<i32>} : memref<1536xf32, #tpu.memory_space<vmem>>, vector<16xf32>,
      %parallel_loop3A_949 = vector.shape_cast %parallel_loop3A_948 : vector<16xf32> to vector<16xf32>
      %parallel_loop3A_950 = arith.constant 1024 : i32
      %parallel_loop3A_951 = arith.addi %parallel_loop3A_950, %parallel_loop3A_777 : i32
      %parallel_loop3A_952 = arith.index_cast %parallel_loop3A_951 : i32 to index
      %parallel_loop3A_953 = tpu.vector_load %arg6[%parallel_loop3A_952] {strides = array<i32>} : memref<1536xf32, #tpu.memory_space<vmem>>, vector<16xf32>,
      %parallel_loop3A_954 = vector.shape_cast %parallel_loop3A_953 : vector<16xf32> to vector<16xf32>
      %parallel_loop3A_955 = arith.constant 8.500000e+01 : f32
      %parallel_loop3A_956 = vector.broadcast %parallel_loop3A_955 : f32 to vector<16xf32>
      %parallel_loop3A_957 = arith.cmpf olt, %parallel_loop3A_949, %parallel_loop3A_956 : vector<16xf32>
      %parallel_loop3A_958 = arith.constant -5.000000e+00 : f32
      %parallel_loop3A_959 = arith.constant 0.000000e+00 : f32
      %parallel_loop3A_960 = vector.broadcast %parallel_loop3A_958 : f32 to vector<16xf32>
      %parallel_loop3A_961 = vector.broadcast %parallel_loop3A_959 : f32 to vector<16xf32>
      %parallel_loop3A_962 = arith.select %parallel_loop3A_957, %parallel_loop3A_960, %parallel_loop3A_961 : vector<16xi1>, vector<16xf32>
      %parallel_loop3A_963 = arith.addf %parallel_loop3A_927, %parallel_loop3A_962 : vector<16xf32>
      %parallel_loop3A_964 = arith.constant 8.500000e+01 : f32
      %parallel_loop3A_965 = vector.broadcast %parallel_loop3A_964 : f32 to vector<16xf32>
      %parallel_loop3A_966 = arith.cmpf olt, %parallel_loop3A_949, %parallel_loop3A_965 : vector<16xf32>
      %parallel_loop3A_967 = arith.constant 5.000000e-01 : f32
      %parallel_loop3A_968 = arith.constant 0.000000e+00 : f32
      %parallel_loop3A_969 = vector.broadcast %parallel_loop3A_967 : f32 to vector<16xf32>
      %parallel_loop3A_970 = vector.broadcast %parallel_loop3A_968 : f32 to vector<16xf32>
      %parallel_loop3A_971 = arith.select %parallel_loop3A_966, %parallel_loop3A_969, %parallel_loop3A_970 : vector<16xi1>, vector<16xf32>
      %parallel_loop3A_972 = arith.addf %parallel_loop3A_927, %parallel_loop3A_971 : vector<16xf32>
      %parallel_loop3A_973 = arith.constant 1.600000e+02 : f32
      %parallel_loop3A_974 = vector.broadcast %parallel_loop3A_973 : f32 to vector<16xf32>
      %parallel_loop3A_975 = arith.cmpf ogt, %parallel_loop3A_949, %parallel_loop3A_974 : vector<16xf32>
      %parallel_loop3A_976 = arith.constant -3.000000e+00 : f32
      %parallel_loop3A_977 = arith.constant 0.000000e+00 : f32
      %parallel_loop3A_978 = vector.broadcast %parallel_loop3A_976 : f32 to vector<16xf32>
      %parallel_loop3A_979 = vector.broadcast %parallel_loop3A_977 : f32 to vector<16xf32>
      %parallel_loop3A_980 = arith.select %parallel_loop3A_975, %parallel_loop3A_978, %parallel_loop3A_979 : vector<16xi1>, vector<16xf32>
      %parallel_loop3A_981 = arith.addf %parallel_loop3A_972, %parallel_loop3A_980 : vector<16xf32>
      %parallel_loop3A_982 = arith.constant 1.300000e+02 : f32
      %parallel_loop3A_983 = vector.broadcast %parallel_loop3A_982 : f32 to vector<16xf32>
      %parallel_loop3A_984 = arith.cmpf ogt, %parallel_loop3A_944, %parallel_loop3A_983 : vector<16xf32>
      %parallel_loop3A_985 = arith.constant 3.000000e-01 : f32
      %parallel_loop3A_986 = arith.constant 0.000000e+00 : f32
      %parallel_loop3A_987 = vector.broadcast %parallel_loop3A_985 : f32 to vector<16xf32>
      %parallel_loop3A_988 = vector.broadcast %parallel_loop3A_986 : f32 to vector<16xf32>
      %parallel_loop3A_989 = arith.select %parallel_loop3A_984, %parallel_loop3A_987, %parallel_loop3A_988 : vector<16xi1>, vector<16xf32>
      %parallel_loop3A_990 = arith.constant 9.000000e+01 : f32
      %parallel_loop3A_991 = vector.broadcast %parallel_loop3A_990 : f32 to vector<16xf32>
      %parallel_loop3A_992 = arith.cmpf olt, %parallel_loop3A_954, %parallel_loop3A_991 : vector<16xf32>
      %parallel_loop3A_993 = arith.constant 5.000000e-01 : f32
      %parallel_loop3A_994 = arith.constant 0.000000e+00 : f32
      %parallel_loop3A_995 = vector.broadcast %parallel_loop3A_993 : f32 to vector<16xf32>
      %parallel_loop3A_996 = vector.broadcast %parallel_loop3A_994 : f32 to vector<16xf32>
      %parallel_loop3A_997 = arith.select %parallel_loop3A_992, %parallel_loop3A_995, %parallel_loop3A_996 : vector<16xi1>, vector<16xf32>
      %parallel_loop3A_998 = arith.addf %parallel_loop3A_787, %parallel_loop3A_981 : vector<16xf32>
      %parallel_loop3A_999 = arith.constant 512 : i32
      %parallel_loop3A_1000 = arith.addi %parallel_loop3A_999, %parallel_loop3A_777 : i32
      %parallel_loop3A_1001 = arith.index_cast %parallel_loop3A_1000 : i32 to index
      %parallel_loop3A_1002 = tpu.vector_load %arg5[%parallel_loop3A_1001] {strides = array<i32>} : memref<10240xf32, #tpu.memory_space<vmem>>, vector<16xf32>,
      %parallel_loop3A_1003 = vector.shape_cast %parallel_loop3A_1002 : vector<16xf32> to vector<16xf32>
      %parallel_loop3A_1004 = vector.shape_cast %parallel_loop3A_998 : vector<16xf32> to vector<16xf32>
      tpu.vector_store %arg5[%parallel_loop3A_1001], %parallel_loop3A_1004 {strides = array<i32>} : memref<10240xf32, #tpu.memory_space<vmem>>, vector<16xf32>,
      %parallel_loop3A_1005 = arith.addf %parallel_loop3A_792, %parallel_loop3A_963 : vector<16xf32>
      %parallel_loop3A_1006 = arith.constant 1024 : i32
      %parallel_loop3A_1007 = arith.addi %parallel_loop3A_1006, %parallel_loop3A_777 : i32
      %parallel_loop3A_1008 = arith.index_cast %parallel_loop3A_1007 : i32 to index
      %parallel_loop3A_1009 = tpu.vector_load %arg5[%parallel_loop3A_1008] {strides = array<i32>} : memref<10240xf32, #tpu.memory_space<vmem>>, vector<16xf32>,
      %parallel_loop3A_1010 = vector.shape_cast %parallel_loop3A_1009 : vector<16xf32> to vector<16xf32>
      %parallel_loop3A_1011 = vector.shape_cast %parallel_loop3A_1005 : vector<16xf32> to vector<16xf32>
      tpu.vector_store %arg5[%parallel_loop3A_1008], %parallel_loop3A_1011 {strides = array<i32>} : memref<10240xf32, #tpu.memory_space<vmem>>, vector<16xf32>,
      %parallel_loop3A_1012 = arith.addf %parallel_loop3A_797, %parallel_loop3A_934 : vector<16xf32>
      %parallel_loop3A_1013 = arith.constant 1536 : i32
      %parallel_loop3A_1014 = arith.addi %parallel_loop3A_1013, %parallel_loop3A_777 : i32
      %parallel_loop3A_1015 = arith.index_cast %parallel_loop3A_1014 : i32 to index
      %parallel_loop3A_1016 = tpu.vector_load %arg5[%parallel_loop3A_1015] {strides = array<i32>} : memref<10240xf32, #tpu.memory_space<vmem>>, vector<16xf32>,
      %parallel_loop3A_1017 = vector.shape_cast %parallel_loop3A_1016 : vector<16xf32> to vector<16xf32>
      %parallel_loop3A_1018 = vector.shape_cast %parallel_loop3A_1012 : vector<16xf32> to vector<16xf32>
      tpu.vector_store %arg5[%parallel_loop3A_1015], %parallel_loop3A_1018 {strides = array<i32>} : memref<10240xf32, #tpu.memory_space<vmem>>, vector<16xf32>,
      %parallel_loop3A_1019 = arith.addf %parallel_loop3A_837, %parallel_loop3A_934 : vector<16xf32>
      %parallel_loop3A_1020 = arith.constant 5632 : i32
      %parallel_loop3A_1021 = arith.addi %parallel_loop3A_1020, %parallel_loop3A_777 : i32
      %parallel_loop3A_1022 = arith.index_cast %parallel_loop3A_1021 : i32 to index
      %parallel_loop3A_1023 = tpu.vector_load %arg5[%parallel_loop3A_1022] {strides = array<i32>} : memref<10240xf32, #tpu.memory_space<vmem>>, vector<16xf32>,
      %parallel_loop3A_1024 = vector.shape_cast %parallel_loop3A_1023 : vector<16xf32> to vector<16xf32>
      %parallel_loop3A_1025 = vector.shape_cast %parallel_loop3A_1019 : vector<16xf32> to vector<16xf32>
      tpu.vector_store %arg5[%parallel_loop3A_1022], %parallel_loop3A_1025 {strides = array<i32>} : memref<10240xf32, #tpu.memory_space<vmem>>, vector<16xf32>,
      %parallel_loop3A_1026 = arith.addf %parallel_loop3A_867, %parallel_loop3A_941 : vector<16xf32>
      %parallel_loop3A_1027 = arith.constant 8704 : i32
      %parallel_loop3A_1028 = arith.addi %parallel_loop3A_1027, %parallel_loop3A_777 : i32
      %parallel_loop3A_1029 = arith.index_cast %parallel_loop3A_1028 : i32 to index
      %parallel_loop3A_1030 = tpu.vector_load %arg5[%parallel_loop3A_1029] {strides = array<i32>} : memref<10240xf32, #tpu.memory_space<vmem>>, vector<16xf32>,
      %parallel_loop3A_1031 = vector.shape_cast %parallel_loop3A_1030 : vector<16xf32> to vector<16xf32>
      %parallel_loop3A_1032 = vector.shape_cast %parallel_loop3A_1026 : vector<16xf32> to vector<16xf32>
      tpu.vector_store %arg5[%parallel_loop3A_1029], %parallel_loop3A_1032 {strides = array<i32>} : memref<10240xf32, #tpu.memory_space<vmem>>, vector<16xf32>,
      %parallel_loop3A_1033 = arith.addf %parallel_loop3A_872, %parallel_loop3A_941 : vector<16xf32>
      %parallel_loop3A_1034 = arith.constant 9216 : i32
      %parallel_loop3A_1035 = arith.addi %parallel_loop3A_1034, %parallel_loop3A_777 : i32
      %parallel_loop3A_1036 = arith.index_cast %parallel_loop3A_1035 : i32 to index
      %parallel_loop3A_1037 = tpu.vector_load %arg5[%parallel_loop3A_1036] {strides = array<i32>} : memref<10240xf32, #tpu.memory_space<vmem>>, vector<16xf32>,
      %parallel_loop3A_1038 = vector.shape_cast %parallel_loop3A_1037 : vector<16xf32> to vector<16xf32>
      %parallel_loop3A_1039 = vector.shape_cast %parallel_loop3A_1033 : vector<16xf32> to vector<16xf32>
      tpu.vector_store %arg5[%parallel_loop3A_1036], %parallel_loop3A_1039 {strides = array<i32>} : memref<10240xf32, #tpu.memory_space<vmem>>, vector<16xf32>,
      %parallel_loop3A_1040 = arith.addf %parallel_loop3A_802, %parallel_loop3A_989 : vector<16xf32>
      %parallel_loop3A_1041 = arith.constant 2048 : i32
      %parallel_loop3A_1042 = arith.addi %parallel_loop3A_1041, %parallel_loop3A_777 : i32
      %parallel_loop3A_1043 = arith.index_cast %parallel_loop3A_1042 : i32 to index
      %parallel_loop3A_1044 = tpu.vector_load %arg5[%parallel_loop3A_1043] {strides = array<i32>} : memref<10240xf32, #tpu.memory_space<vmem>>, vector<16xf32>,
      %parallel_loop3A_1045 = vector.shape_cast %parallel_loop3A_1044 : vector<16xf32> to vector<16xf32>
      %parallel_loop3A_1046 = vector.shape_cast %parallel_loop3A_1040 : vector<16xf32> to vector<16xf32>
      tpu.vector_store %arg5[%parallel_loop3A_1043], %parallel_loop3A_1046 {strides = array<i32>} : memref<10240xf32, #tpu.memory_space<vmem>>, vector<16xf32>,
      %parallel_loop3A_1047 = arith.addf %parallel_loop3A_807, %parallel_loop3A_997 : vector<16xf32>
      %parallel_loop3A_1048 = arith.constant 2560 : i32
      %parallel_loop3A_1049 = arith.addi %parallel_loop3A_1048, %parallel_loop3A_777 : i32
      %parallel_loop3A_1050 = arith.index_cast %parallel_loop3A_1049 : i32 to index
      %parallel_loop3A_1051 = tpu.vector_load %arg5[%parallel_loop3A_1050] {strides = array<i32>} : memref<10240xf32, #tpu.memory_space<vmem>>, vector<16xf32>,
      %parallel_loop3A_1052 = vector.shape_cast %parallel_loop3A_1051 : vector<16xf32> to vector<16xf32>
      %parallel_loop3A_1053 = vector.shape_cast %parallel_loop3A_1047 : vector<16xf32> to vector<16xf32>
      tpu.vector_store %arg5[%parallel_loop3A_1050], %parallel_loop3A_1053 {strides = array<i32>} : memref<10240xf32, #tpu.memory_space<vmem>>, vector<16xf32>,
    } {sc.loop_unroll_factor = 2 : i64, sc.parallel_access}
    %dma_start3A_525 = arith.constant 1 : i32
    %dma_start3A_526 = arith.constant 512 : i32
    %dma_start3A_527 = tpu.memref_slice %arg5[%dma_start3A_526] : memref<10240xf32, #tpu.memory_space<vmem>> -> memref<512xf32, #tpu.memory_space<vmem>>
    %dma_start3A_528 = tpu.memref_slice %arg4[%dma_start3A_525, %mul3A_2] : memref<20x16384xf32, #tpu.memory_space<hbm>> -> memref<1x512xf32, #tpu.memory_space<hbm>>
    %dma_start3A_529 = tpu.memref_squeeze %dma_start3A_528 : memref<1x512xf32, #tpu.memory_space<hbm>> -> memref<512xf32, #tpu.memory_space<hbm>>
    %dma_start3A_530 = tpu.memref_slice %arg4[%dma_start3A_525, %mul3A_2] : memref<20x16384xf32, #tpu.memory_space<hbm>> -> memref<1x512xf32, #tpu.memory_space<hbm>>
    %dma_start3A_531 = tpu.memref_squeeze %dma_start3A_530 : memref<1x512xf32, #tpu.memory_space<hbm>> -> memref<512xf32, #tpu.memory_space<hbm>>
    %dma_start3A_532 = arith.constant 512 : i32
    %dma_start3A_533 = tpu.memref_slice %arg5[%dma_start3A_532] : memref<10240xf32, #tpu.memory_space<vmem>> -> memref<512xf32, #tpu.memory_space<vmem>>
    tpu.enqueue_dma source(%dma_start3A_533 : memref<512xf32, #tpu.memory_space<vmem>>) target(%dma_start3A_531 : memref<512xf32, #tpu.memory_space<hbm>>) target_semaphore(%arg7 : memref<!tpu.dma_semaphore, #tpu.memory_space<semaphore_mem>>)
    %dma_start3A_534 = arith.constant 2 : i32
    %dma_start3A_535 = arith.constant 1024 : i32
    %dma_start3A_536 = tpu.memref_slice %arg5[%dma_start3A_535] : memref<10240xf32, #tpu.memory_space<vmem>> -> memref<512xf32, #tpu.memory_space<vmem>>
    %dma_start3A_537 = tpu.memref_slice %arg4[%dma_start3A_534, %mul3A_2] : memref<20x16384xf32, #tpu.memory_space<hbm>> -> memref<1x512xf32, #tpu.memory_space<hbm>>
    %dma_start3A_538 = tpu.memref_squeeze %dma_start3A_537 : memref<1x512xf32, #tpu.memory_space<hbm>> -> memref<512xf32, #tpu.memory_space<hbm>>
    %dma_start3A_539 = tpu.memref_slice %arg4[%dma_start3A_534, %mul3A_2] : memref<20x16384xf32, #tpu.memory_space<hbm>> -> memref<1x512xf32, #tpu.memory_space<hbm>>
    %dma_start3A_540 = tpu.memref_squeeze %dma_start3A_539 : memref<1x512xf32, #tpu.memory_space<hbm>> -> memref<512xf32, #tpu.memory_space<hbm>>
    %dma_start3A_541 = arith.constant 1024 : i32
    %dma_start3A_542 = tpu.memref_slice %arg5[%dma_start3A_541] : memref<10240xf32, #tpu.memory_space<vmem>> -> memref<512xf32, #tpu.memory_space<vmem>>
    tpu.enqueue_dma source(%dma_start3A_542 : memref<512xf32, #tpu.memory_space<vmem>>) target(%dma_start3A_540 : memref<512xf32, #tpu.memory_space<hbm>>) target_semaphore(%arg7 : memref<!tpu.dma_semaphore, #tpu.memory_space<semaphore_mem>>)
    %dma_start3A_543 = arith.constant 3 : i32
    %dma_start3A_544 = arith.constant 1536 : i32
    %dma_start3A_545 = tpu.memref_slice %arg5[%dma_start3A_544] : memref<10240xf32, #tpu.memory_space<vmem>> -> memref<512xf32, #tpu.memory_space<vmem>>
    %dma_start3A_546 = tpu.memref_slice %arg4[%dma_start3A_543, %mul3A_2] : memref<20x16384xf32, #tpu.memory_space<hbm>> -> memref<1x512xf32, #tpu.memory_space<hbm>>
    %dma_start3A_547 = tpu.memref_squeeze %dma_start3A_546 : memref<1x512xf32, #tpu.memory_space<hbm>> -> memref<512xf32, #tpu.memory_space<hbm>>
    %dma_start3A_548 = tpu.memref_slice %arg4[%dma_start3A_543, %mul3A_2] : memref<20x16384xf32, #tpu.memory_space<hbm>> -> memref<1x512xf32, #tpu.memory_space<hbm>>
    %dma_start3A_549 = tpu.memref_squeeze %dma_start3A_548 : memref<1x512xf32, #tpu.memory_space<hbm>> -> memref<512xf32, #tpu.memory_space<hbm>>
    %dma_start3A_550 = arith.constant 1536 : i32
    %dma_start3A_551 = tpu.memref_slice %arg5[%dma_start3A_550] : memref<10240xf32, #tpu.memory_space<vmem>> -> memref<512xf32, #tpu.memory_space<vmem>>
    tpu.enqueue_dma source(%dma_start3A_551 : memref<512xf32, #tpu.memory_space<vmem>>) target(%dma_start3A_549 : memref<512xf32, #tpu.memory_space<hbm>>) target_semaphore(%arg7 : memref<!tpu.dma_semaphore, #tpu.memory_space<semaphore_mem>>)
    %dma_start3A_552 = arith.constant 4 : i32
    %dma_start3A_553 = arith.constant 2048 : i32
    %dma_start3A_554 = tpu.memref_slice %arg5[%dma_start3A_553] : memref<10240xf32, #tpu.memory_space<vmem>> -> memref<512xf32, #tpu.memory_space<vmem>>
    %dma_start3A_555 = tpu.memref_slice %arg4[%dma_start3A_552, %mul3A_2] : memref<20x16384xf32, #tpu.memory_space<hbm>> -> memref<1x512xf32, #tpu.memory_space<hbm>>
    %dma_start3A_556 = tpu.memref_squeeze %dma_start3A_555 : memref<1x512xf32, #tpu.memory_space<hbm>> -> memref<512xf32, #tpu.memory_space<hbm>>
    %dma_start3A_557 = tpu.memref_slice %arg4[%dma_start3A_552, %mul3A_2] : memref<20x16384xf32, #tpu.memory_space<hbm>> -> memref<1x512xf32, #tpu.memory_space<hbm>>
    %dma_start3A_558 = tpu.memref_squeeze %dma_start3A_557 : memref<1x512xf32, #tpu.memory_space<hbm>> -> memref<512xf32, #tpu.memory_space<hbm>>
    %dma_start3A_559 = arith.constant 2048 : i32
    %dma_start3A_560 = tpu.memref_slice %arg5[%dma_start3A_559] : memref<10240xf32, #tpu.memory_space<vmem>> -> memref<512xf32, #tpu.memory_space<vmem>>
    tpu.enqueue_dma source(%dma_start3A_560 : memref<512xf32, #tpu.memory_space<vmem>>) target(%dma_start3A_558 : memref<512xf32, #tpu.memory_space<hbm>>) target_semaphore(%arg7 : memref<!tpu.dma_semaphore, #tpu.memory_space<semaphore_mem>>)
    %dma_start3A_561 = arith.constant 5 : i32
    %dma_start3A_562 = arith.constant 2560 : i32
    %dma_start3A_563 = tpu.memref_slice %arg5[%dma_start3A_562] : memref<10240xf32, #tpu.memory_space<vmem>> -> memref<512xf32, #tpu.memory_space<vmem>>
    %dma_start3A_564 = tpu.memref_slice %arg4[%dma_start3A_561, %mul3A_2] : memref<20x16384xf32, #tpu.memory_space<hbm>> -> memref<1x512xf32, #tpu.memory_space<hbm>>
    %dma_start3A_565 = tpu.memref_squeeze %dma_start3A_564 : memref<1x512xf32, #tpu.memory_space<hbm>> -> memref<512xf32, #tpu.memory_space<hbm>>
    %dma_start3A_566 = tpu.memref_slice %arg4[%dma_start3A_561, %mul3A_2] : memref<20x16384xf32, #tpu.memory_space<hbm>> -> memref<1x512xf32, #tpu.memory_space<hbm>>
    %dma_start3A_567 = tpu.memref_squeeze %dma_start3A_566 : memref<1x512xf32, #tpu.memory_space<hbm>> -> memref<512xf32, #tpu.memory_space<hbm>>
    %dma_start3A_568 = arith.constant 2560 : i32
    %dma_start3A_569 = tpu.memref_slice %arg5[%dma_start3A_568] : memref<10240xf32, #tpu.memory_space<vmem>> -> memref<512xf32, #tpu.memory_space<vmem>>
    tpu.enqueue_dma source(%dma_start3A_569 : memref<512xf32, #tpu.memory_space<vmem>>) target(%dma_start3A_567 : memref<512xf32, #tpu.memory_space<hbm>>) target_semaphore(%arg7 : memref<!tpu.dma_semaphore, #tpu.memory_space<semaphore_mem>>)
    %dma_start3A_570 = arith.constant 11 : i32
    %dma_start3A_571 = arith.constant 5632 : i32
    %dma_start3A_572 = tpu.memref_slice %arg5[%dma_start3A_571] : memref<10240xf32, #tpu.memory_space<vmem>> -> memref<512xf32, #tpu.memory_space<vmem>>
    %dma_start3A_573 = tpu.memref_slice %arg4[%dma_start3A_570, %mul3A_2] : memref<20x16384xf32, #tpu.memory_space<hbm>> -> memref<1x512xf32, #tpu.memory_space<hbm>>
    %dma_start3A_574 = tpu.memref_squeeze %dma_start3A_573 : memref<1x512xf32, #tpu.memory_space<hbm>> -> memref<512xf32, #tpu.memory_space<hbm>>
    %dma_start3A_575 = tpu.memref_slice %arg4[%dma_start3A_570, %mul3A_2] : memref<20x16384xf32, #tpu.memory_space<hbm>> -> memref<1x512xf32, #tpu.memory_space<hbm>>
    %dma_start3A_576 = tpu.memref_squeeze %dma_start3A_575 : memref<1x512xf32, #tpu.memory_space<hbm>> -> memref<512xf32, #tpu.memory_space<hbm>>
    %dma_start3A_577 = arith.constant 5632 : i32
    %dma_start3A_578 = tpu.memref_slice %arg5[%dma_start3A_577] : memref<10240xf32, #tpu.memory_space<vmem>> -> memref<512xf32, #tpu.memory_space<vmem>>
    tpu.enqueue_dma source(%dma_start3A_578 : memref<512xf32, #tpu.memory_space<vmem>>) target(%dma_start3A_576 : memref<512xf32, #tpu.memory_space<hbm>>) target_semaphore(%arg7 : memref<!tpu.dma_semaphore, #tpu.memory_space<semaphore_mem>>)
    %dma_start3A_579 = arith.constant 17 : i32
    %dma_start3A_580 = arith.constant 8704 : i32
    %dma_start3A_581 = tpu.memref_slice %arg5[%dma_start3A_580] : memref<10240xf32, #tpu.memory_space<vmem>> -> memref<512xf32, #tpu.memory_space<vmem>>
    %dma_start3A_582 = tpu.memref_slice %arg4[%dma_start3A_579, %mul3A_2] : memref<20x16384xf32, #tpu.memory_space<hbm>> -> memref<1x512xf32, #tpu.memory_space<hbm>>
    %dma_start3A_583 = tpu.memref_squeeze %dma_start3A_582 : memref<1x512xf32, #tpu.memory_space<hbm>> -> memref<512xf32, #tpu.memory_space<hbm>>
    %dma_start3A_584 = tpu.memref_slice %arg4[%dma_start3A_579, %mul3A_2] : memref<20x16384xf32, #tpu.memory_space<hbm>> -> memref<1x512xf32, #tpu.memory_space<hbm>>
    %dma_start3A_585 = tpu.memref_squeeze %dma_start3A_584 : memref<1x512xf32, #tpu.memory_space<hbm>> -> memref<512xf32, #tpu.memory_space<hbm>>
    %dma_start3A_586 = arith.constant 8704 : i32
    %dma_start3A_587 = tpu.memref_slice %arg5[%dma_start3A_586] : memref<10240xf32, #tpu.memory_space<vmem>> -> memref<512xf32, #tpu.memory_space<vmem>>
    tpu.enqueue_dma source(%dma_start3A_587 : memref<512xf32, #tpu.memory_space<vmem>>) target(%dma_start3A_585 : memref<512xf32, #tpu.memory_space<hbm>>) target_semaphore(%arg7 : memref<!tpu.dma_semaphore, #tpu.memory_space<semaphore_mem>>)
    %dma_start3A_588 = arith.constant 18 : i32
    %dma_start3A_589 = arith.constant 9216 : i32
    %dma_start3A_590 = tpu.memref_slice %arg5[%dma_start3A_589] : memref<10240xf32, #tpu.memory_space<vmem>> -> memref<512xf32, #tpu.memory_space<vmem>>
    %dma_start3A_591 = tpu.memref_slice %arg4[%dma_start3A_588, %mul3A_2] : memref<20x16384xf32, #tpu.memory_space<hbm>> -> memref<1x512xf32, #tpu.memory_space<hbm>>
    %dma_start3A_592 = tpu.memref_squeeze %dma_start3A_591 : memref<1x512xf32, #tpu.memory_space<hbm>> -> memref<512xf32, #tpu.memory_space<hbm>>
    %dma_start3A_593 = tpu.memref_slice %arg4[%dma_start3A_588, %mul3A_2] : memref<20x16384xf32, #tpu.memory_space<hbm>> -> memref<1x512xf32, #tpu.memory_space<hbm>>
    %dma_start3A_594 = tpu.memref_squeeze %dma_start3A_593 : memref<1x512xf32, #tpu.memory_space<hbm>> -> memref<512xf32, #tpu.memory_space<hbm>>
    %dma_start3A_595 = arith.constant 9216 : i32
    %dma_start3A_596 = tpu.memref_slice %arg5[%dma_start3A_595] : memref<10240xf32, #tpu.memory_space<vmem>> -> memref<512xf32, #tpu.memory_space<vmem>>
    tpu.enqueue_dma source(%dma_start3A_596 : memref<512xf32, #tpu.memory_space<vmem>>) target(%dma_start3A_594 : memref<512xf32, #tpu.memory_space<hbm>>) target_semaphore(%arg7 : memref<!tpu.dma_semaphore, #tpu.memory_space<semaphore_mem>>)
    %dma_wait3A_597 = arith.constant 0 : i32
    %dma_wait3A_598 = arith.constant 0 : i32
    %dma_wait3A_599 = tpu.memref_slice %arg5[%dma_wait3A_598] : memref<10240xf32, #tpu.memory_space<vmem>> -> memref<512xf32, #tpu.memory_space<vmem>>
    %dma_wait3A_600 = tpu.memref_slice %arg4[%dma_wait3A_597, %mul3A_2] : memref<20x16384xf32, #tpu.memory_space<hbm>> -> memref<1x512xf32, #tpu.memory_space<hbm>>
    %dma_wait3A_601 = tpu.memref_squeeze %dma_wait3A_600 : memref<1x512xf32, #tpu.memory_space<hbm>> -> memref<512xf32, #tpu.memory_space<hbm>>
    %dma_wait3A_602 = tpu.memref_slice %arg4[%dma_wait3A_597, %mul3A_2] : memref<20x16384xf32, #tpu.memory_space<hbm>> -> memref<1x512xf32, #tpu.memory_space<hbm>>
    %dma_wait3A_603 = tpu.memref_squeeze %dma_wait3A_602 : memref<1x512xf32, #tpu.memory_space<hbm>> -> memref<512xf32, #tpu.memory_space<hbm>>
    %dma_wait3A_604 = arith.constant 0 : i32
    %dma_wait3A_605 = tpu.memref_slice %arg5[%dma_wait3A_604] : memref<10240xf32, #tpu.memory_space<vmem>> -> memref<512xf32, #tpu.memory_space<vmem>>
    tpu.wait_dma2 semaphore(%arg7 : memref<!tpu.dma_semaphore, #tpu.memory_space<semaphore_mem>>) src(%dma_wait3A_605 : memref<512xf32, #tpu.memory_space<vmem>>) dst(%dma_wait3A_603 : memref<512xf32, #tpu.memory_space<hbm>>)
    %dma_wait3A_606 = arith.constant 6 : i32
    %dma_wait3A_607 = arith.constant 3072 : i32
    %dma_wait3A_608 = tpu.memref_slice %arg5[%dma_wait3A_607] : memref<10240xf32, #tpu.memory_space<vmem>> -> memref<512xf32, #tpu.memory_space<vmem>>
    %dma_wait3A_609 = tpu.memref_slice %arg4[%dma_wait3A_606, %mul3A_2] : memref<20x16384xf32, #tpu.memory_space<hbm>> -> memref<1x512xf32, #tpu.memory_space<hbm>>
    %dma_wait3A_610 = tpu.memref_squeeze %dma_wait3A_609 : memref<1x512xf32, #tpu.memory_space<hbm>> -> memref<512xf32, #tpu.memory_space<hbm>>
    %dma_wait3A_611 = tpu.memref_slice %arg4[%dma_wait3A_606, %mul3A_2] : memref<20x16384xf32, #tpu.memory_space<hbm>> -> memref<1x512xf32, #tpu.memory_space<hbm>>
    %dma_wait3A_612 = tpu.memref_squeeze %dma_wait3A_611 : memref<1x512xf32, #tpu.memory_space<hbm>> -> memref<512xf32, #tpu.memory_space<hbm>>
    %dma_wait3A_613 = arith.constant 3072 : i32
    %dma_wait3A_614 = tpu.memref_slice %arg5[%dma_wait3A_613] : memref<10240xf32, #tpu.memory_space<vmem>> -> memref<512xf32, #tpu.memory_space<vmem>>
    tpu.wait_dma2 semaphore(%arg7 : memref<!tpu.dma_semaphore, #tpu.memory_space<semaphore_mem>>) src(%dma_wait3A_614 : memref<512xf32, #tpu.memory_space<vmem>>) dst(%dma_wait3A_612 : memref<512xf32, #tpu.memory_space<hbm>>)
    %dma_wait3A_615 = arith.constant 7 : i32
    %dma_wait3A_616 = arith.constant 3584 : i32
    %dma_wait3A_617 = tpu.memref_slice %arg5[%dma_wait3A_616] : memref<10240xf32, #tpu.memory_space<vmem>> -> memref<512xf32, #tpu.memory_space<vmem>>
    %dma_wait3A_618 = tpu.memref_slice %arg4[%dma_wait3A_615, %mul3A_2] : memref<20x16384xf32, #tpu.memory_space<hbm>> -> memref<1x512xf32, #tpu.memory_space<hbm>>
    %dma_wait3A_619 = tpu.memref_squeeze %dma_wait3A_618 : memref<1x512xf32, #tpu.memory_space<hbm>> -> memref<512xf32, #tpu.memory_space<hbm>>
    %dma_wait3A_620 = tpu.memref_slice %arg4[%dma_wait3A_615, %mul3A_2] : memref<20x16384xf32, #tpu.memory_space<hbm>> -> memref<1x512xf32, #tpu.memory_space<hbm>>
    %dma_wait3A_621 = tpu.memref_squeeze %dma_wait3A_620 : memref<1x512xf32, #tpu.memory_space<hbm>> -> memref<512xf32, #tpu.memory_space<hbm>>
    %dma_wait3A_622 = arith.constant 3584 : i32
    %dma_wait3A_623 = tpu.memref_slice %arg5[%dma_wait3A_622] : memref<10240xf32, #tpu.memory_space<vmem>> -> memref<512xf32, #tpu.memory_space<vmem>>
    tpu.wait_dma2 semaphore(%arg7 : memref<!tpu.dma_semaphore, #tpu.memory_space<semaphore_mem>>) src(%dma_wait3A_623 : memref<512xf32, #tpu.memory_space<vmem>>) dst(%dma_wait3A_621 : memref<512xf32, #tpu.memory_space<hbm>>)
    %dma_wait3A_624 = arith.constant 8 : i32
    %dma_wait3A_625 = arith.constant 4096 : i32
    %dma_wait3A_626 = tpu.memref_slice %arg5[%dma_wait3A_625] : memref<10240xf32, #tpu.memory_space<vmem>> -> memref<512xf32, #tpu.memory_space<vmem>>
    %dma_wait3A_627 = tpu.memref_slice %arg4[%dma_wait3A_624, %mul3A_2] : memref<20x16384xf32, #tpu.memory_space<hbm>> -> memref<1x512xf32, #tpu.memory_space<hbm>>
    %dma_wait3A_628 = tpu.memref_squeeze %dma_wait3A_627 : memref<1x512xf32, #tpu.memory_space<hbm>> -> memref<512xf32, #tpu.memory_space<hbm>>
    %dma_wait3A_629 = tpu.memref_slice %arg4[%dma_wait3A_624, %mul3A_2] : memref<20x16384xf32, #tpu.memory_space<hbm>> -> memref<1x512xf32, #tpu.memory_space<hbm>>
    %dma_wait3A_630 = tpu.memref_squeeze %dma_wait3A_629 : memref<1x512xf32, #tpu.memory_space<hbm>> -> memref<512xf32, #tpu.memory_space<hbm>>
    %dma_wait3A_631 = arith.constant 4096 : i32
    %dma_wait3A_632 = tpu.memref_slice %arg5[%dma_wait3A_631] : memref<10240xf32, #tpu.memory_space<vmem>> -> memref<512xf32, #tpu.memory_space<vmem>>
    tpu.wait_dma2 semaphore(%arg7 : memref<!tpu.dma_semaphore, #tpu.memory_space<semaphore_mem>>) src(%dma_wait3A_632 : memref<512xf32, #tpu.memory_space<vmem>>) dst(%dma_wait3A_630 : memref<512xf32, #tpu.memory_space<hbm>>)
    %dma_wait3A_633 = arith.constant 9 : i32
    %dma_wait3A_634 = arith.constant 4608 : i32
    %dma_wait3A_635 = tpu.memref_slice %arg5[%dma_wait3A_634] : memref<10240xf32, #tpu.memory_space<vmem>> -> memref<512xf32, #tpu.memory_space<vmem>>
    %dma_wait3A_636 = tpu.memref_slice %arg4[%dma_wait3A_633, %mul3A_2] : memref<20x16384xf32, #tpu.memory_space<hbm>> -> memref<1x512xf32, #tpu.memory_space<hbm>>
    %dma_wait3A_637 = tpu.memref_squeeze %dma_wait3A_636 : memref<1x512xf32, #tpu.memory_space<hbm>> -> memref<512xf32, #tpu.memory_space<hbm>>
    %dma_wait3A_638 = tpu.memref_slice %arg4[%dma_wait3A_633, %mul3A_2] : memref<20x16384xf32, #tpu.memory_space<hbm>> -> memref<1x512xf32, #tpu.memory_space<hbm>>
    %dma_wait3A_639 = tpu.memref_squeeze %dma_wait3A_638 : memref<1x512xf32, #tpu.memory_space<hbm>> -> memref<512xf32, #tpu.memory_space<hbm>>
    %dma_wait3A_640 = arith.constant 4608 : i32
    %dma_wait3A_641 = tpu.memref_slice %arg5[%dma_wait3A_640] : memref<10240xf32, #tpu.memory_space<vmem>> -> memref<512xf32, #tpu.memory_space<vmem>>
    tpu.wait_dma2 semaphore(%arg7 : memref<!tpu.dma_semaphore, #tpu.memory_space<semaphore_mem>>) src(%dma_wait3A_641 : memref<512xf32, #tpu.memory_space<vmem>>) dst(%dma_wait3A_639 : memref<512xf32, #tpu.memory_space<hbm>>)
    %dma_wait3A_642 = arith.constant 10 : i32
    %dma_wait3A_643 = arith.constant 5120 : i32
    %dma_wait3A_644 = tpu.memref_slice %arg5[%dma_wait3A_643] : memref<10240xf32, #tpu.memory_space<vmem>> -> memref<512xf32, #tpu.memory_space<vmem>>
    %dma_wait3A_645 = tpu.memref_slice %arg4[%dma_wait3A_642, %mul3A_2] : memref<20x16384xf32, #tpu.memory_space<hbm>> -> memref<1x512xf32, #tpu.memory_space<hbm>>
    %dma_wait3A_646 = tpu.memref_squeeze %dma_wait3A_645 : memref<1x512xf32, #tpu.memory_space<hbm>> -> memref<512xf32, #tpu.memory_space<hbm>>
    %dma_wait3A_647 = tpu.memref_slice %arg4[%dma_wait3A_642, %mul3A_2] : memref<20x16384xf32, #tpu.memory_space<hbm>> -> memref<1x512xf32, #tpu.memory_space<hbm>>
    %dma_wait3A_648 = tpu.memref_squeeze %dma_wait3A_647 : memref<1x512xf32, #tpu.memory_space<hbm>> -> memref<512xf32, #tpu.memory_space<hbm>>
    %dma_wait3A_649 = arith.constant 5120 : i32
    %dma_wait3A_650 = tpu.memref_slice %arg5[%dma_wait3A_649] : memref<10240xf32, #tpu.memory_space<vmem>> -> memref<512xf32, #tpu.memory_space<vmem>>
    tpu.wait_dma2 semaphore(%arg7 : memref<!tpu.dma_semaphore, #tpu.memory_space<semaphore_mem>>) src(%dma_wait3A_650 : memref<512xf32, #tpu.memory_space<vmem>>) dst(%dma_wait3A_648 : memref<512xf32, #tpu.memory_space<hbm>>)
    %dma_wait3A_651 = arith.constant 12 : i32
    %dma_wait3A_652 = arith.constant 6144 : i32
    %dma_wait3A_653 = tpu.memref_slice %arg5[%dma_wait3A_652] : memref<10240xf32, #tpu.memory_space<vmem>> -> memref<512xf32, #tpu.memory_space<vmem>>
    %dma_wait3A_654 = tpu.memref_slice %arg4[%dma_wait3A_651, %mul3A_2] : memref<20x16384xf32, #tpu.memory_space<hbm>> -> memref<1x512xf32, #tpu.memory_space<hbm>>
    %dma_wait3A_655 = tpu.memref_squeeze %dma_wait3A_654 : memref<1x512xf32, #tpu.memory_space<hbm>> -> memref<512xf32, #tpu.memory_space<hbm>>
    %dma_wait3A_656 = tpu.memref_slice %arg4[%dma_wait3A_651, %mul3A_2] : memref<20x16384xf32, #tpu.memory_space<hbm>> -> memref<1x512xf32, #tpu.memory_space<hbm>>
    %dma_wait3A_657 = tpu.memref_squeeze %dma_wait3A_656 : memref<1x512xf32, #tpu.memory_space<hbm>> -> memref<512xf32, #tpu.memory_space<hbm>>
    %dma_wait3A_658 = arith.constant 6144 : i32
    %dma_wait3A_659 = tpu.memref_slice %arg5[%dma_wait3A_658] : memref<10240xf32, #tpu.memory_space<vmem>> -> memref<512xf32, #tpu.memory_space<vmem>>
    tpu.wait_dma2 semaphore(%arg7 : memref<!tpu.dma_semaphore, #tpu.memory_space<semaphore_mem>>) src(%dma_wait3A_659 : memref<512xf32, #tpu.memory_space<vmem>>) dst(%dma_wait3A_657 : memref<512xf32, #tpu.memory_space<hbm>>)
    %dma_wait3A_660 = arith.constant 13 : i32
    %dma_wait3A_661 = arith.constant 6656 : i32
    %dma_wait3A_662 = tpu.memref_slice %arg5[%dma_wait3A_661] : memref<10240xf32, #tpu.memory_space<vmem>> -> memref<512xf32, #tpu.memory_space<vmem>>
    %dma_wait3A_663 = tpu.memref_slice %arg4[%dma_wait3A_660, %mul3A_2] : memref<20x16384xf32, #tpu.memory_space<hbm>> -> memref<1x512xf32, #tpu.memory_space<hbm>>
    %dma_wait3A_664 = tpu.memref_squeeze %dma_wait3A_663 : memref<1x512xf32, #tpu.memory_space<hbm>> -> memref<512xf32, #tpu.memory_space<hbm>>
    %dma_wait3A_665 = tpu.memref_slice %arg4[%dma_wait3A_660, %mul3A_2] : memref<20x16384xf32, #tpu.memory_space<hbm>> -> memref<1x512xf32, #tpu.memory_space<hbm>>
    %dma_wait3A_666 = tpu.memref_squeeze %dma_wait3A_665 : memref<1x512xf32, #tpu.memory_space<hbm>> -> memref<512xf32, #tpu.memory_space<hbm>>
    %dma_wait3A_667 = arith.constant 6656 : i32
    %dma_wait3A_668 = tpu.memref_slice %arg5[%dma_wait3A_667] : memref<10240xf32, #tpu.memory_space<vmem>> -> memref<512xf32, #tpu.memory_space<vmem>>
    tpu.wait_dma2 semaphore(%arg7 : memref<!tpu.dma_semaphore, #tpu.memory_space<semaphore_mem>>) src(%dma_wait3A_668 : memref<512xf32, #tpu.memory_space<vmem>>) dst(%dma_wait3A_666 : memref<512xf32, #tpu.memory_space<hbm>>)
    %dma_wait3A_669 = arith.constant 14 : i32
    %dma_wait3A_670 = arith.constant 7168 : i32
    %dma_wait3A_671 = tpu.memref_slice %arg5[%dma_wait3A_670] : memref<10240xf32, #tpu.memory_space<vmem>> -> memref<512xf32, #tpu.memory_space<vmem>>
    %dma_wait3A_672 = tpu.memref_slice %arg4[%dma_wait3A_669, %mul3A_2] : memref<20x16384xf32, #tpu.memory_space<hbm>> -> memref<1x512xf32, #tpu.memory_space<hbm>>
    %dma_wait3A_673 = tpu.memref_squeeze %dma_wait3A_672 : memref<1x512xf32, #tpu.memory_space<hbm>> -> memref<512xf32, #tpu.memory_space<hbm>>
    %dma_wait3A_674 = tpu.memref_slice %arg4[%dma_wait3A_669, %mul3A_2] : memref<20x16384xf32, #tpu.memory_space<hbm>> -> memref<1x512xf32, #tpu.memory_space<hbm>>
    %dma_wait3A_675 = tpu.memref_squeeze %dma_wait3A_674 : memref<1x512xf32, #tpu.memory_space<hbm>> -> memref<512xf32, #tpu.memory_space<hbm>>
    %dma_wait3A_676 = arith.constant 7168 : i32
    %dma_wait3A_677 = tpu.memref_slice %arg5[%dma_wait3A_676] : memref<10240xf32, #tpu.memory_space<vmem>> -> memref<512xf32, #tpu.memory_space<vmem>>
    tpu.wait_dma2 semaphore(%arg7 : memref<!tpu.dma_semaphore, #tpu.memory_space<semaphore_mem>>) src(%dma_wait3A_677 : memref<512xf32, #tpu.memory_space<vmem>>) dst(%dma_wait3A_675 : memref<512xf32, #tpu.memory_space<hbm>>)
    %dma_wait3A_678 = arith.constant 15 : i32
    %dma_wait3A_679 = arith.constant 7680 : i32
    %dma_wait3A_680 = tpu.memref_slice %arg5[%dma_wait3A_679] : memref<10240xf32, #tpu.memory_space<vmem>> -> memref<512xf32, #tpu.memory_space<vmem>>
    %dma_wait3A_681 = tpu.memref_slice %arg4[%dma_wait3A_678, %mul3A_2] : memref<20x16384xf32, #tpu.memory_space<hbm>> -> memref<1x512xf32, #tpu.memory_space<hbm>>
    %dma_wait3A_682 = tpu.memref_squeeze %dma_wait3A_681 : memref<1x512xf32, #tpu.memory_space<hbm>> -> memref<512xf32, #tpu.memory_space<hbm>>
    %dma_wait3A_683 = tpu.memref_slice %arg4[%dma_wait3A_678, %mul3A_2] : memref<20x16384xf32, #tpu.memory_space<hbm>> -> memref<1x512xf32, #tpu.memory_space<hbm>>
    %dma_wait3A_684 = tpu.memref_squeeze %dma_wait3A_683 : memref<1x512xf32, #tpu.memory_space<hbm>> -> memref<512xf32, #tpu.memory_space<hbm>>
    %dma_wait3A_685 = arith.constant 7680 : i32
    %dma_wait3A_686 = tpu.memref_slice %arg5[%dma_wait3A_685] : memref<10240xf32, #tpu.memory_space<vmem>> -> memref<512xf32, #tpu.memory_space<vmem>>
    tpu.wait_dma2 semaphore(%arg7 : memref<!tpu.dma_semaphore, #tpu.memory_space<semaphore_mem>>) src(%dma_wait3A_686 : memref<512xf32, #tpu.memory_space<vmem>>) dst(%dma_wait3A_684 : memref<512xf32, #tpu.memory_space<hbm>>)
    %dma_wait3A_687 = arith.constant 16 : i32
    %dma_wait3A_688 = arith.constant 8192 : i32
    %dma_wait3A_689 = tpu.memref_slice %arg5[%dma_wait3A_688] : memref<10240xf32, #tpu.memory_space<vmem>> -> memref<512xf32, #tpu.memory_space<vmem>>
    %dma_wait3A_690 = tpu.memref_slice %arg4[%dma_wait3A_687, %mul3A_2] : memref<20x16384xf32, #tpu.memory_space<hbm>> -> memref<1x512xf32, #tpu.memory_space<hbm>>
    %dma_wait3A_691 = tpu.memref_squeeze %dma_wait3A_690 : memref<1x512xf32, #tpu.memory_space<hbm>> -> memref<512xf32, #tpu.memory_space<hbm>>
    %dma_wait3A_692 = tpu.memref_slice %arg4[%dma_wait3A_687, %mul3A_2] : memref<20x16384xf32, #tpu.memory_space<hbm>> -> memref<1x512xf32, #tpu.memory_space<hbm>>
    %dma_wait3A_693 = tpu.memref_squeeze %dma_wait3A_692 : memref<1x512xf32, #tpu.memory_space<hbm>> -> memref<512xf32, #tpu.memory_space<hbm>>
    %dma_wait3A_694 = arith.constant 8192 : i32
    %dma_wait3A_695 = tpu.memref_slice %arg5[%dma_wait3A_694] : memref<10240xf32, #tpu.memory_space<vmem>> -> memref<512xf32, #tpu.memory_space<vmem>>
    tpu.wait_dma2 semaphore(%arg7 : memref<!tpu.dma_semaphore, #tpu.memory_space<semaphore_mem>>) src(%dma_wait3A_695 : memref<512xf32, #tpu.memory_space<vmem>>) dst(%dma_wait3A_693 : memref<512xf32, #tpu.memory_space<hbm>>)
    %dma_wait3A_696 = arith.constant 19 : i32
    %dma_wait3A_697 = arith.constant 9728 : i32
    %dma_wait3A_698 = tpu.memref_slice %arg5[%dma_wait3A_697] : memref<10240xf32, #tpu.memory_space<vmem>> -> memref<512xf32, #tpu.memory_space<vmem>>
    %dma_wait3A_699 = tpu.memref_slice %arg4[%dma_wait3A_696, %mul3A_2] : memref<20x16384xf32, #tpu.memory_space<hbm>> -> memref<1x512xf32, #tpu.memory_space<hbm>>
    %dma_wait3A_700 = tpu.memref_squeeze %dma_wait3A_699 : memref<1x512xf32, #tpu.memory_space<hbm>> -> memref<512xf32, #tpu.memory_space<hbm>>
    %dma_wait3A_701 = tpu.memref_slice %arg4[%dma_wait3A_696, %mul3A_2] : memref<20x16384xf32, #tpu.memory_space<hbm>> -> memref<1x512xf32, #tpu.memory_space<hbm>>
    %dma_wait3A_702 = tpu.memref_squeeze %dma_wait3A_701 : memref<1x512xf32, #tpu.memory_space<hbm>> -> memref<512xf32, #tpu.memory_space<hbm>>
    %dma_wait3A_703 = arith.constant 9728 : i32
    %dma_wait3A_704 = tpu.memref_slice %arg5[%dma_wait3A_703] : memref<10240xf32, #tpu.memory_space<vmem>> -> memref<512xf32, #tpu.memory_space<vmem>>
    tpu.wait_dma2 semaphore(%arg7 : memref<!tpu.dma_semaphore, #tpu.memory_space<semaphore_mem>>) src(%dma_wait3A_704 : memref<512xf32, #tpu.memory_space<vmem>>) dst(%dma_wait3A_702 : memref<512xf32, #tpu.memory_space<hbm>>)
    %dma_wait3A_705 = arith.constant 1 : i32
    %dma_wait3A_706 = arith.constant 512 : i32
    %dma_wait3A_707 = tpu.memref_slice %arg5[%dma_wait3A_706] : memref<10240xf32, #tpu.memory_space<vmem>> -> memref<512xf32, #tpu.memory_space<vmem>>
    %dma_wait3A_708 = tpu.memref_slice %arg4[%dma_wait3A_705, %mul3A_2] : memref<20x16384xf32, #tpu.memory_space<hbm>> -> memref<1x512xf32, #tpu.memory_space<hbm>>
    %dma_wait3A_709 = tpu.memref_squeeze %dma_wait3A_708 : memref<1x512xf32, #tpu.memory_space<hbm>> -> memref<512xf32, #tpu.memory_space<hbm>>
    %dma_wait3A_710 = tpu.memref_slice %arg4[%dma_wait3A_705, %mul3A_2] : memref<20x16384xf32, #tpu.memory_space<hbm>> -> memref<1x512xf32, #tpu.memory_space<hbm>>
    %dma_wait3A_711 = tpu.memref_squeeze %dma_wait3A_710 : memref<1x512xf32, #tpu.memory_space<hbm>> -> memref<512xf32, #tpu.memory_space<hbm>>
    %dma_wait3A_712 = arith.constant 512 : i32
    %dma_wait3A_713 = tpu.memref_slice %arg5[%dma_wait3A_712] : memref<10240xf32, #tpu.memory_space<vmem>> -> memref<512xf32, #tpu.memory_space<vmem>>
    tpu.wait_dma2 semaphore(%arg7 : memref<!tpu.dma_semaphore, #tpu.memory_space<semaphore_mem>>) src(%dma_wait3A_713 : memref<512xf32, #tpu.memory_space<vmem>>) dst(%dma_wait3A_711 : memref<512xf32, #tpu.memory_space<hbm>>)
    %dma_wait3A_714 = arith.constant 2 : i32
    %dma_wait3A_715 = arith.constant 1024 : i32
    %dma_wait3A_716 = tpu.memref_slice %arg5[%dma_wait3A_715] : memref<10240xf32, #tpu.memory_space<vmem>> -> memref<512xf32, #tpu.memory_space<vmem>>
    %dma_wait3A_717 = tpu.memref_slice %arg4[%dma_wait3A_714, %mul3A_2] : memref<20x16384xf32, #tpu.memory_space<hbm>> -> memref<1x512xf32, #tpu.memory_space<hbm>>
    %dma_wait3A_718 = tpu.memref_squeeze %dma_wait3A_717 : memref<1x512xf32, #tpu.memory_space<hbm>> -> memref<512xf32, #tpu.memory_space<hbm>>
    %dma_wait3A_719 = tpu.memref_slice %arg4[%dma_wait3A_714, %mul3A_2] : memref<20x16384xf32, #tpu.memory_space<hbm>> -> memref<1x512xf32, #tpu.memory_space<hbm>>
    %dma_wait3A_720 = tpu.memref_squeeze %dma_wait3A_719 : memref<1x512xf32, #tpu.memory_space<hbm>> -> memref<512xf32, #tpu.memory_space<hbm>>
    %dma_wait3A_721 = arith.constant 1024 : i32
    %dma_wait3A_722 = tpu.memref_slice %arg5[%dma_wait3A_721] : memref<10240xf32, #tpu.memory_space<vmem>> -> memref<512xf32, #tpu.memory_space<vmem>>
    tpu.wait_dma2 semaphore(%arg7 : memref<!tpu.dma_semaphore, #tpu.memory_space<semaphore_mem>>) src(%dma_wait3A_722 : memref<512xf32, #tpu.memory_space<vmem>>) dst(%dma_wait3A_720 : memref<512xf32, #tpu.memory_space<hbm>>)
    %dma_wait3A_723 = arith.constant 3 : i32
    %dma_wait3A_724 = arith.constant 1536 : i32
    %dma_wait3A_725 = tpu.memref_slice %arg5[%dma_wait3A_724] : memref<10240xf32, #tpu.memory_space<vmem>> -> memref<512xf32, #tpu.memory_space<vmem>>
    %dma_wait3A_726 = tpu.memref_slice %arg4[%dma_wait3A_723, %mul3A_2] : memref<20x16384xf32, #tpu.memory_space<hbm>> -> memref<1x512xf32, #tpu.memory_space<hbm>>
    %dma_wait3A_727 = tpu.memref_squeeze %dma_wait3A_726 : memref<1x512xf32, #tpu.memory_space<hbm>> -> memref<512xf32, #tpu.memory_space<hbm>>
    %dma_wait3A_728 = tpu.memref_slice %arg4[%dma_wait3A_723, %mul3A_2] : memref<20x16384xf32, #tpu.memory_space<hbm>> -> memref<1x512xf32, #tpu.memory_space<hbm>>
    %dma_wait3A_729 = tpu.memref_squeeze %dma_wait3A_728 : memref<1x512xf32, #tpu.memory_space<hbm>> -> memref<512xf32, #tpu.memory_space<hbm>>
    %dma_wait3A_730 = arith.constant 1536 : i32
    %dma_wait3A_731 = tpu.memref_slice %arg5[%dma_wait3A_730] : memref<10240xf32, #tpu.memory_space<vmem>> -> memref<512xf32, #tpu.memory_space<vmem>>
    tpu.wait_dma2 semaphore(%arg7 : memref<!tpu.dma_semaphore, #tpu.memory_space<semaphore_mem>>) src(%dma_wait3A_731 : memref<512xf32, #tpu.memory_space<vmem>>) dst(%dma_wait3A_729 : memref<512xf32, #tpu.memory_space<hbm>>)
    %dma_wait3A_732 = arith.constant 4 : i32
    %dma_wait3A_733 = arith.constant 2048 : i32
    %dma_wait3A_734 = tpu.memref_slice %arg5[%dma_wait3A_733] : memref<10240xf32, #tpu.memory_space<vmem>> -> memref<512xf32, #tpu.memory_space<vmem>>
    %dma_wait3A_735 = tpu.memref_slice %arg4[%dma_wait3A_732, %mul3A_2] : memref<20x16384xf32, #tpu.memory_space<hbm>> -> memref<1x512xf32, #tpu.memory_space<hbm>>
    %dma_wait3A_736 = tpu.memref_squeeze %dma_wait3A_735 : memref<1x512xf32, #tpu.memory_space<hbm>> -> memref<512xf32, #tpu.memory_space<hbm>>
    %dma_wait3A_737 = tpu.memref_slice %arg4[%dma_wait3A_732, %mul3A_2] : memref<20x16384xf32, #tpu.memory_space<hbm>> -> memref<1x512xf32, #tpu.memory_space<hbm>>
    %dma_wait3A_738 = tpu.memref_squeeze %dma_wait3A_737 : memref<1x512xf32, #tpu.memory_space<hbm>> -> memref<512xf32, #tpu.memory_space<hbm>>
    %dma_wait3A_739 = arith.constant 2048 : i32
    %dma_wait3A_740 = tpu.memref_slice %arg5[%dma_wait3A_739] : memref<10240xf32, #tpu.memory_space<vmem>> -> memref<512xf32, #tpu.memory_space<vmem>>
    tpu.wait_dma2 semaphore(%arg7 : memref<!tpu.dma_semaphore, #tpu.memory_space<semaphore_mem>>) src(%dma_wait3A_740 : memref<512xf32, #tpu.memory_space<vmem>>) dst(%dma_wait3A_738 : memref<512xf32, #tpu.memory_space<hbm>>)
    %dma_wait3A_741 = arith.constant 5 : i32
    %dma_wait3A_742 = arith.constant 2560 : i32
    %dma_wait3A_743 = tpu.memref_slice %arg5[%dma_wait3A_742] : memref<10240xf32, #tpu.memory_space<vmem>> -> memref<512xf32, #tpu.memory_space<vmem>>
    %dma_wait3A_744 = tpu.memref_slice %arg4[%dma_wait3A_741, %mul3A_2] : memref<20x16384xf32, #tpu.memory_space<hbm>> -> memref<1x512xf32, #tpu.memory_space<hbm>>
    %dma_wait3A_745 = tpu.memref_squeeze %dma_wait3A_744 : memref<1x512xf32, #tpu.memory_space<hbm>> -> memref<512xf32, #tpu.memory_space<hbm>>
    %dma_wait3A_746 = tpu.memref_slice %arg4[%dma_wait3A_741, %mul3A_2] : memref<20x16384xf32, #tpu.memory_space<hbm>> -> memref<1x512xf32, #tpu.memory_space<hbm>>
    %dma_wait3A_747 = tpu.memref_squeeze %dma_wait3A_746 : memref<1x512xf32, #tpu.memory_space<hbm>> -> memref<512xf32, #tpu.memory_space<hbm>>
    %dma_wait3A_748 = arith.constant 2560 : i32
    %dma_wait3A_749 = tpu.memref_slice %arg5[%dma_wait3A_748] : memref<10240xf32, #tpu.memory_space<vmem>> -> memref<512xf32, #tpu.memory_space<vmem>>
    tpu.wait_dma2 semaphore(%arg7 : memref<!tpu.dma_semaphore, #tpu.memory_space<semaphore_mem>>) src(%dma_wait3A_749 : memref<512xf32, #tpu.memory_space<vmem>>) dst(%dma_wait3A_747 : memref<512xf32, #tpu.memory_space<hbm>>)
    %dma_wait3A_750 = arith.constant 11 : i32
    %dma_wait3A_751 = arith.constant 5632 : i32
    %dma_wait3A_752 = tpu.memref_slice %arg5[%dma_wait3A_751] : memref<10240xf32, #tpu.memory_space<vmem>> -> memref<512xf32, #tpu.memory_space<vmem>>
    %dma_wait3A_753 = tpu.memref_slice %arg4[%dma_wait3A_750, %mul3A_2] : memref<20x16384xf32, #tpu.memory_space<hbm>> -> memref<1x512xf32, #tpu.memory_space<hbm>>
    %dma_wait3A_754 = tpu.memref_squeeze %dma_wait3A_753 : memref<1x512xf32, #tpu.memory_space<hbm>> -> memref<512xf32, #tpu.memory_space<hbm>>
    %dma_wait3A_755 = tpu.memref_slice %arg4[%dma_wait3A_750, %mul3A_2] : memref<20x16384xf32, #tpu.memory_space<hbm>> -> memref<1x512xf32, #tpu.memory_space<hbm>>
    %dma_wait3A_756 = tpu.memref_squeeze %dma_wait3A_755 : memref<1x512xf32, #tpu.memory_space<hbm>> -> memref<512xf32, #tpu.memory_space<hbm>>
    %dma_wait3A_757 = arith.constant 5632 : i32
    %dma_wait3A_758 = tpu.memref_slice %arg5[%dma_wait3A_757] : memref<10240xf32, #tpu.memory_space<vmem>> -> memref<512xf32, #tpu.memory_space<vmem>>
    tpu.wait_dma2 semaphore(%arg7 : memref<!tpu.dma_semaphore, #tpu.memory_space<semaphore_mem>>) src(%dma_wait3A_758 : memref<512xf32, #tpu.memory_space<vmem>>) dst(%dma_wait3A_756 : memref<512xf32, #tpu.memory_space<hbm>>)
    %dma_wait3A_759 = arith.constant 17 : i32
    %dma_wait3A_760 = arith.constant 8704 : i32
    %dma_wait3A_761 = tpu.memref_slice %arg5[%dma_wait3A_760] : memref<10240xf32, #tpu.memory_space<vmem>> -> memref<512xf32, #tpu.memory_space<vmem>>
    %dma_wait3A_762 = tpu.memref_slice %arg4[%dma_wait3A_759, %mul3A_2] : memref<20x16384xf32, #tpu.memory_space<hbm>> -> memref<1x512xf32, #tpu.memory_space<hbm>>
    %dma_wait3A_763 = tpu.memref_squeeze %dma_wait3A_762 : memref<1x512xf32, #tpu.memory_space<hbm>> -> memref<512xf32, #tpu.memory_space<hbm>>
    %dma_wait3A_764 = tpu.memref_slice %arg4[%dma_wait3A_759, %mul3A_2] : memref<20x16384xf32, #tpu.memory_space<hbm>> -> memref<1x512xf32, #tpu.memory_space<hbm>>
    %dma_wait3A_765 = tpu.memref_squeeze %dma_wait3A_764 : memref<1x512xf32, #tpu.memory_space<hbm>> -> memref<512xf32, #tpu.memory_space<hbm>>
    %dma_wait3A_766 = arith.constant 8704 : i32
    %dma_wait3A_767 = tpu.memref_slice %arg5[%dma_wait3A_766] : memref<10240xf32, #tpu.memory_space<vmem>> -> memref<512xf32, #tpu.memory_space<vmem>>
    tpu.wait_dma2 semaphore(%arg7 : memref<!tpu.dma_semaphore, #tpu.memory_space<semaphore_mem>>) src(%dma_wait3A_767 : memref<512xf32, #tpu.memory_space<vmem>>) dst(%dma_wait3A_765 : memref<512xf32, #tpu.memory_space<hbm>>)
    %dma_wait3A_768 = arith.constant 18 : i32
    %dma_wait3A_769 = arith.constant 9216 : i32
    %dma_wait3A_770 = tpu.memref_slice %arg5[%dma_wait3A_769] : memref<10240xf32, #tpu.memory_space<vmem>> -> memref<512xf32, #tpu.memory_space<vmem>>
    %dma_wait3A_771 = tpu.memref_slice %arg4[%dma_wait3A_768, %mul3A_2] : memref<20x16384xf32, #tpu.memory_space<hbm>> -> memref<1x512xf32, #tpu.memory_space<hbm>>
    %dma_wait3A_772 = tpu.memref_squeeze %dma_wait3A_771 : memref<1x512xf32, #tpu.memory_space<hbm>> -> memref<512xf32, #tpu.memory_space<hbm>>
    %dma_wait3A_773 = tpu.memref_slice %arg4[%dma_wait3A_768, %mul3A_2] : memref<20x16384xf32, #tpu.memory_space<hbm>> -> memref<1x512xf32, #tpu.memory_space<hbm>>
    %dma_wait3A_774 = tpu.memref_squeeze %dma_wait3A_773 : memref<1x512xf32, #tpu.memory_space<hbm>> -> memref<512xf32, #tpu.memory_space<hbm>>
    %dma_wait3A_775 = arith.constant 9216 : i32
    %dma_wait3A_776 = tpu.memref_slice %arg5[%dma_wait3A_775] : memref<10240xf32, #tpu.memory_space<vmem>> -> memref<512xf32, #tpu.memory_space<vmem>>
    tpu.wait_dma2 semaphore(%arg7 : memref<!tpu.dma_semaphore, #tpu.memory_space<semaphore_mem>>) src(%dma_wait3A_776 : memref<512xf32, #tpu.memory_space<vmem>>) dst(%dma_wait3A_774 : memref<512xf32, #tpu.memory_space<hbm>>)
    return
  }
}

</mosaic_0001>

<sc_bundles>
// kernel: kernel.3.cloned.1.call-start
scs
__scs_entry_jumppad:
0x0: {  	(pc) =	sbr.rel $0x88, $3  }
0x1: {  	(tag) =	ssettag $0x0;
	lr =	simm.s32 $0x1  }
0x2: {  	[smem:$0x3F9F] =	sst lr;
	_ =	strace $0xD0000000  }
0x3: {  	_ = 	snop  }
0x4: {  	_ = 	snop  }
0x5: {  	_ = 	snop  }
0x6: {  	_ = 	snop  }
0x7: {  	_ = 	snop  }
__scs_overlays_trampoline_lowered:
0x8: {  	[smem:$0x3FAE] =	sst s0  }
0x9: {  	[smem:$0x3FAF] =	sst s1  }
0xa: {  	[smem:$0x3FB0] =	sst s2  }
0xb: {  	[smem:$0x3FB1] =	sst s3  }
0xc: {  	[smem:$0x3FB2] =	sst s4  }
0xd: {  	[smem:$0x3FB3] =	sst s5  }
0xe: {  	[smem:$0x3FB4] =	sst s6  }
0xf: {  	[smem:$0x3FB5] =	sst s7  }
0x10: {  	[smem:$0x3FB6] =	sst s8  }
0x11: {  	[smem:$0x3FB7] =	sst s9;
	s0 =	simm.s32 @!p0 $0x0  }
0x12: {  	s1 =	sld [smem:$0x3F9D];
	s0 =	simm.s32 @p0 $0x1  }
0x13: {  	[smem:$0x3FB8] =	sst s0;
	s0 =	simm.s32 @!p1 $0x0  }
0x14: {  	s2 =	sld [smem:$0x3F9C];
	s0 =	simm.s32 @p1 $0x1  }
0x15: {  	[smem:$0x3FB9] =	sst s0;
	s0 =	simm.s32 @!p2 $0x0  }
0x16: {  	s3 =	sld [smem:$0x3FDB];
	s0 =	simm.s32 @p2 $0x1  }
0x17: {  	s4 =	simm.s32 $0x1BF5;
	[smem:$0x3FBB] =	sst s0  }
0x18: {  	s0 =	sld [smem:$0x3F9E];
	_ =	swait.ge [sflag:s4], $0x0  }
0x19: {  	s7 =	sld [smem:$0x3F9F]  }
0x1a: {  	s8 =	sadd.s32 $0xFFFFE003, lr  }
0x1b: {  	s9 =	sadd.s32 $0xFFFFFEF7, lr;
	s5 =	simm.s32 $0xFFFFFFFF;
	p2 =	slt.u32 s8, $0xFFFFF086  }
0x1c: {  	p1 =	slt.u32 s9, $0xF7A;
	s5 =	simm.s32 @!p2 $0x0  }
0x1d: {  	s5 =	simm.s32 @p1 $0x1;
	p0 =	seq.s32 s7, s2  }
0x1e: {  	s7 =	smul.u32 @!p0 $0xF7A, s2;
	p2 =	seq.s32 @!p0 s5, $0x0  }
0x1f: {  	s9 =	smul.u32 $0xF7A, s1;
	s8 =	simm.s32 @!p0 $0x1BF5;
	p2 =	por !p2, p0  }
0x20: {  	[sflag:s8] =	ssyncset.s32 @!p0 $0xFFFFF086;
	s6 =	sadd.s32 @!p0 s3, s7;
	s7 =	simm.s32 @!p0 $0x108  }
0x21: {  	s3 =	sadd.s32 s3, s9;
	s6 =	sadd.s32 @!p0 $0x88, s6;
	s7 =	simm.s32 @p2 $0x1082  }
0x22: {  	[simem:s7], [sflag:s8] =	dma.local @!p0 [hbm:s6], $0xF7A  }
0x23: {  	s9 =	sor.u32 $0xD0000000, s2;
	s6 =	simm.s32 $0x108;
	_ =	swait.ge @!p0 [sflag:s8], $0x0  }
0x24: {  	s3 =	sadd.s32 $0x88, s3;
	s6 =	simm.s32 @!p1 $0x1082;
	[sflag:s4] =	ssyncset.s32 $0xFFFFF086  }
0x25: {  	[simem:s6], [sflag:s4] =	dma.local [hbm:s3], $0xF7A  }
0x26: {  	[smem:$0x3F9F] =	sst s1;
	(tag) =	ssettag s2;
	_ =	strace s9  }
0x27: {  	s1 =	sld [smem:$0x3FAF]  }
0x28: {  	s2 =	sld [smem:$0x3FB0]  }
0x29: {  	s4 =	sld [smem:$0x3FB2]  }
0x2a: {  	p0 =	seq.s32 s5, $0x0;
	s5 =	sld [smem:$0x3FB3]  }
0x2b: {  	s6 =	sld [smem:$0x3FB4]  }
0x2c: {  	s7 =	sld [smem:$0x3FB5]  }
0x2d: {  	s3 =	simm.s32 $0x108;
	s8 =	sld [smem:$0x3FB6]  }
0x2e: {  	s3 =	simm.s32 @!p0 $0x1082;
	s9 =	sld [smem:$0x3FB7]  }
0x2f: {  	lr =	sadd.s32 s0, s3;
	s0 =	sld [smem:$0x3FAE]  }
0x30: {  	s3 =	sld [smem:$0x3FB1]  }
0x31: {  	[smem:$0x3FBA] =	sst s10  }
0x32: {  	s10 =	sld [smem:$0x3FB8];
	_ =	sdelay $0x3  }
0x33: {  	p0 =	seq.s32 s10, $0x1;
	s10 =	sld [smem:$0x3FBA];
	_ =	sdelay $0x3  }
0x34: {  	[smem:$0x3FBA] =	sst s10  }
0x35: {  	s10 =	sld [smem:$0x3FB9];
	_ =	sdelay $0x3  }
0x36: {  	p1 =	seq.s32 s10, $0x1;
	s10 =	sld [smem:$0x3FBA];
	_ =	sdelay $0x3  }
0x37: {  	[smem:$0x3FBA] =	sst s10  }
0x38: {  	s10 =	sld [smem:$0x3FBB]  }
0x39: {  	_ = 	snop;
	(pc) =	sbr.ind lr, $3  }
0x3a: {  	_ = 	snop  }
0x3b: {  	_ = 	snop  }
0x3c: {  	p2 =	seq.s32 s10, $0x1;
	s10 =	sld [smem:$0x3FBA]  }
0x3d: {  	_ =	shalt  }
0x3e: {  	_ =	shalt  }
0x3f: {  	_ =	shalt  }
0x40: {  	_ =	shalt  }
0x41: {  	_ =	shalt  }
0x42: {  	_ =	shalt  }
0x43: {  	_ =	shalt  }
0x44: {  	_ =	shalt  }
0x45: {  	_ =	shalt  }
0x46: {  	_ =	shalt  }
0x47: {  	_ =	shalt  }
0x48: {  	_ =	shalt  }
0x49: {  	_ =	shalt  }
0x4a: {  	_ =	shalt  }
0x4b: {  	_ =	shalt  }
0x4c: {  	_ =	shalt  }
0x4d: {  	_ =	shalt  }
0x4e: {  	_ =	shalt  }
0x4f: {  	_ =	shalt  }
0x50: {  	_ =	shalt  }
0x51: {  	_ =	shalt  }
0x52: {  	_ =	shalt  }
0x53: {  	_ =	shalt  }
0x54: {  	_ =	shalt  }
0x55: {  	_ =	shalt  }
0x56: {  	_ =	shalt  }
0x57: {  	_ =	shalt  }
0x58: {  	_ =	shalt  }
0x59: {  	_ =	shalt  }
0x5a: {  	_ =	shalt  }
0x5b: {  	_ =	shalt  }
0x5c: {  	_ =	shalt  }
0x5d: {  	_ =	shalt  }
0x5e: {  	_ =	shalt  }
0x5f: {  	_ =	shalt  }
0x60: {  	_ =	shalt  }
0x61: {  	_ =	shalt  }
0x62: {  	_ =	shalt  }
0x63: {  	_ =	shalt  }
0x64: {  	_ =	shalt  }
0x65: {  	_ =	shalt  }
0x66: {  	_ =	shalt  }
0x67: {  	_ =	shalt  }
0x68: {  	_ =	shalt  }
0x69: {  	_ =	shalt  }
0x6a: {  	_ =	shalt  }
0x6b: {  	_ =	shalt  }
0x6c: {  	_ =	shalt  }
0x6d: {  	_ =	shalt  }
0x6e: {  	_ =	shalt  }
0x6f: {  	_ =	shalt  }
0x70: {  	_ =	shalt  }
0x71: {  	_ =	shalt  }
0x72: {  	_ =	shalt  }
0x73: {  	_ =	shalt  }
0x74: {  	_ =	shalt  }
0x75: {  	_ =	shalt  }
0x76: {  	_ =	shalt  }
0x77: {  	_ =	shalt  }
0x78: {  	_ =	shalt  }
0x79: {  	_ =	shalt  }
0x7a: {  	_ =	shalt  }
0x7b: {  	_ =	shalt  }
0x7c: {  	_ =	shalt  }
0x7d: {  	_ =	shalt  }
0x7e: {  	_ =	shalt  }
0x7f: {  	_ =	shalt  }
0x80: {  	_ =	shalt  }
0x81: {  	_ =	shalt  }
0x82: {  	_ =	shalt  }
0x83: {  	_ =	shalt  }
0x84: {  	_ =	shalt  }
0x85: {  	_ =	shalt  }
0x86: {  	_ =	shalt  }
0x87: {  	_ =	shalt  }
.Lfunc_end0:
.L_simem_size_0:
called_computation_lowered:
.L_overlay_start_0:
0x88: {  	s2 =	sld [smem:$0x3FD9]  }
0x89: {  	s3 =	sld [smem:$0x3FFE];
	_ =	sdelay $0x1  }
0x8a: {  	s1 =	srdreg.scid  }
0x8b: {  	s0 =	sand.u32 $0x1, s1  }
0x8c: {  	s18 =	sshll.u32 s0, $0xA;
	s2 =	sadd.s32 s3, s2  }
0x8d: {  	s2 =	sadd.s32 s2, s18  }
0x8e: {  	[smem:$0x3FC6] =	sst s2  }
0x8f: {  	_ = 	snop  }
0x90: {  	s2 =	sld [smem:$0x3FC9]  }
0x91: {  	s19 =	sld [smem:$0x3FC8]  }
0x92: {  	s4 =	sld [smem:$0x3FD0];
	(tm) =	ssettm $0x1  }
0x93: {  	s5 =	sld [smem:$0x3FFB];
	_ =	sdelay $0x3  }
0x94: {  	_ =	strace s5  }
0x95: {  	s5 =	sld [smem:$0x3FFC];
	_ =	sdelay $0x3  }
0x96: {  	_ =	strace s5  }
0x97: {  	s5 =	sld [smem:$0x3FFD];
	_ =	sdelay $0x3  }
0x98: {  	_ =	strace s5  }
0x99: {  	_ =	strace $0x8FFFFFFF  }
0x9a: {  	s20 =	sld [smem:$0x3FDB];
	_ =	sdelay $0x1  }
0x9b: {  	s6 =	simm.s32 $_scs_section_size  }
0x9c: {  	s7 =	simm.s32 $_size__tile_overlayer_lowered;
	s8 =	simm.s32 $_tile_overlayer_lowered  }
0x9d: {  	s23 =	simm.s32 $0x1BFF;
	s22 =	sshll.u32 s8, $0x1;
	s5 =	sadd.s32 s6, s20  }
0x9e: {  	s9 =	simm.s32 $0x0;
	s21 =	sshll.u32 s7, $0x1;
	s7 =	sadd.s32 s22, s5  }
0x9f: {  	[timem:s9], [sflag:s23] =	dma.local [hbm:s7], s21  }
0xa0: {  	_ =	swait.ge [sflag:s23], s21  }
0xa1: {  	s6 =	ssub.s32 $0x0, s21;
	[sflag:s23] =	ssyncset.done $0x0  }
0xa2: {  	[sflag:s23] =	ssyncadd.s32 s6;
	_ =	sdelay $0x1  }
0xa3: {  	s24 =	simm.s32 $0x1B8B  }
0xa4: {  	_ =	swait.ge [sflag:s24], $0x1  }
0xa5: {  	[sflag:s24] =	ssyncset.done $0x0  }
0xa6: {  	s25 =	simm.s32 $0x1B8E;
	[sflag:s24] =	ssyncadd.s32 $0xFFFFFFFF  }
0xa7: {  	s26 =	simm.s32 $execute0_lowered;
	[smem:$0x3FD2] =	sst s25  }
0xa8: {  	s6 =	sshll.u32 s26, $0x1;
	_ =	strace $0x80000046;
	[dreg:$0x1] =	wrdreg $0xFFFFFFFF  }
0xa9: {  	s28 =	simm.s32 $_size_execute0_lowered;
	s5 =	sadd.s32 s5, s6;
	[dreg:$0x0] =	wrdreg $0x0  }
0xaa: {  	s6 =	sshll.u32 s28, $0x1;
	[dreg:$0x2] =	wrdreg s5  }
0xab: {  	[dreg:$0x3] =	wrdreg s6  }
0xac: {  	[dreg:$0x4] =	wrdreg $0xC0  }
0xad: {  	_ =	task [dreg:s9], $0x5FFFF  }
0xae: {  	[dreg:$0x1] =	wrdreg $0xFFFFFFFF  }
0xaf: {  	[dreg:$0x0] =	wrdreg $0x60  }
0xb0: {  	[dreg:$0x2] =	wrdreg s2  }
0xb1: {  	[dreg:$0x3] =	wrdreg s19  }
0xb2: {  	[dreg:$0x4] =	wrdreg s4  }
0xb3: {  	[dreg:$0x5] =	wrdreg $0x9  }
0xb4: {  	_ =	task.clear_ibuf [dreg:s9], $0x6FFFF;
	_ =	strace $0x90000046  }
0xb5: {  	s29 =	simm.s32 $0x9;
	_ =	strace $0x80000048  }
0xb6: {  	_ =	swait.ge [sflag:s29], $0x1  }
0xb7: {  	[sflag:s29] =	ssyncadd.s32 $0xFFFFFFFF  }
0xb8: {  	_ =	strace $0x90000048  }
0xb9: {  	_ =	sfence  }
0xba: {  	s30 =	sld [smem:$0x0];
	_ =	sdelay $0x2  }
0xbb: {  	s31 =	sshll.u32 s1, $0xD;
	s1 =	sshrl.u32 s1, $0x2  }
0xbc: {  	s3 =	sand.u32 $0x4000, s31;
	s1 =	sadd.s32 s1, s30  }
0xbd: {  	s0 =	sor.u32 s3, s0;
	s1 =	sshll.u32 s1, $0x11  }
0xbe: {  	s0 =	sor.u32 s1, s0  }
0xbf: {  	s0 =	sadd.s32 $0x8F2B, s0  }
0xc0: {  	[sflag:s0] =	ssyncadd.remote.s32 $0x1  }
0xc1: {  	_ =	sfence.sel $0xFFFF  }
0xc2: {  	[dreg:$0x0] =	wrdreg $0xFFFFFFFF;
	(pc) =	sbr.abs _section_cstart, $3  }
0xc3: {  	[dreg:$0x1] =	wrdreg $0xFFFFFFFF  }
0xc4: {  	_ =	task.clear_ibuf [dreg:s9], $0x2FFFF;
	_ =	strace $0x9FFFFFFF  }
0xc5: {  	(tm) =	ssettm $0x7FFFFFFF  }
tec
execute0_lowered:
.L_overlay_start_1:
0x0: {  	(tag) =	ssettag $0x1  }
0x1: {  	s1 =	rddreg [dreg:$0x0]  }
0x2: {  	s0 =	srdreg.scid;
	s2 =	rddreg [dreg:$0x1]  }
0x3: {  	s4 =	stileid.u32;
	s6 =	simm.s32 $0x0;
	s0 =	sand.u32 $0x1, s0  }
0x4: {  	s4 =	sshll.u32 s4, $0xA;
	s3 =	ssub.s32 $0x2, s0;
	s0 =	sshll.u32 s0, $0x9  }
0x5: {  	[smem:$0x7FF] =	sst s6;
	s5 =	sshrl.u32 s3, $0x1;
	s4 =	sor.u32 s0, s4  }
0x6: {  	s0 =	ssub.s32 s3, s5;
	s3 =	sor.u32 $0x10, s4;
	s16 =	sadd.s32 s1, s4  }
0x7: {  	s5 =	sor.u32 $0x20, s4;
	[dreg:$0x4] =	wrdreg s16;
	s17 =	sadd.s32 s1, s3  }
0x8: {  	s6 =	sor.u32 $0x30, s4;
	s18 =	sadd.s32 s1, s5;
	[dreg:$0x5] =	wrdreg s17  }
0x9: {  	s9 =	sor.u32 $0x40, s4;
	s7 =	sadd.s32 s1, s6;
	[dreg:$0x6] =	wrdreg s18  }
0xa: {  	s19 =	sadd.s32 s1, s9;
	[dreg:$0x7] =	wrdreg s7;
	s7 =	sor.u32 $0x60, s4  }
0xb: {  	s10 =	sor.u32 $0x50, s4;
	[dreg:$0x8] =	wrdreg s19;
	s11 =	sadd.s32 s1, s7  }
0xc: {  	s20 =	sadd.s32 s1, s10;
	[dreg:$0xa] =	wrdreg s11;
	s11 =	sor.u32 $0x4000, s4  }
0xd: {  	s8 =	sor.u32 $0x70, s4;
	[dreg:$0x9] =	wrdreg s20;
	s12 =	sadd.s32 s1, s11  }
0xe: {  	s21 =	sadd.s32 s1, s8;
	[dreg:$0xc] =	wrdreg s12;
	s12 =	sor.u32 $0x4010, s4  }
0xf: {  	s13 =	sor.u32 $0x4020, s4;
	[dreg:$0xb] =	wrdreg s21;
	s14 =	sadd.s32 s1, s12  }
0x10: {  	s22 =	sadd.s32 s1, s13;
	[dreg:$0xd] =	wrdreg s14;
	s14 =	sor.u32 $0x4030, s4  }
0x11: {  	[dreg:$0xe] =	wrdreg s22;
	s15 =	sadd.s32 s1, s14  }
0x12: {  	s25 =	sadd.s32 s2, s3;
	[dreg:$0xf] =	wrdreg s15;
	s15 =	sor.u32 $0x4040, s4  }
0x13: {  	[dreg:$0x18] =	wrdreg s25;
	s17 =	sadd.s32 s1, s15  }
0x14: {  	s26 =	sadd.s32 s2, s6;
	[dreg:$0x10] =	wrdreg s17;
	s17 =	sor.u32 $0x4060, s4  }
0x15: {  	s16 =	sor.u32 $0x4050, s4;
	[dreg:$0x19] =	wrdreg s26;
	s18 =	sadd.s32 s1, s17  }
0x16: {  	s2 =	sadd.s32 s2, s10;
	[dreg:$0x12] =	wrdreg s18;
	s18 =	sor.u32 $0x4070, s4  }
0x17: {  	s23 =	sadd.s32 s1, s16;
	[dreg:$0x1a] =	wrdreg s2;
	s20 =	sadd.s32 s1, s18  }
0x18: {  	s19 =	sor.u32 $0x8000, s4;
	[dreg:$0x13] =	wrdreg s20;
	s20 =	sor.u32 $0x8010, s4  }
0x19: {  	s22 =	sor.u32 $0x8030, s4;
	[dreg:$0x11] =	wrdreg s23;
	s21 =	sadd.s32 s1, s20  }
0x1a: {  	s24 =	sadd.s32 s1, s19;
	[dreg:$0x15] =	wrdreg s21;
	s21 =	sor.u32 $0x8020, s4  }
0x1b: {  	[dreg:$0x14] =	wrdreg s24;
	s23 =	sadd.s32 s1, s21;
	s1 =	sadd.s32 s1, s22  }
0x1c: {  	[dreg:$0x17] =	wrdreg s1  }
0x1d: {  	s1 =	rddreg [dreg:$0x2]  }
0x1e: {  	[dreg:$0x16] =	wrdreg s23;
	s4 =	sadd.s32 s1, s4  }
0x1f: {  	s7 =	sadd.s32 s1, s7;
	[dreg:$0x1b] =	wrdreg s4  }
0x20: {  	s8 =	sadd.s32 s1, s8;
	[dreg:$0x1c] =	wrdreg s7  }
0x21: {  	s11 =	sadd.s32 s1, s11;
	[dreg:$0x1d] =	wrdreg s8  }
0x22: {  	s28 =	simm.s32 $0x1800;
	s12 =	sadd.s32 s1, s12;
	[dreg:$0x1e] =	wrdreg s11  }
0x23: {  	s29 =	simm.s32 $0x1A00;
	s13 =	sadd.s32 s1, s13;
	[dreg:$0x1f] =	wrdreg s12  }
0x24: {  	s30 =	simm.s32 $0x1C00;
	s15 =	sadd.s32 s1, s15;
	[smem:$0x7F6] =	sst s13  }
0x25: {  	s31 =	simm.s32 $0x1E00;
	s16 =	sadd.s32 s1, s16;
	[smem:$0x7F7] =	sst s15  }
0x26: {  	s2 =	simm.s32 $0x1;
	s17 =	sadd.s32 s1, s17;
	[smem:$0x7F8] =	sst s16  }
0x27: {  	s23 =	sadd.s32 s1, s18;
	s24 =	sadd.s32 s1, s19;
	[smem:$0x7F9] =	sst s17  }
0x28: {  	s25 =	sadd.s32 s1, s22;
	s26 =	sadd.s32 s1, s3;
	[smem:$0x7FA] =	sst s23  }
0x29: {  	s9 =	sadd.s32 s1, s9;
	s10 =	sadd.s32 s1, s10;
	[smem:$0x7FB] =	sst s24  }
0x2a: {  	s18 =	simm.s32 $0x2600;
	s19 =	simm.s32 $0x0;
	[smem:$0x7FC] =	sst s25  }
0x2b: {  	[smem:$0x7FD] =	sst s26;
	s7 =	sadd.s32 s1, s5;
	s8 =	sadd.s32 s1, s6  }
0x2c: {  	s11 =	sadd.s32 s1, s14;
	s12 =	sadd.s32 s1, s20;
	s13 =	sadd.s32 s1, s21  }
0x2d: {  	s14 =	smax.u32 s0, $0x1;
	s15 =	simm.s32 $0x80;
	s16 =	simm.s32 $0x400  }
0x2e: {  	s5 =	simm.s32 $0x200;
	s6 =	simm.s32 $0x600;
	s20 =	simm.s32 $0x800  }
0x2f: {  	s21 =	simm.s32 $0xA00;
	s23 =	simm.s32 $0x1000;
	s24 =	simm.s32 $0x1200  }
0x30: {  	s25 =	simm.s32 $0x1400;
	s26 =	simm.s32 $0x1600;
	s0 =	simm.s32 $0x2000  }
0x31: {  	v0 =	vimm.f32 $0.0e+00;
	s17 =	simm.s32 $0x2200;
	s1 =	simm.s32 $0x2400;
	_ =	strace $0x80000047  }
.LBB2_1:
0x32: {  	s3 =	simm.s32 $0x0;
	s4 =	rddreg [dreg:$0x4]  }
0x33: {  	[tilespmem:s3], [sflag:$0x1] =	stream.strided.gather [hbm4b:s4+s15], $0x200, s16, s15, $0x38;
	[tilespmem:$0x2E00] =	vst v63  }
0x34: {  	s22 =	rddreg [dreg:$0x5]  }
0x35: {  	[tilespmem:s5], [sflag:$0x1] =	stream.strided.gather [hbm4b:s22+s15], $0x200, s16, s15, $0x38;
	[tilespmem:$0x2E00] =	vst v63  }
0x36: {  	s22 =	rddreg [dreg:$0x6]  }
0x37: {  	[tilespmem:s16], [sflag:$0x1] =	stream.strided.gather [hbm4b:s22+s15], $0x200, s16, s15, $0x38;
	[tilespmem:$0x2E00] =	vst v63  }
0x38: {  	s5 =	rddreg [dreg:$0x7]  }
0x39: {  	[tilespmem:s6], [sflag:$0x1] =	stream.strided.gather [hbm4b:s5+s15], $0x200, s16, s15, $0x38;
	[tilespmem:$0x2E00] =	vst v63  }
0x3a: {  	s22 =	rddreg [dreg:$0x8]  }
0x3b: {  	[tilespmem:s20], [sflag:$0x1] =	stream.strided.gather [hbm4b:s22+s15], $0x200, s16, s15, $0x38;
	[tilespmem:$0x2E00] =	vst v63  }
0x3c: {  	s5 =	rddreg [dreg:$0x9]  }
0x3d: {  	[tilespmem:s21], [sflag:$0x1] =	stream.strided.gather [hbm4b:s5+s15], $0x200, s16, s15, $0x38;
	[tilespmem:$0x2E00] =	vst v63  }
0x3e: {  	s6 =	rddreg [dreg:$0xa];
	s5 =	simm.s32 $0xC00  }
0x3f: {  	[tilespmem:s5], [sflag:$0x1] =	stream.strided.gather [hbm4b:s6+s15], $0x200, s16, s15, $0x38;
	[tilespmem:$0x2E00] =	vst v63  }
0x40: {  	s20 =	rddreg [dreg:$0xb];
	s6 =	simm.s32 $0xE00  }
0x41: {  	[tilespmem:s6], [sflag:$0x1] =	stream.strided.gather [hbm4b:s20+s15], $0x200, s16, s15, $0x38;
	[tilespmem:$0x2E00] =	vst v63  }
0x42: {  	s21 =	rddreg [dreg:$0xc]  }
0x43: {  	[tilespmem:s23], [sflag:$0x1] =	stream.strided.gather [hbm4b:s21+s15], $0x200, s16, s15, $0x38;
	[tilespmem:$0x2E00] =	vst v63  }
0x44: {  	s22 =	rddreg [dreg:$0xd]  }
0x45: {  	[tilespmem:s24], [sflag:$0x1] =	stream.strided.gather [hbm4b:s22+s15], $0x200, s16, s15, $0x38;
	[tilespmem:$0x2E00] =	vst v63  }
0x46: {  	s20 =	rddreg [dreg:$0xe]  }
0x47: {  	[tilespmem:s25], [sflag:$0x1] =	stream.strided.gather [hbm4b:s20+s15], $0x200, s16, s15, $0x38;
	[tilespmem:$0x2E00] =	vst v63  }
0x48: {  	s21 =	rddreg [dreg:$0xf]  }
0x49: {  	[tilespmem:s26], [sflag:$0x1] =	stream.strided.gather [hbm4b:s21+s15], $0x200, s16, s15, $0x38;
	[tilespmem:$0x2E00] =	vst v63  }
0x4a: {  	s22 =	rddreg [dreg:$0x10]  }
0x4b: {  	[tilespmem:s28], [sflag:$0x1] =	stream.strided.gather [hbm4b:s22+s15], $0x200, s16, s15, $0x38;
	[tilespmem:$0x2E00] =	vst v63  }
0x4c: {  	s20 =	rddreg [dreg:$0x11]  }
0x4d: {  	[tilespmem:s29], [sflag:$0x1] =	stream.strided.gather [hbm4b:s20+s15], $0x200, s16, s15, $0x38;
	[tilespmem:$0x2E00] =	vst v63  }
0x4e: {  	s21 =	rddreg [dreg:$0x12]  }
0x4f: {  	[tilespmem:s30], [sflag:$0x1] =	stream.strided.gather [hbm4b:s21+s15], $0x200, s16, s15, $0x38;
	[tilespmem:$0x2E00] =	vst v63  }
0x50: {  	s22 =	rddreg [dreg:$0x13]  }
0x51: {  	[tilespmem:s31], [sflag:$0x1] =	stream.strided.gather [hbm4b:s22+s15], $0x200, s16, s15, $0x38;
	[tilespmem:$0x2E00] =	vst v63  }
0x52: {  	s20 =	rddreg [dreg:$0x14]  }
0x53: {  	[tilespmem:s0], [sflag:$0x1] =	stream.strided.gather [hbm4b:s20+s15], $0x200, s16, s15, $0x38;
	[tilespmem:$0x2E00] =	vst v63  }
0x54: {  	s21 =	rddreg [dreg:$0x15]  }
0x55: {  	[tilespmem:s17], [sflag:$0x1] =	stream.strided.gather [hbm4b:s21+s15], $0x200, s16, s15, $0x38;
	[tilespmem:$0x2E00] =	vst v63  }
0x56: {  	s22 =	rddreg [dreg:$0x16]  }
0x57: {  	[tilespmem:s1], [sflag:$0x1] =	stream.strided.gather [hbm4b:s22+s15], $0x200, s16, s15, $0x38;
	[tilespmem:$0x2E00] =	vst v63  }
0x58: {  	s20 =	rddreg [dreg:$0x17]  }
0x59: {  	[tilespmem:s18], [sflag:$0x1] =	stream.strided.gather [hbm4b:s20+s15], $0x200, s16, s15, $0x38;
	[tilespmem:$0x2E00] =	vst v63  }
0x5a: {  	s21 =	rddreg [dreg:$0x18];
	s22 =	simm.s32 $0x2800  }
0x5b: {  	[tilespmem:s22], [sflag:$0x1] =	stream.strided.gather [hbm4b:s21+s15], $0x200, s16, s15, $0x38;
	[tilespmem:$0x2E00] =	vst v63  }
0x5c: {  	s21 =	rddreg [dreg:$0x19];
	s22 =	simm.s32 $0x2A00  }
0x5d: {  	[tilespmem:s22], [sflag:$0x1] =	stream.strided.gather [hbm4b:s21+s15], $0x200, s16, s15, $0x38;
	[tilespmem:$0x2E00] =	vst v63  }
0x5e: {  	s20 =	rddreg [dreg:$0x1a];
	s21 =	simm.s32 $0x2C00  }
0x5f: {  	[tilespmem:s21], [sflag:$0x1] =	stream.strided.gather [hbm4b:s20+s15], $0x200, s16, s15, $0x38;
	[tilespmem:$0x2E00] =	vst v63  }
0x60: {  	_ =	swait.ge [sflag:s2], $0x200  }
0x61: {  	[sflag:s2] =	ssyncset.done $0x0  }
0x62: {  	[sflag:s2] =	ssyncadd.s32 $0xFFFFFE00  }
0x63: {  	_ =	swait.ge [sflag:s2], $0x200  }
0x64: {  	[sflag:s2] =	ssyncset.done $0x0  }
0x65: {  	[sflag:s2] =	ssyncadd.s32 $0xFFFFFE00  }
0x66: {  	_ =	swait.ge [sflag:s2], $0x200  }
0x67: {  	[sflag:s2] =	ssyncset.done $0x0  }
0x68: {  	[sflag:s2] =	ssyncadd.s32 $0xFFFFFE00  }
0x69: {  	_ =	swait.ge [sflag:s2], $0x200  }
0x6a: {  	[sflag:s2] =	ssyncset.done $0x0  }
0x6b: {  	[sflag:s2] =	ssyncadd.s32 $0xFFFFFE00  }
0x6c: {  	_ =	swait.ge [sflag:s2], $0x200  }
0x6d: {  	[sflag:s2] =	ssyncset.done $0x0  }
0x6e: {  	[sflag:s2] =	ssyncadd.s32 $0xFFFFFE00  }
0x6f: {  	_ =	swait.ge [sflag:s2], $0x200  }
0x70: {  	[sflag:s2] =	ssyncset.done $0x0  }
0x71: {  	[sflag:s2] =	ssyncadd.s32 $0xFFFFFE00  }
0x72: {  	_ =	swait.ge [sflag:s2], $0x200  }
0x73: {  	[sflag:s2] =	ssyncset.done $0x0  }
0x74: {  	[sflag:s2] =	ssyncadd.s32 $0xFFFFFE00  }
0x75: {  	_ =	swait.ge [sflag:s2], $0x200  }
0x76: {  	[sflag:s2] =	ssyncset.done $0x0  }
0x77: {  	[sflag:s2] =	ssyncadd.s32 $0xFFFFFE00  }
0x78: {  	_ =	swait.ge [sflag:s2], $0x200  }
0x79: {  	[sflag:s2] =	ssyncset.done $0x0  }
0x7a: {  	[sflag:s2] =	ssyncadd.s32 $0xFFFFFE00  }
0x7b: {  	_ =	swait.ge [sflag:s2], $0x200  }
0x7c: {  	[sflag:s2] =	ssyncset.done $0x0  }
0x7d: {  	[sflag:s2] =	ssyncadd.s32 $0xFFFFFE00  }
0x7e: {  	_ =	swait.ge [sflag:s2], $0x200  }
0x7f: {  	[sflag:s2] =	ssyncset.done $0x0  }
0x80: {  	[sflag:s2] =	ssyncadd.s32 $0xFFFFFE00  }
0x81: {  	_ =	swait.ge [sflag:s2], $0x200  }
0x82: {  	[sflag:s2] =	ssyncset.done $0x0  }
0x83: {  	[sflag:s2] =	ssyncadd.s32 $0xFFFFFE00  }
0x84: {  	_ =	swait.ge [sflag:s2], $0x200  }
0x85: {  	[sflag:s2] =	ssyncset.done $0x0  }
0x86: {  	[sflag:s2] =	ssyncadd.s32 $0xFFFFFE00  }
0x87: {  	_ =	swait.ge [sflag:s2], $0x200  }
0x88: {  	[sflag:s2] =	ssyncset.done $0x0  }
0x89: {  	[sflag:s2] =	ssyncadd.s32 $0xFFFFFE00  }
0x8a: {  	_ =	swait.ge [sflag:s2], $0x200  }
0x8b: {  	[sflag:s2] =	ssyncset.done $0x0  }
0x8c: {  	[sflag:s2] =	ssyncadd.s32 $0xFFFFFE00  }
0x8d: {  	_ =	swait.ge [sflag:s2], $0x200  }
0x8e: {  	[sflag:s2] =	ssyncset.done $0x0  }
0x8f: {  	[sflag:s2] =	ssyncadd.s32 $0xFFFFFE00  }
0x90: {  	_ =	swait.ge [sflag:s2], $0x200  }
0x91: {  	[sflag:s2] =	ssyncset.done $0x0  }
0x92: {  	[sflag:s2] =	ssyncadd.s32 $0xFFFFFE00  }
0x93: {  	_ =	swait.ge [sflag:s2], $0x200  }
0x94: {  	[sflag:s2] =	ssyncset.done $0x0  }
0x95: {  	[sflag:s2] =	ssyncadd.s32 $0xFFFFFE00  }
0x96: {  	_ =	swait.ge [sflag:s2], $0x200  }
0x97: {  	[sflag:s2] =	ssyncset.done $0x0  }
0x98: {  	[sflag:s2] =	ssyncadd.s32 $0xFFFFFE00  }
0x99: {  	_ =	swait.ge [sflag:s2], $0x200  }
0x9a: {  	[sflag:s2] =	ssyncset.done $0x0  }
0x9b: {  	[sflag:s2] =	ssyncadd.s32 $0xFFFFFE00  }
0x9c: {  	_ =	swait.ge [sflag:s2], $0x200  }
0x9d: {  	[sflag:s2] =	ssyncset.done $0x0  }
0x9e: {  	[sflag:s2] =	ssyncadd.s32 $0xFFFFFE00  }
0x9f: {  	_ =	swait.ge [sflag:s2], $0x200  }
0xa0: {  	[sflag:s2] =	ssyncset.done $0x0  }
0xa1: {  	[sflag:s2] =	ssyncadd.s32 $0xFFFFFE00  }
0xa2: {  	_ =	swait.ge [sflag:s2], $0x200  }
0xa3: {  	[sflag:s2] =	ssyncset.done $0x0;
	s22 =	rddreg [dreg:$0x1b]  }
0xa4: {  	s4 =	rddreg [dreg:$0x1c];
	[sflag:s2] =	ssyncadd.s32 $0xFFFFFE00  }
0xa5: {  	[hbm4b:s22+s15] =	stream.strided.scatter [tilespmem:s3], [sflag:$0x1], $0x200, s16, s15, $0x38;
	[tilespmem:$0x2E00] =	vst v63  }
0xa6: {  	s20 =	rddreg [dreg:$0x1d]  }
0xa7: {  	[hbm4b:s4+s15] =	stream.strided.scatter [tilespmem:s5], [sflag:$0x1], $0x200, s16, s15, $0x38;
	[tilespmem:$0x2E00] =	vst v63  }
0xa8: {  	s21 =	rddreg [dreg:$0x1e]  }
0xa9: {  	[hbm4b:s20+s15] =	stream.strided.scatter [tilespmem:s6], [sflag:$0x1], $0x200, s16, s15, $0x38;
	[tilespmem:$0x2E00] =	vst v63  }
0xaa: {  	s22 =	rddreg [dreg:$0x1f]  }
0xab: {  	[hbm4b:s21+s15] =	stream.strided.scatter [tilespmem:s23], [sflag:$0x1], $0x200, s16, s15, $0x38;
	[tilespmem:$0x2E00] =	vst v63  }
0xac: {  	s4 =	sld [smem:$0x7F6]  }
0xad: {  	[hbm4b:s22+s15] =	stream.strided.scatter [tilespmem:s24], [sflag:$0x1], $0x200, s16, s15, $0x38;
	[tilespmem:$0x2E00] =	vst v63  }
0xae: {  	s5 =	sld [smem:$0x7F7]  }
0xaf: {  	[hbm4b:s4+s15] =	stream.strided.scatter [tilespmem:s25], [sflag:$0x1], $0x200, s16, s15, $0x38;
	[tilespmem:$0x2E00] =	vst v63  }
0xb0: {  	s6 =	sld [smem:$0x7F8]  }
0xb1: {  	[hbm4b:s5+s15] =	stream.strided.scatter [tilespmem:s28], [sflag:$0x1], $0x200, s16, s15, $0x38;
	[tilespmem:$0x2E00] =	vst v63  }
0xb2: {  	s20 =	sld [smem:$0x7F9]  }
0xb3: {  	[hbm4b:s6+s15] =	stream.strided.scatter [tilespmem:s29], [sflag:$0x1], $0x200, s16, s15, $0x38;
	[tilespmem:$0x2E00] =	vst v63  }
0xb4: {  	s21 =	sld [smem:$0x7FA]  }
0xb5: {  	[hbm4b:s20+s15] =	stream.strided.scatter [tilespmem:s30], [sflag:$0x1], $0x200, s16, s15, $0x38;
	[tilespmem:$0x2E00] =	vst v63  }
0xb6: {  	s22 =	sld [smem:$0x7FB]  }
0xb7: {  	[hbm4b:s21+s15] =	stream.strided.scatter [tilespmem:s31], [sflag:$0x1], $0x200, s16, s15, $0x38;
	[tilespmem:$0x2E00] =	vst v63  }
0xb8: {  	s4 =	sld [smem:$0x7FC]  }
0xb9: {  	[hbm4b:s22+s15] =	stream.strided.scatter [tilespmem:s0], [sflag:$0x1], $0x200, s16, s15, $0x38;
	[tilespmem:$0x2E00] =	vst v63  }
0xba: {  	s3 =	simm.s32 $0x1410  }
0xbb: {  	[hbm4b:s4+s15] =	stream.strided.scatter [tilespmem:s18], [sflag:$0x1], $0x200, s16, s15, $0x38;
	[tilespmem:$0x2E00] =	vst v63  }
0xbc: {  	v1 =	vld [tilespmem:s3+$0xFFFFEBF0]  }
0xbd: {  	s5 =	simm.s32 $0x0;
	v45 =	vld [tilespmem:s3+$0xFFFFEDF0]  }
0xbe: {  	s22 =	sand.u32 $0x1E0, s5;
	v9 =	vld [tilespmem:s3+$0xFFFFEFF0]  }
0xbf: {  	v2 =	vld [tilespmem:s22+$0x2000]  }
0xc0: {  	v19 =	vld [tilespmem:s22+$0x600]  }
0xc1: {  	v26 =	vld [tilespmem:s22+$0x800]  }
0xc2: {  	v8 =	vld [tilespmem:s22+$0xA00];
	v1 =	vmul.f32 $1.442695020e+00, v1  }
0xc3: {  	v4 =	vld [tilespmem:s22+$0xC00];
	v3 =	vmul.f32 $1.442695020e+00, v45;
	v6 =	vmul.f32 $1.442695020e+00, v9  }
0xc4: {  	v41 =	vld [tilespmem:s22+$0x1800];
	v2 =	vmul.f32 $1.442695020e+00, v2;
	(erf) = vpow2.f32 v1  }
0xc5: {  	v7 =	vmul.f32 $1.442695020e+00, v19;
	v1 =	vld [tilespmem:s22+$0xE00];
	(erf) = vpow2.f32 v3  }
0xc6: {  	v10 =	vmul.f32 $1.442695020e+00, v26;
	v3 =	vld [tilespmem:s22+$0x1000];
	(erf) = vpow2.f32 v6  }
0xc7: {  	v40 =	vld [tilespmem:s22+$0x1200];
	v11 =	vmul.f32 $1.442695020e+00, v8;
	(erf) = vpow2.f32 v2  }
0xc8: {  	v4 =	vmul.f32 $1.442695020e+00, v4;
	v2 =	vld [tilespmem:s22+$0x1400];
	(erf) = vpow2.f32 v7  }
0xc9: {  	v24 =	vld [tilespmem:s22+$0x1600];
	v43 =	vmul.f32 $1.442695020e+00, v41;
	(erf) = vpow2.f32 v10  }
0xca: {  	v28 =	vld [tilespmem:s22+$0x2200];
	v1 =	vmul.f32 $1.442695020e+00, v1;
	(erf) = vpow2.f32 v11  }
0xcb: {  	v10 =	vld [tilespmem:s22+$0x1A00];
	v3 =	vmul.f32 $1.442695020e+00, v3;
	(erf) = vpow2.f32 v4  }
0xcc: {  	v42 =	vld [tilespmem:s22+$0x1C00];
	v6 =	vmul.f32 $1.442695020e+00, v40;
	(erf) = vpow2.f32 v1  }
0xcd: {  	v1 =	vld [tilespmem:s22+$0x1E00];
	v2 =	vmul.f32 $1.442695020e+00, v2;
	v11 =	vpop (erf);
	(erf) = vpow2.f32 v3  }
0xce: {  	v3 =	vmul.f32 $1.442695020e+00, v24;
	v12 =	vpop (erf);
	(erf) = vpow2.f32 v6  }
0xcf: {  	v27 =	vld [tilespmem:s22+$0x2400];
	v17 =	vmul.f32 $1.442695020e+00, v28;
	v13 =	vpop (erf);
	(erf) = vpow2.f32 v2  }
0xd0: {  	v15 =	vld [tilespmem:s3+$0xFFFFEC00];
	v2 =	vmul.f32 $1.442695020e+00, v10;
	(erf) = vpow2.f32 v3;
	v14 =	vpop (erf)  }
0xd1: {  	v44 =	vld [tilespmem:s22+$0x2600];
	v4 =	vmul.f32 $1.442695020e+00, v42;
	v10 =	vpop (erf);
	(erf) = vpow2.f32 v43  }
0xd2: {  	v5 =	vld [tilespmem:s3+$0xFFFFF000];
	v1 =	vmul.f32 $1.442695020e+00, v1;
	v16 =	vpop (erf);
	(erf) = vpow2.f32 v2  }
0xd3: {  	v62 =	vld [tilespmem:s3+$0xFFFFEE00];
	v18 =	vpop (erf);
	(erf) = vpow2.f32 v4  }
0xd4: {  	v20 =	vpop (erf);
	(erf) = vpow2.f32 v1  }
0xd5: {  	v46 =	vmul.f32 $1.442695020e+00, v27;
	v48 =	vmul.f32 $1.442695020e+00, v15;
	v3 =	vld [tilespmem:s3+$0xFFFFF200];
	v47 =	vpop (erf)  }
0xd6: {  	v29 =	vld [tilespmem:s3+$0xFFFFF400];
	v1 =	vmul.f32 $1.442695020e+00, v44;
	(erf) = vpow2.f32 v17;
	v17 =	vpop (erf)  }
0xd7: {  	v30 =	vld [tilespmem:s3+$0xFFFFF600];
	v23 =	vmul.f32 $1.442695020e+00, v5;
	(erf) = vpow2.f32 v46;
	v21 =	vpop (erf)  }
0xd8: {  	v22 =	vld [tilespmem:s3+$0xFFFFFA00];
	(erf) = vpow2.f32 v1;
	v1 =	vmul.f32 $1.442695020e+00, v62;
	v25 =	vpop (erf)  }
0xd9: {  	v49 =	vld [tilespmem:s3+$0xFFFFFC00];
	(erf) = vpow2.f32 v48;
	v32 =	vpop (erf)  }
0xda: {  	v15 =	vld [tilespmem:s3+$0xFFFFF800];
	[tilespmem:$0x1FF90] =	vst v3;
	(erf) = vpow2.f32 v1;
	v35 =	vpop (erf)  }
0xdb: {  	v16 =	vadd.f32 v18, v16;
	v33 =	vld [tilespmem:s3+$0xFFFFFE00];
	v7 =	vadd.f32 v47, v20;
	(erf) = vpow2.f32 v23;
	v23 =	vpop (erf)  }
0xdc: {  	v18 =	vld [tilespmem:s3+$0x0];
	v17 =	vadd.f32 v21, v17;
	v21 =	vadd.f32 v32, v25;
	v20 =	vpop (erf)  }
0xdd: {  	v11 =	vadd.f32 v12, v11;
	v37 =	vadd.f32 v10, v13;
	v1 =	vld [tilespmem:s3+$0x200];
	v50 =	vpop (erf)  }
0xde: {  	v34 =	vmul.f32 $1.442695020e+00, v29;
	v51 =	vld [tilespmem:s3+$0x600];
	v23 =	vadd.f32 v23, v35;
	v20 =	vadd.f32 v50, v20  }
0xdf: {  	v36 =	vmul.f32 $1.442695020e+00, v30;
	v11 =	vadd.f32 v37, v11;
	v55 =	vld [tilespmem:s3+$0xC00];
	v52 =	vadd.f32 v7, v16;
	v40 =	vpop (erf)  }
0xe0: {  	v22 =	vmul.f32 $1.442695020e+00, v22;
	v16 =	vld [tilespmem:s3+$0x800];
	v53 =	vadd.f32 v21, v17;
	v21 =	vpop (erf);
	v20 =	vadd.f32 v20, v23  }
0xe1: {  	v31 =	vmul.f32 $1.442695020e+00, v3;
	v25 =	vld [tilespmem:s3+$0x400];
	v11 =	vadd.f32 v52, v11;
	v14 =	vadd.f32 v40, v14;
	v54 =	vpop (erf)  }
0xe2: {  	v17 =	vmul.f32 $1.442695020e+00, v33;
	v23 =	vld [tilespmem:s3+$0xA00];
	[tilespmem:$0x1FFA0] =	vst v1;
	v33 =	vadd.f32 v54, v21;
	v20 =	vadd.f32 v20, v53  }
0xe3: {  	v38 =	vmul.f32 $1.442695020e+00, v49;
	v39 =	vmul.f32 $1.442695020e+00, v1;
	v1 =	vld [tilespmem:s3+$0xE00]  }
0xe4: {  	(erf) = vpow2.f32 v31;
	v14 =	vadd.f32 v33, v14;
	v11 =	vadd.f32 v20, v11  }
0xe5: {  	v15 =	vmul.f32 $1.442695020e+00, v15;
	(erf) = vpow2.f32 v34  }
0xe6: {  	v12 =	vmul.f32 v13, v12;
	(erf) = vpow2.f32 v36;
	v3 =	vld [tilespmem:s3+$0x1000];
	v11 =	vadd.f32 v14, v11  }
0xe7: {  	s6 =	simm.s32 $0x2A10;
	v18 =	vmul.f32 $1.442695020e+00, v18;
	(erf) = vpow2.f32 v15  }
0xe8: {  	v20 =	vmul.f32 $1.442695020e+00, v23;
	v23 =	vld [tilespmem:s3+$0x1200];
	[tilespmem:$0x1FFB0] =	vst v1;
	v15 =	vmul.f32 $5.000000070e-02, v11  }
0xe9: {  	v35 =	vmul.f32 $1.442695020e+00, v51;
	(erf) = vpow2.f32 v22;
	v56 =	vld [tilespmem:s6+$0xFFFFFFF0]  }
0xea: {  	(erf) = vpow2.f32 v38;
	v11 =	vmul.f32 v15, v11  }
0xeb: {  	v16 =	vmul.f32 $1.442695020e+00, v16;
	v57 =	vpop (erf);
	(erf) = vpow2.f32 v17;
	[tilespmem:$0x1FFC0] =	vst v3  }
0xec: {  	v25 =	vmul.f32 $1.442695020e+00, v25;
	(erf) = vpow2.f32 v18;
	v15 =	vpop (erf);
	vm0 =	vgt.f32 v12, v11;
	v12 =	vld [tilespmem:s6+$0x1F0]  }
0xed: {  	(erf) = vpow2.f32 v39;
	v14 =	vmul.f32 $1.442695020e+00, v55;
	v18 =	vpop (erf)  }
0xee: {  	v17 =	vmul.f32 $1.442695020e+00, v23;
	vm1 =	vlt.f32 v56, $8.500000000e+01;
	(erf) = vpow2.f32 v25;
	v23 =	vpop (erf)  }
0xef: {  	v58 =	vsel vm0, $0xBFC00000, v0;
	(erf) = vpow2.f32 v35;
	v61 =	vsel vm1, $0xC0A00000, v0;
	v60 =	vpop (erf)  }
0xf0: {  	vm0 =	vgt.f32 v56, $1.600000000e+02;
	(erf) = vpow2.f32 v16;
	v16 =	vadd.f32 v58, v61;
	v42 =	vpop (erf)  }
0xf1: {  	v22 =	vmul.f32 $1.442695020e+00, v3;
	v63 =	vsel vm0, $0xC0400000, v0;
	v4 =	vpop (erf);
	vm0 =	vlt.f32 v12, $9.000000000e+01  }
0xf2: {  	(erf) = vpow2.f32 v20;
	v37 =	vadd.f32 v16, v9;
	v44 =	vpop (erf);
	v9 =	vsel vm0, $0x3F000000, v0  }
0xf3: {  	s20 =	simm.s32 $0x1430;
	v31 =	vmul.f32 $1.442695020e+00, v1;
	v41 =	vld [tilespmem:s6+$0x0];
	(erf) = vpow2.f32 v14;
	v14 =	vpop (erf)  }
0xf4: {  	v33 =	vld [tilespmem:s20+$0xFFFFEDF0];
	v16 =	vpop (erf)  }
0xf5: {  	s21 =	simm.s32 $0x20;
	v20 =	vld [tilespmem:s20+$0xFFFFEBF0];
	(erf) = vpow2.f32 v31;
	v39 =	vadd.f32 v9, v8;
	v9 =	vpop (erf)  }
0xf6: {  	s4 =	sand.u32 $0x1E0, s21;
	v34 =	vld [tilespmem:s20+$0xFFFFEFF0];
	v59 =	vsel vm1, $0x3F000000, v0;
	(erf) = vpow2.f32 v22;
	v22 =	vpop (erf)  }
0xf7: {  	v1 =	vld [tilespmem:s4+$0x800];
	v25 =	vadd.f32 v58, v59;
	v3 =	vmul.f32 v22, v23  }
0xf8: {  	v10 =	vmul.f32 v32, v10;
	v13 =	vadd.f32 v15, v57;
	v12 =	vmul.f32 v18, v15;
	v15 =	vld [tilespmem:s4+$0x2000]  }
0xf9: {  	v21 =	vmul.f32 v21, v40;
	v25 =	vadd.f32 v25, v63;
	(erf) = vpow2.f32 v17;
	v17 =	vld [tilespmem:s4+$0x600];
	[tilespmem:$0x1FFD0] =	vst v3  }
0xfa: {  	v43 =	vadd.f32 v23, v18;
	v18 =	vadd.f32 v42, v60;
	v20 =	vmul.f32 $1.442695020e+00, v20;
	v35 =	vld [tilespmem:s4+$0xA00]  }
0xfb: {  	v38 =	vadd.f32 v25, v45;
	v25 =	vadd.f32 v44, v4;
	v23 =	vmul.f32 $1.442695020e+00, v33;
	v31 =	vld [tilespmem:s4+$0xC00]  }
0xfc: {  	v2 =	vmovc v5;
	vm2 =	vgt.f32 v21, v11;
	v5 =	vmul.f32 $1.442695020e+00, v34;
	(erf) = vpow2.f32 v20;
	v6 =	vld [tilespmem:s4+$0xE00]  }
0xfd: {  	v18 =	vadd.f32 v25, v18;
	v15 =	vmul.f32 $1.442695020e+00, v15;
	(erf) = vpow2.f32 v23;
	v25 =	vld [tilespmem:s4+$0x1000]  }
0xfe: {  	v14 =	vadd.f32 v16, v14;
	v16 =	vpop (erf);
	v20 =	vmul.f32 $1.442695020e+00, v17;
	(erf) = vpow2.f32 v5;
	v7 =	vld [tilespmem:s4+$0x1200];
	[tilespmem:$0x1FFE0] =	vst v1  }
0xff: {  	v52 =	vmul.f32 $1.442695020e+00, v1;
	v13 =	vadd.f32 v43, v13;
	v23 =	vpop (erf);
	(erf) = vpow2.f32 v15;
	v53 =	vld [tilespmem:s4+$0x1400]  }
0x100: {  	vm1 =	vgt.f32 v10, v11;
	v9 =	vadd.f32 v22, v9;
	v56 =	vld [tilespmem:s4+$0x1800];
	v22 =	vpop (erf);
	(erf) = vpow2.f32 v20  }
0x101: {  	vm0 =	vlt.f32 v41, $8.500000000e+01;
	v55 =	vadd.f32 v18, v13;
	v57 =	vld [tilespmem:s4+$0x1A00];
	v15 =	vpop (erf);
	(erf) = vpow2.f32 v52  }
0x102: {  	v18 =	vsel vm0, $0x3F000000, v0;
	v49 =	vld [tilespmem:s6+$0xFFFFFE00];
	v54 =	vmul.f32 $1.442695020e+00, v35;
	v13 =	vmul.f32 $1.442695020e+00, v31  }
0x103: {  	v20 =	vld [tilespmem:s4+$0x1600];
	v16 =	vadd.f32 v23, v16;
	v46 =	vpop (erf);
	v36 =	vmul.f32 $1.442695020e+00, v6;
	v25 =	vmul.f32 $1.442695020e+00, v25  }
0x104: {  	v51 =	vld [tilespmem:s6+$0xFFFFFDF0];
	v15 =	vadd.f32 v15, v22;
	v31 =	vpop (erf);
	v23 =	vmul.f32 $1.442695020e+00, v7;
	(erf) = vpow2.f32 v54  }
0x105: {  	v9 =	vadd.f32 v9, v14;
	v14 =	vpop (erf);
	v58 =	vmul.f32 $1.442695020e+00, v53;
	(erf) = vpow2.f32 v13  }
0x106: {  	v48 =	vld [tilespmem:s4+$0x1C00];
	v15 =	vadd.f32 v15, v16;
	v16 =	vmul.f32 $1.442695020e+00, v56;
	v47 =	vpop (erf);
	(erf) = vpow2.f32 v36  }
0x107: {  	v52 =	vsel vm2, $0xBFC00000, v0;
	v22 =	vld [tilespmem:s4+$0x1E00];
	v43 =	vmul.f32 $1.442695020e+00, v57;
	v36 =	vpop (erf);
	(erf) = vpow2.f32 v25  }
0x108: {  	v59 =	vadd.f32 v31, v46;
	v50 =	vmul.f32 $1.442695020e+00, v20;
	v42 =	vpop (erf);
	(erf) = vpow2.f32 v23  }
0x109: {  	v61 =	vld [tilespmem:s6+$0x200];
	vm3 =	vgt.f32 v51, $1.300000000e+02;
	vm4 =	vgt.f32 v49, $1.300000000e+02;
	v44 =	vpop (erf);
	(erf) = vpow2.f32 v58  }
0x10a: {  	v51 =	vsel vm1, $0xBFC00000, v0;
	v1 =	vmul.f32 v14, v31;
	v25 =	vld [tilespmem:s4+$0x2200];
	v46 =	vpop (erf);
	(erf) = vpow2.f32 v50  }
0x10b: {  	v9 =	vadd.f32 v15, v9;
	v15 =	vmul.f32 $1.442695020e+00, v48;
	v23 =	vld [tilespmem:s4+$0x2400];
	v40 =	vpop (erf);
	(erf) = vpow2.f32 v16  }
0x10c: {  	v60 =	vld [tilespmem:s4+$0x2600];
	v53 =	vsel vm4, $0x3E99999A, v0;
	v22 =	vmul.f32 $1.442695020e+00, v22;
	v48 =	vpop (erf);
	(erf) = vpow2.f32 v43  }
0x10d: {  	v13 =	vsel vm0, $0xC0A00000, v0;
	v16 =	vadd.f32 v47, v14;
	v63 =	vpop (erf);
	(erf) = vpow2.f32 v15;
	v15 =	vld [tilespmem:s20+$0xFFFFEC00];
	[tilespmem:$0x1FFF0] =	vst v1  }
0x10e: {  	vm0 =	vgt.f32 v41, $1.600000000e+02;
	v29 =	vadd.f32 v53, v29;
	v32 =	vpop (erf);
	(erf) = vpow2.f32 v22;
	v1 =	vld [tilespmem:s20+$0xFFFFEE00]  }
0x10f: {  	v9 =	vadd.f32 v9, v55;
	v11 =	vmul.f32 $1.442695020e+00, v25;
	v10 =	vadd.f32 v16, v59;
	v3 =	vld [tilespmem:s20+$0xFFFFF000];
	v21 =	vpop (erf)  }
0x110: {  	v16 =	vmul.f32 $1.442695020e+00, v23;
	v22 =	vsel vm0, $0xC0400000, v0;
	vm0 =	vlt.f32 v61, $9.000000000e+01;
	v61 =	vld [tilespmem:s20+$0xFFFFF200];
	v31 =	vpop (erf)  }
0x111: {  	v59 =	vmul.f32 $1.442695020e+00, v60;
	v57 =	vld [tilespmem:s20+$0xFFFFF800];
	v41 =	vadd.f32 v10, v9;
	(erf) = vpow2.f32 v11;
	v47 =	vpop (erf)  }
0x112: {  	v36 =	vadd.f32 v42, v36;
	v42 =	vmul.f32 v44, v42;
	(erf) = vpow2.f32 v16;
	v60 =	vpop (erf)  }
0x113: {  	v48 =	vadd.f32 v63, v48;
	v4 =	vld [tilespmem:s20+$0xFFFFFE00];
	[tilespmem:s3+$0xFFFFF400] =	vst v29;
	v29 =	vmul.f32 $5.000000070e-02, v41;
	(erf) = vpow2.f32 v59;
	v43 =	vpop (erf)  }
0x114: {  	v21 =	vadd.f32 v21, v32;
	v16 =	vld [tilespmem:s20+$0xFFFFF400];
	v54 =	vmul.f32 $1.442695020e+00, v15;
	v56 =	vmul.f32 $1.442695020e+00, v1;
	v55 =	vpop (erf)  }
0x115: {  	v7 =	vld [tilespmem:s20+$0xFFFFFC00];
	v31 =	vadd.f32 v47, v31;
	v58 =	vmul.f32 $1.442695020e+00, v3;
	v59 =	vmul.f32 $1.442695020e+00, v61;
	v63 =	vpop (erf)  }
0x116: {  	v15 =	vld [tilespmem:s20+$0xFFFFF600];
	v48 =	vadd.f32 v21, v48;
	v57 =	vmul.f32 $1.442695020e+00, v57;
	v29 =	vmul.f32 v29, v41;
	v5 =	vpop (erf)  }
0x117: {  	v47 =	vld [tilespmem:s20+$0xFFFFFA00];
	(erf) = vpow2.f32 v54;
	v49 =	vadd.f32 v43, v60;
	v60 =	vadd.f32 v40, v44;
	v6 =	vpop (erf)  }
0x118: {  	v14 =	vmovc v61;
	v61 =	vld [tilespmem:s20+$0x0];
	v54 =	vmul.f32 $1.442695020e+00, v4;
	(erf) = vpow2.f32 v56;
	v32 =	vadd.f32 v6, v5  }
0x119: {  	v10 =	vmovc v1;
	v1 =	vld [tilespmem:s20+$0x400];
	v50 =	vadd.f32 v63, v55;
	v49 =	vadd.f32 v49, v31;
	v56 =	vmul.f32 $1.442695020e+00, v16  }
0x11a: {  	v21 =	vld [tilespmem:s20+$0x200];
	v36 =	vadd.f32 v60, v36;
	(erf) = vpow2.f32 v58;
	v63 =	vadd.f32 v51, v19  }
0x11b: {  	v55 =	vmul.f32 $1.442695020e+00, v7;
	v51 =	vadd.f32 v51, v24;
	v58 =	vmul.f32 $1.442695020e+00, v15;
	v31 =	vpop (erf)  }
0x11c: {  	v7 =	vld [tilespmem:s20+$0x800];
	v47 =	vmul.f32 $1.442695020e+00, v47;
	(erf) = vpow2.f32 v59;
	v50 =	vadd.f32 v32, v50;
	v32 =	vpop (erf)  }
0x11d: {  	v24 =	vld [tilespmem:s20+$0xE00];
	v36 =	vadd.f32 v48, v36;
	v61 =	vmul.f32 $1.442695020e+00, v61;
	v46 =	vadd.f32 v31, v46;
	v5 =	vpop (erf)  }
0x11e: {  	v6 =	vld [tilespmem:s20+$0x600];
	v1 =	vmul.f32 $1.442695020e+00, v1;
	v49 =	vadd.f32 v50, v49;
	v48 =	vadd.f32 v5, v32  }
0x11f: {  	v45 =	vsel vm3, $0x3E99999A, v0;
	v19 =	vld [tilespmem:s20+$0x1000];
	(erf) = vpow2.f32 v56;
	v56 =	vmul.f32 $1.442695020e+00, v21  }
0x120: {  	v4 =	vld [tilespmem:s20+$0xC00];
	(erf) = vpow2.f32 v58;
	v36 =	vadd.f32 v49, v36;
	v46 =	vadd.f32 v48, v46  }
0x121: {  	s5 =	simm.s32 $0x2A30;
	v26 =	vadd.f32 v45, v26;
	(erf) = vpow2.f32 v57;
	v58 =	vmul.f32 $1.442695020e+00, v7  }
0x122: {  	v7 =	vld [tilespmem:s5+$0xFFFFFFF0];
	v45 =	vmul.f32 $1.442695020e+00, v24;
	(erf) = vpow2.f32 v47;
	v36 =	vadd.f32 v46, v36  }
0x123: {  	v28 =	vadd.f32 v52, v28;
	v50 =	vmul.f32 $1.442695020e+00, v6;
	v6 =	vld [tilespmem:s20+$0x1200];
	(erf) = vpow2.f32 v55  }
0x124: {  	v27 =	vadd.f32 v52, v27;
	v55 =	vmul.f32 $1.442695020e+00, v19;
	v48 =	vld [tilespmem:s20+$0xA00];
	v59 =	vmul.f32 $5.000000070e-02, v36  }
0x125: {  	v60 =	vsel vm0, $0x3F000000, v0;
	v5 =	vpop (erf);
	v49 =	vmul.f32 $1.442695020e+00, v4;
	(erf) = vpow2.f32 v54  }
0x126: {  	v30 =	vadd.f32 v60, v30;
	v47 =	vpop (erf);
	(erf) = vpow2.f32 v61;
	v36 =	vmul.f32 v59, v36  }
0x127: {  	v60 =	vld [tilespmem:s5+$0x1F0];
	vm1 =	vlt.f32 v7, $8.500000000e+01;
	(erf) = vpow2.f32 v56;
	v46 =	vadd.f32 v47, v5  }
0x128: {  	[tilespmem:s3+$0xFFFFEDF0] =	vst v38;
	v38 =	vpop (erf);
	v53 =	vmul.f32 $1.442695020e+00, v6;
	v5 =	vsel vm1, $0x3F000000, v0;
	vm0 =	vgt.f32 v42, v36  }
0x129: {  	[tilespmem:s3+$0xFFFFEFF0] =	vst v37;
	v6 =	vsel vm1, $0xC0A00000, v0;
	v48 =	vmul.f32 $1.442695020e+00, v48;
	v42 =	vpop (erf);
	v4 =	vsel vm0, $0xBFC00000, v0  }
0x12a: {  	v37 =	vld [tilespmem:s5+$0x0];
	[tilespmem:s22+$0xA00] =	vst v39;
	vm0 =	vgt.f32 v7, $1.600000000e+02;
	v7 =	vpop (erf);
	(erf) = vpow2.f32 v1;
	v59 =	vadd.f32 v42, v38  }
0x12b: {  	[tilespmem:s22+$0x2200] =	vst v28;
	v54 =	vadd.f32 v4, v5;
	v39 =	vadd.f32 v4, v6;
	v57 =	vpop (erf);
	(erf) = vpow2.f32 v50  }
0x12c: {  	[tilespmem:s22+$0x2400] =	vst v27;
	v56 =	vsel vm0, $0xC0400000, v0;
	vm0 =	vlt.f32 v60, $9.000000000e+01;
	v28 =	vpop (erf);
	(erf) = vpow2.f32 v58  }
0x12d: {  	[tilespmem:s22+$0x800] =	vst v26;
	v60 =	vsel vm0, $0x3F000000, v0;
	v61 =	vadd.f32 v57, v7;
	v46 =	vadd.f32 v59, v46;
	v27 =	vpop (erf)  }
0x12e: {  	v11 =	vmovc v3;
	[tilespmem:s22+$0x600] =	vst v63;
	v44 =	vadd.f32 v54, v56;
	(erf) = vpow2.f32 v48;
	v27 =	vadd.f32 v27, v28  }
0x12f: {  	[tilespmem:s22+$0x1600] =	vst v51;
	vm0 =	vlt.f32 v37, $8.500000000e+01;
	v34 =	vadd.f32 v39, v34;
	v26 =	vpop (erf);
	(erf) = vpow2.f32 v49  }
0x130: {  	[tilespmem:s3+$0xFFFFF600] =	vst v30;
	v33 =	vadd.f32 v44, v33;
	v28 =	vpop (erf);
	(erf) = vpow2.f32 v45;
	v63 =	vadd.f32 v27, v61  }
0x131: {  	v35 =	vadd.f32 v60, v35;
	v39 =	vld [tilespmem:s5+$0xFFFFFDF0];
	[tilespmem:s20+$0xFFFFEFF0] =	vst v34;
	v26 =	vadd.f32 v28, v26;
	v28 =	vpop (erf);
	(erf) = vpow2.f32 v55  }
0x132: {  	v30 =	vld [tilespmem:s5+$0xFFFFFE00];
	v44 =	vmul.f32 v38, v47;
	(erf) = vpow2.f32 v53;
	[tilespmem:s20+$0xFFFFEDF0] =	vst v33;
	v27 =	vpop (erf);
	v38 =	vadd.f32 v63, v46  }
0x133: {  	s22 =	simm.s32 $0x1450;
	v33 =	vld [tilespmem:s5+$0x200];
	[tilespmem:s4+$0xA00] =	vst v35;
	v35 =	vsel vm0, $0x3F000000, v0;
	v34 =	vadd.f32 v27, v28;
	v28 =	vmul.f32 v43, v40;
	v40 =	vpop (erf)  }
.LBB2_2:
0x134: {  	v41 =	vld [tilespmem:s22+$0xFFFFEBF0];
	vm1 =	vgt.f32 v12, v29  }
0x135: {  	s21 =	sadd.s32 $0x20, s21;
	v55 =	vmul.f32 v27, v42;
	v27 =	vld [tilespmem:s22+$0xFFFFEFF0];
	v57 =	vsel vm1, $0xBFC00000, v0  }
0x136: {  	v31 =	vmul.f32 v32, v31;
	v32 =	vadd.f32 v34, v26;
	v26 =	vld [tilespmem:s22+$0xFFFFEDF0];
	s6 =	sand.u32 $0x1E0, s21;
	v1 =	vadd.f32 v57, v18  }
0x137: {  	v54 =	vpop (erf);
	v45 =	vld [tilespmem:s6+$0x2000]  }
0x138: {  	v56 =	vpop (erf);
	v51 =	vadd.f32 v1, v22;
	v1 =	vld [tilespmem:$0x1FFD0]  }
0x139: {  	v43 =	vsel vm0, $0xC0A00000, v0;
	vm1 =	vgt.f32 v37, $1.600000000e+02;
	v37 =	vld [tilespmem:s6+$0x600];
	v58 =	vpop (erf)  }
0x13a: {  	vm0 =	vgt.f32 v28, v36;
	v34 =	vld [tilespmem:s6+$0x800];
	v12 =	vadd.f32 v54, v40;
	v28 =	vadd.f32 v58, v56  }
0x13b: {  	vm5 =	vgt.f32 v30, $1.300000000e+02;
	v63 =	vld [tilespmem:s6+$0xC00];
	v47 =	vpop (erf);
	v3 =	vmul.f32 $1.442695020e+00, v41  }
0x13c: {  	v48 =	vmul.f32 $1.442695020e+00, v27;
	v59 =	vpop (erf);
	v4 =	vmul.f32 $1.442695020e+00, v26;
	v5 =	vadd.f32 v28, v12  }
0x13d: {  	v18 =	vpop (erf);
	v28 =	vld [tilespmem:s6+$0xA00];
	v7 =	vmul.f32 $1.442695020e+00, v45;
	vm2 =	vgt.f32 v1, v29;
	v1 =	vmov v55  }
0x13e: {  	vm4 =	vlt.f32 v33, $9.000000000e+01;
	v50 =	vmul.f32 $1.442695020e+00, v37;
	v61 =	vpop (erf);
	(erf) = vpow2.f32 v3;
	[tilespmem:$0x1FFD0] =	vst v1;
	v1 =	vld [tilespmem:$0x1FFF0]  }
0x13f: {  	v6 =	vld [tilespmem:s6+$0xE00];
	v46 =	vsel vm1, $0xC0400000, v0;
	v53 =	vmul.f32 $1.442695020e+00, v34;
	(erf) = vpow2.f32 v4  }
0x140: {  	v49 =	vld [tilespmem:s6+$0x1000];
	vm1 =	vgt.f32 v31, v36;
	v56 =	vmul.f32 $1.442695020e+00, v63;
	(erf) = vpow2.f32 v48  }
0x141: {  	v52 =	vld [tilespmem:s6+$0x1200];
	v31 =	vadd.f32 v57, v13;
	v36 =	vmul.f32 v18, v59;
	(erf) = vpow2.f32 v7  }
0x142: {  	v54 =	vld [tilespmem:s6+$0x1400];
	v60 =	vadd.f32 v59, v47;
	v55 =	vmul.f32 $1.442695020e+00, v28;
	(erf) = vpow2.f32 v50  }
0x143: {  	v42 =	vadd.f32 v61, v18;
	(erf) = vpow2.f32 v53;
	vm3 =	vgt.f32 v1, v29;
	v1 =	vmovc v36;
	v36 =	vld [tilespmem:s6+$0x1600]  }
0x144: {  	v57 =	vld [tilespmem:s6+$0x1800];
	v58 =	vmul.f32 $1.442695020e+00, v6;
	v32 =	vadd.f32 v5, v32;
	(erf) = vpow2.f32 v55  }
0x145: {  	v59 =	vld [tilespmem:s6+$0x1A00];
	v41 =	vadd.f32 v42, v60;
	v60 =	vmul.f32 $1.442695020e+00, v49;
	(erf) = vpow2.f32 v56  }
0x146: {  	vm6 =	vgt.f32 v39, $1.300000000e+02;
	v13 =	vmovc v43;
	v22 =	vmovc v46;
	v30 =	vmul.f32 $1.442695020e+00, v52;
	v61 =	vld [tilespmem:s6+$0x1C00];
	(erf) = vpow2.f32 v58  }
0x147: {  	v63 =	vld [tilespmem:s6+$0x1E00];
	v4 =	vmul.f32 $1.442695020e+00, v54;
	v32 =	vadd.f32 v32, v38;
	v52 =	vpop (erf);
	(erf) = vpow2.f32 v60  }
0x148: {  	v12 =	vmov v44;
	v44 =	vld [tilespmem:s6+$0x2200];
	v33 =	vpop (erf);
	(erf) = vpow2.f32 v30;
	v5 =	vmul.f32 $1.442695020e+00, v36  }
0x149: {  	v46 =	vld [tilespmem:s6+$0x2400];
	v29 =	vadd.f32 v41, v32;
	v32 =	vmul.f32 $1.442695020e+00, v57;
	v39 =	vpop (erf);
	(erf) = vpow2.f32 v4  }
0x14a: {  	v43 =	vld [tilespmem:s6+$0x2600];
	v18 =	vmov v35;
	v40 =	vmul.f32 $1.442695020e+00, v59;
	v55 =	vpop (erf);
	(erf) = vpow2.f32 v5  }
0x14b: {  	v54 =	vsel vm1, $0xBFC00000, v0;
	v6 =	vmul.f32 $1.442695020e+00, v61;
	v56 =	vld [tilespmem:s22+$0xFFFFEC00];
	v35 =	vpop (erf);
	(erf) = vpow2.f32 v32  }
0x14c: {  	v47 =	vsel vm2, $0xBFC00000, v0;
	v7 =	vmul.f32 $1.442695020e+00, v63;
	v50 =	vld [tilespmem:s22+$0xFFFFEE00];
	v57 =	vpop (erf);
	(erf) = vpow2.f32 v40  }
0x14d: {  	v49 =	vld [tilespmem:s22+$0xFFFFF000];
	v38 =	vmul.f32 $1.442695020e+00, v44;
	v53 =	vsel vm0, $0xBFC00000, v0;
	v58 =	vpop (erf);
	(erf) = vpow2.f32 v6  }
0x14e: {  	v45 =	vld [tilespmem:s22+$0xFFFFF600];
	v17 =	vadd.f32 v53, v17;
	[tilespmem:$0x1FFF0] =	vst v1;
	v1 =	vmul.f32 $1.442695020e+00, v46;
	v60 =	vpop (erf);
	(erf) = vpow2.f32 v7  }
0x14f: {  	v48 =	vld [tilespmem:s22+$0xFFFFF200];
	v63 =	vmul.f32 $1.442695020e+00, v43;
	v6 =	vadd.f32 v51, v62;
	v51 =	vpop (erf);
	(erf) = vpow2.f32 v38  }
0x150: {  	v20 =	vadd.f32 v53, v20;
	[tilespmem:s4+$0x600] =	vst v17;
	v3 =	vmul.f32 $1.442695020e+00, v56;
	v56 =	vpop (erf);
	(erf) = vpow2.f32 v1;
	v1 =	vld [tilespmem:$0x1FF90]  }
0x151: {  	v17 =	vadd.f32 v54, v25;
	v5 =	vmul.f32 $1.442695020e+00, v50;
	[tilespmem:s3+$0xFFFFEE00] =	vst v6;
	v6 =	vld [tilespmem:s22+$0xFFFFF800];
	v59 =	vpop (erf);
	(erf) = vpow2.f32 v63  }
0x152: {  	v25 =	vld [tilespmem:s22+$0xFFFFFA00];
	[tilespmem:s4+$0x1600] =	vst v20;
	v20 =	vadd.f32 v54, v23;
	v7 =	vmul.f32 $1.442695020e+00, v49;
	v61 =	vpop (erf);
	(erf) = vpow2.f32 v3  }
0x153: {  	v42 =	vsel vm6, $0x3E99999A, v0;
	v41 =	vsel vm5, $0x3E99999A, v0;
	[tilespmem:s4+$0x2200] =	vst v17;
	v17 =	vld [tilespmem:s22+$0xFFFFFE00];
	v38 =	vpop (erf);
	(erf) = vpow2.f32 v5  }
0x154: {  	v23 =	vld [tilespmem:s22+$0xFFFFFC00];
	[tilespmem:s4+$0x2400] =	vst v20;
	v20 =	vadd.f32 v33, v52;
	v3 =	vadd.f32 v31, v2;
	v31 =	vpop (erf);
	(erf) = vpow2.f32 v7  }
0x155: {  	v43 =	vld [tilespmem:s22+$0xFFFFF400];
	v54 =	vmul.f32 $1.442695020e+00, v48;
	v32 =	vadd.f32 v58, v57;
	v2 =	vadd.f32 v47, v1;
	v63 =	vpop (erf)  }
0x156: {  	v52 =	vld [tilespmem:s22+$0x0];
	[tilespmem:s3+$0xFFFFF000] =	vst v3;
	v3 =	vadd.f32 v51, v60;
	v51 =	vadd.f32 v59, v56;
	v59 =	vmul.f32 $1.442695020e+00, v6;
	v6 =	vpop (erf)  }
0x157: {  	v62 =	vadd.f32 v35, v39;
	v56 =	vld [tilespmem:s22+$0x200];
	[tilespmem:s3+$0xFFFFF200] =	vst v2;
	v2 =	vadd.f32 v38, v61;
	v61 =	vmul.f32 $1.442695020e+00, v25;
	v25 =	vpop (erf)  }
0x158: {  	v60 =	vld [tilespmem:s22+$0x400];
	v1 =	vmul.f32 $1.442695020e+00, v17;
	v58 =	vadd.f32 v63, v31;
	v6 =	vadd.f32 v25, v6;
	v31 =	vpop (erf)  }
0x159: {  	v17 =	vadd.f32 v62, v20;
	v63 =	vmul.f32 $1.442695020e+00, v23;
	v3 =	vadd.f32 v3, v32;
	v23 =	vld [tilespmem:s22+$0x800];
	v32 =	vpop (erf)  }
0x15a: {  	v53 =	vmul.f32 $1.442695020e+00, v43;
	v62 =	vld [tilespmem:s22+$0xC00];
	v2 =	vadd.f32 v2, v51;
	v6 =	vadd.f32 v6, v58;
	v20 =	vpop (erf)  }
0x15b: {  	v57 =	vmul.f32 $1.442695020e+00, v45;
	v25 =	vld [tilespmem:s22+$0x600];
	v55 =	vadd.f32 v31, v55;
	v20 =	vadd.f32 v20, v32;
	v5 =	vpop (erf)  }
0x15c: {  	v52 =	vmul.f32 $1.442695020e+00, v52;
	v3 =	vadd.f32 v3, v17;
	v58 =	vld [tilespmem:s22+$0xA00];
	v2 =	vadd.f32 v6, v2;
	v7 =	vpop (erf)  }
0x15d: {  	v4 =	vmul.f32 $1.442695020e+00, v56;
	v6 =	vld [tilespmem:s22+$0xE00];
	v9 =	vpop (erf);
	(erf) = vpow2.f32 v54;
	v54 =	vadd.f32 v20, v55  }
0x15e: {  	v2 =	vadd.f32 v2, v3;
	v3 =	vmul.f32 $1.442695020e+00, v23;
	(erf) = vpow2.f32 v53;
	v23 =	vld [tilespmem:$0x1FFA0]  }
0x15f: {  	v30 =	vsel vm3, $0xBFC00000, v0;
	v60 =	vmul.f32 $1.442695020e+00, v60;
	v20 =	vmovc v36;
	(erf) = vpow2.f32 v57;
	v36 =	vld [tilespmem:$0x1FFE0]  }
0x160: {  	v8 =	vmul.f32 $1.442695020e+00, v25;
	v25 =	vmovc v44;
	v44 =	vadd.f32 v54, v2;
	(erf) = vpow2.f32 v59;
	v2 =	vld [tilespmem:$0x1FFB0]  }
0x161: {  	v40 =	vsel vm4, $0x3F000000, v0;
	v58 =	vmul.f32 $1.442695020e+00, v58;
	(erf) = vpow2.f32 v61;
	v61 =	vld [tilespmem:$0x1FFC0]  }
0x162: {  	v51 =	vld [tilespmem:s22+$0x1000];
	v17 =	vmovc v37;
	v5 =	vadd.f32 v7, v5;
	v59 =	vmul.f32 $5.000000070e-02, v44;
	(erf) = vpow2.f32 v63  }
0x163: {  	s5 =	sadd.s32 $0x20, s5;
	v55 =	vld [tilespmem:s22+$0x1200];
	v63 =	vadd.f32 v40, v15;
	v53 =	vadd.f32 v47, v23;
	v23 =	vmovc v46;
	(erf) = vpow2.f32 v1;
	v1 =	vmovc v24  }
0x164: {  	v46 =	vmul.f32 $1.442695020e+00, v62;
	v62 =	vmovc v10;
	v47 =	vld [tilespmem:s5+$0xFFFFFFF0];
	v54 =	vadd.f32 v42, v36;
	v36 =	vmul.f32 v59, v44;
	[tilespmem:$0x1FFB0] =	vst v1  }
0x165: {  	v10 =	vmovc v50;
	v42 =	vmov v34;
	v59 =	vmul.f32 v39, v33;
	v44 =	vmul.f32 v9, v7;
	[tilespmem:s3+$0x200] =	vst v53  }
0x166: {  	v50 =	vmul.f32 $1.442695020e+00, v6;
	v57 =	vadd.f32 v30, v2;
	[tilespmem:$0x1FFE0] =	vst v42;
	v53 =	vadd.f32 v30, v61;
	v30 =	vmovc v14  }
0x167: {  	v37 =	vld [tilespmem:s5+$0x0];
	v14 =	vmovc v48;
	v48 =	vmul.f32 $1.442695020e+00, v51;
	v61 =	vadd.f32 v41, v16;
	[tilespmem:s4+$0x800] =	vst v54;
	vm0 =	vgt.f32 v59, v36  }
0x168: {  	v41 =	vmul.f32 $1.442695020e+00, v55;
	[tilespmem:$0x1FF90] =	vst v30;
	v30 =	vld [tilespmem:s5+$0xFFFFFE00];
	v42 =	vpop (erf);
	(erf) = vpow2.f32 v52;
	v52 =	vsel vm0, $0xBFC00000, v0  }
0x169: {  	v15 =	vmovc v45;
	[tilespmem:s3+$0xE00] =	vst v57;
	v45 =	vld [tilespmem:s5+$0x1F0];
	vm1 =	vlt.f32 v47, $8.500000000e+01;
	(erf) = vpow2.f32 v4;
	vm0 =	vgt.f32 v47, $1.600000000e+02  }
0x16a: {  	v33 =	vld [tilespmem:s5+$0x200];
	[tilespmem:s3+$0x1000] =	vst v53;
	s3 =	smov.u32 s20;
	v24 =	vpop (erf);
	v57 =	vmov v21;
	v53 =	vsel vm1, $0x3F000000, v0;
	v21 =	vmov v56  }
0x16b: {  	[tilespmem:s3+$0xFFFFF600] =	vst v63;
	v1 =	vsel vm1, $0xC0A00000, v0;
	v56 =	vpop (erf);
	(erf) = vpow2.f32 v60;
	v63 =	vmul.f32 $5.000000070e-02, v29  }
0x16c: {  	v54 =	vadd.f32 v52, v53;
	v1 =	vadd.f32 v52, v1;
	v59 =	vpop (erf);
	(erf) = vpow2.f32 v8  }
0x16d: {  	v55 =	vsel vm0, $0xC0400000, v0;
	[tilespmem:$0x1FFA0] =	vst v57;
	v57 =	vadd.f32 v42, v9;
	v8 =	vpop (erf);
	(erf) = vpow2.f32 v3  }
0x16e: {  	v2 =	vmovc v11;
	v29 =	vmul.f32 v63, v29;
	v4 =	vadd.f32 v54, v55;
	v1 =	vadd.f32 v1, v27  }
0x16f: {  	v11 =	vmovc v49;
	v16 =	vmovc v43;
	vm0 =	vlt.f32 v45, $9.000000000e+01;
	v60 =	vadd.f32 v8, v59;
	v5 =	vadd.f32 v57, v5  }
0x170: {  	p0 =	slt.u32 s21, $0x1E0;
	v3 =	vsel vm0, $0x3F000000, v0;
	v4 =	vadd.f32 v4, v26;
	v26 =	vpop (erf);
	(erf) = vpow2.f32 v58  }
.Ltmp0:
0x171: {  	[tilespmem:s3+$0xFFFFF400] =	vst v61;
	v28 =	vadd.f32 v3, v28;
	v3 =	vadd.f32 v56, v24;
	(erf) = vpow2.f32 v46;
	v61 =	vpop (erf);
	(pc) =	sbr.rel @p0 .LBB2_2-.Ltmp0, $4  }
0x172: {  	v39 =	vld [tilespmem:s5+$0xFFFFFDF0];
	vm0 =	vlt.f32 v37, $8.500000000e+01;
	[tilespmem:s22+$0xFFFFEFF0] =	vst v1;
	v24 =	vmov v6;
	(erf) = vpow2.f32 v50;
	v1 =	vpop (erf)  }
0x173: {  	s4 =	smov.u32 s6;
	[tilespmem:s22+$0xFFFFEDF0] =	vst v4;
	v26 =	vadd.f32 v61, v26;
	v3 =	vadd.f32 v60, v3;
	(erf) = vpow2.f32 v48;
	v27 =	vpop (erf)  }
0x174: {  	[tilespmem:s4+$0xA00] =	vst v28;
	v28 =	vmul.f32 v38, v35;
	v35 =	vsel vm0, $0x3F000000, v0;
	v34 =	vadd.f32 v27, v1;
	v1 =	vmovc v19  }
0x175: {  	s20 =	smov.u32 s22;
	s22 =	sadd.s32 $0x20, s22;
	(erf) = vpow2.f32 v41;
	v19 =	vmov v51;
	v38 =	vadd.f32 v3, v5;
	v40 =	vpop (erf);
	[tilespmem:$0x1FFC0] =	vst v1  }
0x176: {  	_ = 	snop  }
0x177: {  	v1 =	vpop (erf)  }
0x178: {  	v3 =	vpop (erf)  }
0x179: {  	v4 =	vpop (erf)  }
0x17a: {  	v1 =	vadd.f32 v1, v40;
	v3 =	vadd.f32 v4, v3  }
0x17b: {  	vm1 =	vgt.f32 v12, v29  }
0x17c: {  	v1 =	vadd.f32 v3, v1;
	v3 =	vsel vm1, $0xBFC00000, v0  }
0x17d: {  	v8 =	vadd.f32 v3, v18  }
0x17e: {  	vm6 =	vgt.f32 v28, v36  }
0x17f: {  	v9 =	vmul.f32 v32, v31;
	v47 =	vsel vm6, $0xBFC00000, v0;
	v8 =	vadd.f32 v8, v22  }
0x180: {  	v48 =	vadd.f32 v47, v17  }
0x181: {  	vm7 =	vgt.f32 v9, v36;
	v8 =	vadd.f32 v8, v62  }
0x182: {  	v49 =	vadd.f32 v47, v20;
	v9 =	vsel vm7, $0xBFC00000, v0;
	[tilespmem:s4+$0x600] =	vst v48  }
0x183: {  	v50 =	vadd.f32 v9, v25;
	[tilespmem:s3+$0xFFFFEE00] =	vst v8  }
0x184: {  	v3 =	vadd.f32 v3, v13;
	v53 =	vld [tilespmem:$0x1FFD0];
	[tilespmem:s4+$0x1600] =	vst v49  }
0x185: {  	[tilespmem:s4+$0x2200] =	vst v50  }
0x186: {  	v55 =	vadd.f32 v3, v2;
	v2 =	vld [tilespmem:$0x1FFF0];
	_ =	sdelay $0x1  }
0x187: {  	v9 =	vadd.f32 v9, v23;
	_ =	sdelay $0x1  }
0x188: {  	[tilespmem:s4+$0x2400] =	vst v9  }
0x189: {  	vm10 =	vgt.f32 v2, v29;
	v2 =	vld [tilespmem:$0x1FF90]  }
0x18a: {  	v41 =	vpop (erf)  }
0x18b: {  	v5 =	vadd.f32 v34, v26;
	v6 =	vpop (erf)  }
0x18c: {  	v7 =	vpop (erf);
	vm9 =	vgt.f32 v53, v29  }
0x18d: {  	v4 =	vadd.f32 v6, v41;
	v1 =	vadd.f32 v1, v5;
	v43 =	vpop (erf);
	v54 =	vsel vm9, $0xBFC00000, v0;
	[tilespmem:s3+$0xFFFFF000] =	vst v55  }
0x18e: {  	v5 =	vadd.f32 v43, v7;
	v3 =	vadd.f32 v54, v2;
	v2 =	vld [tilespmem:$0x1FFA0];
	_ =	sdelay $0x1  }
0x18f: {  	v1 =	vadd.f32 v1, v38;
	v4 =	vadd.f32 v5, v4;
	_ =	sdelay $0x1  }
0x190: {  	v1 =	vadd.f32 v4, v1  }
0x191: {  	v2 =	vadd.f32 v54, v2  }
0x192: {  	v51 =	vmul.f32 $5.000000070e-02, v1;
	[tilespmem:s3+$0xFFFFF200] =	vst v3  }
0x193: {  	v3 =	vld [tilespmem:$0x1FFB0];
	[tilespmem:s3+$0x200] =	vst v2  }
0x194: {  	v1 =	vmul.f32 v51, v1;
	v2 =	vld [tilespmem:$0x1FFC0]  }
0x195: {  	v45 =	vmul.f32 v27, v42;
	v46 =	vsel vm0, $0xC0A00000, v0;
	vm2 =	vgt.f32 v30, $1.300000000e+02  }
0x196: {  	vm8 =	vgt.f32 v37, $1.600000000e+02;
	v60 =	vsel vm2, $0x3E99999A, v0;
	vm12 =	vgt.f32 v44, v1  }
0x197: {  	v16 =	vadd.f32 v60, v16;
	v57 =	vsel vm12, $0xBFC00000, v0;
	v56 =	vsel vm10, $0xBFC00000, v0;
	v61 =	vld [tilespmem:$0x1FFE0]  }
0x198: {  	vm13 =	vlt.f32 v33, $9.000000000e+01;
	v62 =	vadd.f32 v57, v46;
	v3 =	vadd.f32 v56, v3  }
0x199: {  	v52 =	vsel vm8, $0xC0400000, v0;
	v59 =	vadd.f32 v57, v35;
	[tilespmem:s20+$0xFFFFF400] =	vst v16;
	v2 =	vadd.f32 v56, v2  }
0x19a: {  	vm11 =	vgt.f32 v39, $1.300000000e+02;
	v4 =	vadd.f32 v62, v11;
	[tilespmem:s3+$0xE00] =	vst v3;
	v3 =	vsel vm13, $0x3F000000, v0  }
0x19b: {  	v58 =	vsel vm11, $0x3E99999A, v0;
	v3 =	vadd.f32 v3, v15;
	[tilespmem:s3+$0x1000] =	vst v2;
	v2 =	vadd.f32 v59, v52  }
0x19c: {  	v63 =	vmul.f32 v7, v6;
	vm14 =	vgt.f32 v45, v1;
	[tilespmem:s20+$0xFFFFF000] =	vst v4;
	v9 =	vadd.f32 v58, v61  }
0x19d: {  	[tilespmem:s20+$0xFFFFF600] =	vst v3;
	v3 =	vsel vm14, $0xBFC00000, v0;
	v2 =	vadd.f32 v2, v10  }
0x19e: {  	vm15 =	vgt.f32 v63, v1;
	v1 =	vadd.f32 v3, v14;
	[tilespmem:s4+$0x800] =	vst v9  }
0x19f: {  	v3 =	vadd.f32 v3, v21;
	[tilespmem:s20+$0xFFFFEE00] =	vst v2;
	v2 =	vsel vm15, $0xBFC00000, v0  }
0x1a0: {  	[tilespmem:s20+$0xFFFFF200] =	vst v1;
	v1 =	vadd.f32 v2, v24  }
0x1a1: {  	[tilespmem:s20+$0x200] =	vst v3;
	v2 =	vadd.f32 v2, v19  }
0x1a2: {  	[tilespmem:s20+$0xE00] =	vst v1  }
0x1a3: {  	[tilespmem:s20+$0x1000] =	vst v2  }
0x1a4: {  	s3 =	sld [smem:$0x7FD];
	_ =	sdelay $0x1  }
0x1a5: {  	s5 =	simm.s32 $0x200  }
0x1a6: {  	[hbm4b:s3+s15] =	stream.strided.scatter [tilespmem:s5], [sflag:$0x1], $0x200, s16, s15, $0x38;
	[tilespmem:$0x2E00] =	vst v63  }
0x1a7: {  	_ = 	snop  }
0x1a8: {  	[hbm4b:s7+s15] =	stream.strided.scatter [tilespmem:s16], [sflag:$0x1], $0x200, s16, s15, $0x38;
	[tilespmem:$0x2E00] =	vst v63  }
0x1a9: {  	s6 =	simm.s32 $0x600  }
0x1aa: {  	[hbm4b:s8+s15] =	stream.strided.scatter [tilespmem:s6], [sflag:$0x1], $0x200, s16, s15, $0x38;
	[tilespmem:$0x2E00] =	vst v63  }
0x1ab: {  	s20 =	simm.s32 $0x800  }
0x1ac: {  	[hbm4b:s9+s15] =	stream.strided.scatter [tilespmem:s20], [sflag:$0x1], $0x200, s16, s15, $0x38;
	[tilespmem:$0x2E00] =	vst v63  }
0x1ad: {  	s21 =	simm.s32 $0xA00  }
0x1ae: {  	[hbm4b:s10+s15] =	stream.strided.scatter [tilespmem:s21], [sflag:$0x1], $0x200, s16, s15, $0x38;
	[tilespmem:$0x2E00] =	vst v63  }
0x1af: {  	_ = 	snop  }
0x1b0: {  	[hbm4b:s11+s15] =	stream.strided.scatter [tilespmem:s26], [sflag:$0x1], $0x200, s16, s15, $0x38;
	[tilespmem:$0x2E00] =	vst v63  }
0x1b1: {  	_ = 	snop  }
0x1b2: {  	[hbm4b:s12+s15] =	stream.strided.scatter [tilespmem:s17], [sflag:$0x1], $0x200, s16, s15, $0x38;
	[tilespmem:$0x2E00] =	vst v63  }
0x1b3: {  	_ = 	snop  }
0x1b4: {  	[hbm4b:s13+s15] =	stream.strided.scatter [tilespmem:s1], [sflag:$0x1], $0x200, s16, s15, $0x38;
	[tilespmem:$0x2E00] =	vst v63  }
0x1b5: {  	_ =	swait.ge [sflag:s2], $0x200  }
0x1b6: {  	[sflag:s2] =	ssyncset.done $0x0  }
0x1b7: {  	[sflag:s2] =	ssyncadd.s32 $0xFFFFFE00  }
0x1b8: {  	_ =	swait.ge [sflag:s2], $0x200  }
0x1b9: {  	[sflag:s2] =	ssyncset.done $0x0  }
0x1ba: {  	[sflag:s2] =	ssyncadd.s32 $0xFFFFFE00  }
0x1bb: {  	_ =	swait.ge [sflag:s2], $0x200  }
0x1bc: {  	[sflag:s2] =	ssyncset.done $0x0  }
0x1bd: {  	[sflag:s2] =	ssyncadd.s32 $0xFFFFFE00  }
0x1be: {  	_ =	swait.ge [sflag:s2], $0x200  }
0x1bf: {  	[sflag:s2] =	ssyncset.done $0x0  }
0x1c0: {  	[sflag:s2] =	ssyncadd.s32 $0xFFFFFE00  }
0x1c1: {  	_ =	swait.ge [sflag:s2], $0x200  }
0x1c2: {  	[sflag:s2] =	ssyncset.done $0x0  }
0x1c3: {  	[sflag:s2] =	ssyncadd.s32 $0xFFFFFE00  }
0x1c4: {  	_ =	swait.ge [sflag:s2], $0x200  }
0x1c5: {  	[sflag:s2] =	ssyncset.done $0x0  }
0x1c6: {  	[sflag:s2] =	ssyncadd.s32 $0xFFFFFE00  }
0x1c7: {  	_ =	swait.ge [sflag:s2], $0x200  }
0x1c8: {  	[sflag:s2] =	ssyncset.done $0x0  }
0x1c9: {  	[sflag:s2] =	ssyncadd.s32 $0xFFFFFE00  }
0x1ca: {  	_ =	swait.ge [sflag:s2], $0x200  }
0x1cb: {  	[sflag:s2] =	ssyncset.done $0x0  }
0x1cc: {  	[sflag:s2] =	ssyncadd.s32 $0xFFFFFE00  }
0x1cd: {  	_ =	swait.ge [sflag:s2], $0x200  }
0x1ce: {  	[sflag:s2] =	ssyncset.done $0x0  }
0x1cf: {  	[sflag:s2] =	ssyncadd.s32 $0xFFFFFE00  }
0x1d0: {  	_ =	swait.ge [sflag:s2], $0x200  }
0x1d1: {  	[sflag:s2] =	ssyncset.done $0x0  }
0x1d2: {  	[sflag:s2] =	ssyncadd.s32 $0xFFFFFE00  }
0x1d3: {  	_ =	swait.ge [sflag:s2], $0x200  }
0x1d4: {  	[sflag:s2] =	ssyncset.done $0x0  }
0x1d5: {  	[sflag:s2] =	ssyncadd.s32 $0xFFFFFE00  }
0x1d6: {  	_ =	swait.ge [sflag:s2], $0x200  }
0x1d7: {  	[sflag:s2] =	ssyncset.done $0x0  }
0x1d8: {  	[sflag:s2] =	ssyncadd.s32 $0xFFFFFE00  }
0x1d9: {  	_ =	swait.ge [sflag:s2], $0x200  }
0x1da: {  	[sflag:s2] =	ssyncset.done $0x0  }
0x1db: {  	[sflag:s2] =	ssyncadd.s32 $0xFFFFFE00  }
0x1dc: {  	_ =	swait.ge [sflag:s2], $0x200  }
0x1dd: {  	[sflag:s2] =	ssyncset.done $0x0  }
0x1de: {  	[sflag:s2] =	ssyncadd.s32 $0xFFFFFE00  }
0x1df: {  	_ =	swait.ge [sflag:s2], $0x200  }
0x1e0: {  	[sflag:s2] =	ssyncset.done $0x0  }
0x1e1: {  	[sflag:s2] =	ssyncadd.s32 $0xFFFFFE00  }
0x1e2: {  	_ =	swait.ge [sflag:s2], $0x200  }
0x1e3: {  	[sflag:s2] =	ssyncset.done $0x0  }
0x1e4: {  	[sflag:s2] =	ssyncadd.s32 $0xFFFFFE00  }
0x1e5: {  	_ =	swait.ge [sflag:s2], $0x200  }
0x1e6: {  	[sflag:s2] =	ssyncset.done $0x0  }
0x1e7: {  	[sflag:s2] =	ssyncadd.s32 $0xFFFFFE00  }
0x1e8: {  	_ =	swait.ge [sflag:s2], $0x200  }
0x1e9: {  	[sflag:s2] =	ssyncset.done $0x0  }
0x1ea: {  	s19 =	sadd.s32 $0x1, s19;
	[sflag:s2] =	ssyncadd.s32 $0xFFFFFE00  }
0x1eb: {  	p0 =	sne.s32 s19, s14;
	_ =	swait.ge [sflag:s2], $0x200  }
.Ltmp1:
0x1ec: {  	[sflag:s2] =	ssyncset.done $0x0;
	(pc) =	sbr.rel @p0 .LBB2_1-.Ltmp1, $4  }
0x1ed: {  	[sflag:s2] =	ssyncadd.s32 $0xFFFFFE00  }
0x1ee: {  	_ =	swait.ge [sflag:s2], $0x200  }
0x1ef: {  	[sflag:s2] =	ssyncset.done $0x0  }
0x1f0: {  	[sflag:s2] =	ssyncadd.s32 $0xFFFFFE00  }
0x1f1: {  	_ =	sfence.sel $0x180000  }
0x1f2: {  	[bflag:$0x0] =	sbarrier.arrive $0xFFFF  }
0x1f3: {  	_ =	strace $0x90000047  }
0x1f4: {  	s0 =	stileid.u32;
	[bflag:$0x2] =	sbarrier.arrive $0xFFFF  }
0x1f5: {  	p0 =	sne.s32 s0, $0x0;
	s0 =	rddreg [dreg:$0x3]  }
0x1f6: {  	s0 =	sadd.s32 @!p0 $0x100000, s0  }
0x1f7: {  	[sflag:s0] =	ssyncadd.tile.s32 @!p0 $0x1;
	_ =	shalt  }
.Lfunc_end2:
_tile_overlayer_lowered:
.L_overlay_start_2:
0x1f8: {  	(tag) =	ssettag $0x2  }
0x1f9: {  	s0 =	rddreg [dreg:$0x0];
	s2 =	stileid.u32  }
0x1fa: {  	s1 =	rddreg [dreg:$0x1];
	p0 =	sne.s32 s2, $0x0  }
0x1fb: {  	s3 =	rddreg [dreg:$0x2];
	[bflag:$0x3] =	sbarrier.arrive $0xFFFF;
	s2 =	simm.s32 @!p0 $0x1C02  }
0x1fc: {  	[timem:s3], [sflag:s2] =	dma.local @!p0 [hbm:s0], s1  }
0x1fd: {  	s0 =	simm.s32 @!p0 $0x2  }
0x1fe: {  	_ =	swait.ge @!p0 [sflag:s0], s1  }
0x1ff: {  	s1 =	ssub.s32 @!p0 $0x0, s1;
	[sflag:s0] =	ssyncset.done @!p0 $0x0  }
0x200: {  	[sflag:s0] =	ssyncadd.s32 @!p0 s1  }
0x201: {  	[bflag:$0x3] =	sbarrier.arrive $0xFFFF  }
0x202: {  	_ =	shalt  }

</sc_bundles>
